<compile_context>
chip_gen: v7x
topology: tpu7x:2x2x1
jax: 0.10.2.dev20260603
libtpu: 0.0.44.dev20260713+nightly
codegen_flags: <defaults>
</compile_context>

<pallas_src>
import functools

import jax
import jax.numpy as jnp
from jax import lax
from jax.experimental import pallas as pl
from jax.experimental.pallas import tpu as pltpu
from jax.experimental.pallas import tpu_sc as plsc

S, B, D, K, V = 50, 1024, 128, 10, 100000
SB = S * B
N = SB * K
NC, NS = 2, 16
NW = NC * NS
PAIRS_PER_W = SB // NW
IDS_PER_W = PAIRS_PER_W * K
NBUF = 4
CP = 16
CK = CP * K
NCHUNK = PAIRS_PER_W // CP
STREAMS = ((0, 128), (128, 32))
LANES = 16
DSUB = D // LANES
BSUB = D // (2 * LANES)
DW = D // 2



def _sc_neg_dots(ids_hbm, ctx_hbm, table_hbm, out_hbm, idx_v, dots_v,
                 rows_v, ctx_v, sg0, sg1, sg2, sg3, sc0, sc1, sc2, sc3):
    wid = lax.axis_index("s") * NC + lax.axis_index("c")
    pair0 = wid * PAIRS_PER_W
    id0 = pair0 * K
    lane_iota = lax.iota(jnp.int32, LANES)
    last_lane = lane_iota == (LANES - 1)
    sgs = (sg0, sg1, sg2, sg3)
    scs = (sc0, sc1, sc2, sc3)

    pltpu.sync_copy(ids_hbm.at[pl.ds(id0, IDS_PER_W)], idx_v)

    def issue(g, buf):
        for (off, n) in STREAMS:
            pltpu.async_copy(
                table_hbm.at[idx_v.at[pl.ds(g * CK + off, n)]],
                rows_v.at[pl.ds(buf * CK + off, n)], sgs[buf])
        pltpu.async_copy(ctx_hbm.at[pl.ds(pair0 + g * CP, CP)],
                         ctx_v.at[pl.ds(buf * CP, CP)], scs[buf])

    def drain(buf):
        for (off, n) in STREAMS:
            pltpu.make_async_copy(table_hbm.at[pl.ds(0, n)],
                                  rows_v.at[pl.ds(buf * CK + off, n)],
                                  sgs[buf]).wait()
        pltpu.make_async_copy(ctx_hbm.at[pl.ds(0, CP)],
                              ctx_v.at[pl.ds(buf * CP, CP)], scs[buf]).wait()

    for b in range(NBUF):
        issue(b, b)

    def body(g, carry):
        par = lax.rem(g, NBUF)

        for b in range(NBUF):
            @pl.when(par == b)
            def _drain(b=b):
                drain(b)

        rbase = par * CK
        cbase = par * CP

        @plsc.parallel_loop(0, CP, 1, unroll=2)
        def pair_body(p):
            c = [ctx_v[cbase + p, pl.ds(j * LANES, LANES)]
                 for j in range(DSUB)]
            for k in range(K):
                t = p * K + k
                pr = [rows_v[rbase + t, pl.ds(j * LANES, LANES)] * c[j]
                      for j in range(DSUB)]
                acc = (((pr[0] + pr[1]) + (pr[2] + pr[3]))
                       + ((pr[4] + pr[5]) + (pr[6] + pr[7])))
                plsc.store_compressed(dots_v.at[pl.ds(g * CK + t, LANES)],
                                      plsc.cumsum(acc), mask=last_lane)

        @pl.when(g < NCHUNK - NBUF)
        def _refill():
            for b in range(NBUF):
                @pl.when(par == b)
                def _r(b=b):
                    issue(g + NBUF, b)

        return carry

    lax.fori_loop(0, NCHUNK, body, 0)
    pltpu.sync_copy(dots_v.at[pl.ds(0, IDS_PER_W)],
                    out_hbm.at[pl.ds(id0, IDS_PER_W)])


@functools.cache
def _make_neg_dots():
    return functools.partial(
        pl.kernel,
        mesh=plsc.VectorSubcoreMesh(core_axis_name="c", subcore_axis_name="s"),
        out_type=jax.ShapeDtypeStruct((N,), jnp.float32),
        compiler_params=pltpu.CompilerParams(needs_layout_passes=False),
        scratch_types=[
            pltpu.VMEM((IDS_PER_W,), jnp.int32),
            pltpu.VMEM((IDS_PER_W + LANES,), jnp.float32),
            pltpu.VMEM((NBUF * CK, D), jnp.float32),
            pltpu.VMEM((NBUF * CP, D), jnp.float32),
            pltpu.SemaphoreType.DMA,
            pltpu.SemaphoreType.DMA,
            pltpu.SemaphoreType.DMA,
            pltpu.SemaphoreType.DMA,
            pltpu.SemaphoreType.DMA,
            pltpu.SemaphoreType.DMA,
            pltpu.SemaphoreType.DMA,
            pltpu.SemaphoreType.DMA,
        ],
    )(_sc_neg_dots)


def _pos_body(pos_ref, ctx_ref, out_ref):
    i = pl.program_id(0)

    @pl.when(i == 0)
    def _init():
        out_ref[0, 0] = 0.0

    pos_logits = jnp.sum(pos_ref[0] * ctx_ref[0], axis=-1)
    out_ref[0, 0] += jnp.sum(jax.nn.log_sigmoid(pos_logits))


def _neg_body(dots_ref, out_ref):
    out_ref[0, 0] = jnp.sum(jax.nn.log_sigmoid(-dots_ref[...]))


def kernel(positive_sample, context_tensor, emb_table, negative_sample_ids):
    ids32 = negative_sample_ids.astype(jnp.int32).reshape(N)
    ctx2d = context_tensor.reshape(SB, D)

    pos_part = pl.pallas_call(
        _pos_body,
        grid=(S,),
        in_specs=[
            pl.BlockSpec((1, B, D), lambda i: (i, 0, 0)),
            pl.BlockSpec((1, B, D), lambda i: (i, 0, 0)),
        ],
        out_specs=pl.BlockSpec((1, 1), lambda i: (0, 0),
                               memory_space=pltpu.SMEM),
        out_shape=jax.ShapeDtypeStruct((1, 1), jnp.float32),
    )(positive_sample, context_tensor)

    dots = _make_neg_dots()(ids32, ctx2d, emb_table)

    neg_part = pl.pallas_call(
        _neg_body,
        out_specs=pl.BlockSpec(memory_space=pltpu.SMEM),
        out_shape=jax.ShapeDtypeStruct((1, 1), jnp.float32),
    )(dots)

    return -(pos_part[0, 0] + neg_part[0, 0])

# --- scband reference (transcript-rebuilt; emitter-appended) ---
"""Pipeline reference for scband-negative-sampling-51539608412 (READ-ONLY COPY).

The authoritative reference and input builder live on the scoring server;
editing this copy changes nothing except your own understanding.
"""

import jax, jax.numpy as jnp
import numpy as np

S, B, D, K, V = 50, 1024, 128, 10, 100000

def setup_inputs(seed: int = 0) -> dict:
    key = jax.random.key(seed)
    k1, k2, k3, k4 = jax.random.split(key, 4)
    positive_sample = jax.random.normal(k1, (S, B, D), dtype=jnp.float32)
    context_tensor = jax.random.normal(k2, (S, B, D), dtype=jnp.float32)
    emb_table = jax.random.normal(k3, (V, D), dtype=jnp.float32) * 0.02
    negative_sample_ids = jax.random.randint(k4, (S, B, K), 0, V, dtype=jnp.int32).astype(jnp.int64)
    return {
        'positive_sample': positive_sample,
        'context_tensor': context_tensor,
        'emb_table': emb_table,
        'negative_sample_ids': negative_sample_ids,
    }

def reference(positive_sample, context_tensor, emb_table, negative_sample_ids):
    # negative_sample_ids stands in for self.sampler(size=(S,B,K)) -- the unigram^alpha
    # sampler draws ids over the vocab; here the draw is materialized as an input for
    # determinism. All downstream math is faithful to the torch module.
    negative_samples = jnp.take(emb_table, negative_sample_ids, axis=0)  # (S, B, K, D)
    positive_logits = jnp.sum(positive_sample * context_tensor, axis=-1)  # (S, B)
    positive_samples_loss = jax.nn.log_sigmoid(positive_logits)
    logits = jnp.sum(-negative_samples * context_tensor[:, :, None, :], axis=-1)  # (S, B, K)
    negative_samples_loss = jnp.sum(jax.nn.log_sigmoid(logits), axis=-1)  # (S, B)
    loss = -jnp.sum(positive_samples_loss + negative_samples_loss)
    return loss

if __name__ == "__main__":
    import jax
    _d = setup_inputs()
    print(jax.jit(kernel)(*tuple(_d.values())))

</pallas_src>

<mosaic_0001>
#map = affine_map<(d0, d1) -> (0)>
#map1 = affine_map<(d0, d1) -> (0, 0)>
module attributes {stable_mosaic.version = 14 : i64} {
  func.func @_sc_neg_dots(%arg0: i32, %arg1: i32, %arg2: memref<512000xi32, #tpu.memory_space<hbm>>, %arg3: memref<51200x128xf32, #tpu.memory_space<hbm>>, %arg4: memref<100000x128xf32, #tpu.memory_space<hbm>>, %arg5: memref<512000xf32, #tpu.memory_space<hbm>>, %arg6: memref<16000xi32, #tpu.memory_space<vmem>>, %arg7: memref<16016xf32, #tpu.memory_space<vmem>>, %arg8: memref<640x128xf32, #tpu.memory_space<vmem>>, %arg9: memref<64x128xf32, #tpu.memory_space<vmem>>, %arg10: memref<!tpu.dma_semaphore, #tpu.memory_space<semaphore_mem>>, %arg11: memref<!tpu.dma_semaphore, #tpu.memory_space<semaphore_mem>>, %arg12: memref<!tpu.dma_semaphore, #tpu.memory_space<semaphore_mem>>, %arg13: memref<!tpu.dma_semaphore, #tpu.memory_space<semaphore_mem>>, %arg14: memref<!tpu.dma_semaphore, #tpu.memory_space<semaphore_mem>>, %arg15: memref<!tpu.dma_semaphore, #tpu.memory_space<semaphore_mem>>, %arg16: memref<!tpu.dma_semaphore, #tpu.memory_space<semaphore_mem>>, %arg17: memref<!tpu.dma_semaphore, #tpu.memory_space<semaphore_mem>>) attributes {dimension_semantics = [#tpu.dimension_semantics<core_parallel>, #tpu.dimension_semantics<subcore_parallel>], iteration_bounds = array<i64: 2, 16>, scalar_prefetch = 0 : i64, scratch_operands = 12 : i64, tpu.core_type = #tpu.core_type<sc_vector_subcore>, window_params = [{transform_indices = #map}, {transform_indices = #map1}, {transform_indices = #map1}, {transform_indices = #map}]} {
    %mul3A = arith.constant 2 : i32
    %mul3A_0 = arith.muli %arg1, %mul3A : i32
    %add3A = arith.addi %mul3A_0, %arg0 : i32
    %mul3A_1 = arith.constant 1600 : i32
    %mul3A_2 = arith.muli %add3A, %mul3A_1 : i32
    %mul3A_3 = arith.constant 10 : i32
    %mul3A_4 = arith.muli %mul3A_2, %mul3A_3 : i32
    %iota3A = tpu.iota {dimensions = array<i32: 0>} : vector<16xi32>
    %eq3A = arith.constant 15 : i32
    %eq3A_5 = vector.broadcast %eq3A : i32 to vector<16xi32>
    %eq3A_6 = arith.cmpi eq, %iota3A, %eq3A_5 : vector<16xi32>
    "tpu.region"() ({
      %run_scoped3A = tpu.sem_alloc : memref<!tpu.dma_semaphore, #tpu.memory_space<semaphore_mem>>
      %dma_start3A_123 = tpu.memref_slice %arg2[%mul3A_4] : memref<512000xi32, #tpu.memory_space<hbm>> -> memref<16000xi32, #tpu.memory_space<hbm>>
      %dma_start3A_124 = tpu.memref_slice %arg2[%mul3A_4] : memref<512000xi32, #tpu.memory_space<hbm>> -> memref<16000xi32, #tpu.memory_space<hbm>>
      tpu.enqueue_dma source(%dma_start3A_124 : memref<16000xi32, #tpu.memory_space<hbm>>) target(%arg6 : memref<16000xi32, #tpu.memory_space<vmem>>) target_semaphore(%run_scoped3A : memref<!tpu.dma_semaphore, #tpu.memory_space<semaphore_mem>>)
      %dma_wait3A = tpu.memref_slice %arg2[%mul3A_4] : memref<512000xi32, #tpu.memory_space<hbm>> -> memref<16000xi32, #tpu.memory_space<hbm>>
      %dma_wait3A_125 = tpu.memref_slice %arg2[%mul3A_4] : memref<512000xi32, #tpu.memory_space<hbm>> -> memref<16000xi32, #tpu.memory_space<hbm>>
      tpu.wait_dma2 semaphore(%run_scoped3A : memref<!tpu.dma_semaphore, #tpu.memory_space<semaphore_mem>>) src(%dma_wait3A_125 : memref<16000xi32, #tpu.memory_space<hbm>>) dst(%arg6 : memref<16000xi32, #tpu.memory_space<vmem>>)
      tpu.yield
    }) : () -> ()
    %dma_start3A = arith.constant 0 : i32
    %dma_start3A_7 = arith.constant 0 : i32
    %dma_start3A_8 = tpu.memref_slice %arg8[%dma_start3A, %dma_start3A_7] : memref<640x128xf32, #tpu.memory_space<vmem>> -> memref<128x128xf32, #tpu.memory_space<vmem>>
    %dma_start3A_9 = arith.constant 0 : i32
    %dma_start3A_10 = tpu.memref_slice %arg6[%dma_start3A_9] : memref<16000xi32, #tpu.memory_space<vmem>> -> memref<128xi32, #tpu.memory_space<vmem>>
    %dma_start3A_11 = arith.constant 0 : i32
    %dma_start3A_12 = arith.constant 0 : i32
    %dma_start3A_13 = tpu.memref_slice %arg4[%dma_start3A_11, %dma_start3A_12] : memref<100000x128xf32, #tpu.memory_space<hbm>> -> memref<100000x128xf32, #tpu.memory_space<hbm>>
    tpu.enqueue_indirect_dma source(%dma_start3A_13 : memref<100000x128xf32, #tpu.memory_space<hbm>>) target(%dma_start3A_8 : memref<128x128xf32, #tpu.memory_space<vmem>>) offsets(%dma_start3A_10 : memref<128xi32, #tpu.memory_space<vmem>>) semaphore(%arg10 : memref<!tpu.dma_semaphore, #tpu.memory_space<semaphore_mem>>)
    %dma_start3A_14 = arith.constant 128 : i32
    %dma_start3A_15 = arith.constant 0 : i32
    %dma_start3A_16 = tpu.memref_slice %arg8[%dma_start3A_14, %dma_start3A_15] : memref<640x128xf32, #tpu.memory_space<vmem>> -> memref<32x128xf32, #tpu.memory_space<vmem>>
    %dma_start3A_17 = arith.constant 128 : i32
    %dma_start3A_18 = tpu.memref_slice %arg6[%dma_start3A_17] : memref<16000xi32, #tpu.memory_space<vmem>> -> memref<32xi32, #tpu.memory_space<vmem>>
    %dma_start3A_19 = arith.constant 0 : i32
    %dma_start3A_20 = arith.constant 0 : i32
    %dma_start3A_21 = tpu.memref_slice %arg4[%dma_start3A_19, %dma_start3A_20] : memref<100000x128xf32, #tpu.memory_space<hbm>> -> memref<100000x128xf32, #tpu.memory_space<hbm>>
    tpu.enqueue_indirect_dma source(%dma_start3A_21 : memref<100000x128xf32, #tpu.memory_space<hbm>>) target(%dma_start3A_16 : memref<32x128xf32, #tpu.memory_space<vmem>>) offsets(%dma_start3A_18 : memref<32xi32, #tpu.memory_space<vmem>>) semaphore(%arg10 : memref<!tpu.dma_semaphore, #tpu.memory_space<semaphore_mem>>)
    %add3A_22 = arith.constant 0 : i32
    %add3A_23 = arith.addi %mul3A_2, %add3A_22 : i32
    %dma_start3A_24 = arith.constant 0 : i32
    %dma_start3A_25 = arith.constant 0 : i32
    %dma_start3A_26 = tpu.memref_slice %arg9[%dma_start3A_24, %dma_start3A_25] : memref<64x128xf32, #tpu.memory_space<vmem>> -> memref<16x128xf32, #tpu.memory_space<vmem>>
    %dma_start3A_27 = arith.constant 0 : i32
    %dma_start3A_28 = tpu.memref_slice %arg3[%add3A_23, %dma_start3A_27] : memref<51200x128xf32, #tpu.memory_space<hbm>> -> memref<16x128xf32, #tpu.memory_space<hbm>>
    %dma_start3A_29 = arith.constant 0 : i32
    %dma_start3A_30 = arith.constant 0 : i32
    %dma_start3A_31 = tpu.memref_slice %arg9[%dma_start3A_29, %dma_start3A_30] : memref<64x128xf32, #tpu.memory_space<vmem>> -> memref<16x128xf32, #tpu.memory_space<vmem>>
    %dma_start3A_32 = arith.constant 0 : i32
    %dma_start3A_33 = tpu.memref_slice %arg3[%add3A_23, %dma_start3A_32] : memref<51200x128xf32, #tpu.memory_space<hbm>> -> memref<16x128xf32, #tpu.memory_space<hbm>>
    tpu.enqueue_dma source(%dma_start3A_33 : memref<16x128xf32, #tpu.memory_space<hbm>>) target(%dma_start3A_31 : memref<16x128xf32, #tpu.memory_space<vmem>>) target_semaphore(%arg14 : memref<!tpu.dma_semaphore, #tpu.memory_space<semaphore_mem>>)
    %dma_start3A_34 = arith.constant 160 : i32
    %dma_start3A_35 = arith.constant 0 : i32
    %dma_start3A_36 = tpu.memref_slice %arg8[%dma_start3A_34, %dma_start3A_35] : memref<640x128xf32, #tpu.memory_space<vmem>> -> memref<128x128xf32, #tpu.memory_space<vmem>>
    %dma_start3A_37 = arith.constant 160 : i32
    %dma_start3A_38 = tpu.memref_slice %arg6[%dma_start3A_37] : memref<16000xi32, #tpu.memory_space<vmem>> -> memref<128xi32, #tpu.memory_space<vmem>>
    %dma_start3A_39 = arith.constant 0 : i32
    %dma_start3A_40 = arith.constant 0 : i32
    %dma_start3A_41 = tpu.memref_slice %arg4[%dma_start3A_39, %dma_start3A_40] : memref<100000x128xf32, #tpu.memory_space<hbm>> -> memref<100000x128xf32, #tpu.memory_space<hbm>>
    tpu.enqueue_indirect_dma source(%dma_start3A_41 : memref<100000x128xf32, #tpu.memory_space<hbm>>) target(%dma_start3A_36 : memref<128x128xf32, #tpu.memory_space<vmem>>) offsets(%dma_start3A_38 : memref<128xi32, #tpu.memory_space<vmem>>) semaphore(%arg11 : memref<!tpu.dma_semaphore, #tpu.memory_space<semaphore_mem>>)
    %dma_start3A_42 = arith.constant 288 : i32
    %dma_start3A_43 = arith.constant 0 : i32
    %dma_start3A_44 = tpu.memref_slice %arg8[%dma_start3A_42, %dma_start3A_43] : memref<640x128xf32, #tpu.memory_space<vmem>> -> memref<32x128xf32, #tpu.memory_space<vmem>>
    %dma_start3A_45 = arith.constant 288 : i32
    %dma_start3A_46 = tpu.memref_slice %arg6[%dma_start3A_45] : memref<16000xi32, #tpu.memory_space<vmem>> -> memref<32xi32, #tpu.memory_space<vmem>>
    %dma_start3A_47 = arith.constant 0 : i32
    %dma_start3A_48 = arith.constant 0 : i32
    %dma_start3A_49 = tpu.memref_slice %arg4[%dma_start3A_47, %dma_start3A_48] : memref<100000x128xf32, #tpu.memory_space<hbm>> -> memref<100000x128xf32, #tpu.memory_space<hbm>>
    tpu.enqueue_indirect_dma source(%dma_start3A_49 : memref<100000x128xf32, #tpu.memory_space<hbm>>) target(%dma_start3A_44 : memref<32x128xf32, #tpu.memory_space<vmem>>) offsets(%dma_start3A_46 : memref<32xi32, #tpu.memory_space<vmem>>) semaphore(%arg11 : memref<!tpu.dma_semaphore, #tpu.memory_space<semaphore_mem>>)
    %add3A_50 = arith.constant 16 : i32
    %add3A_51 = arith.addi %mul3A_2, %add3A_50 : i32
    %dma_start3A_52 = arith.constant 16 : i32
    %dma_start3A_53 = arith.constant 0 : i32
    %dma_start3A_54 = tpu.memref_slice %arg9[%dma_start3A_52, %dma_start3A_53] : memref<64x128xf32, #tpu.memory_space<vmem>> -> memref<16x128xf32, #tpu.memory_space<vmem>>
    %dma_start3A_55 = arith.constant 0 : i32
    %dma_start3A_56 = tpu.memref_slice %arg3[%add3A_51, %dma_start3A_55] : memref<51200x128xf32, #tpu.memory_space<hbm>> -> memref<16x128xf32, #tpu.memory_space<hbm>>
    %dma_start3A_57 = arith.constant 16 : i32
    %dma_start3A_58 = arith.constant 0 : i32
    %dma_start3A_59 = tpu.memref_slice %arg9[%dma_start3A_57, %dma_start3A_58] : memref<64x128xf32, #tpu.memory_space<vmem>> -> memref<16x128xf32, #tpu.memory_space<vmem>>
    %dma_start3A_60 = arith.constant 0 : i32
    %dma_start3A_61 = tpu.memref_slice %arg3[%add3A_51, %dma_start3A_60] : memref<51200x128xf32, #tpu.memory_space<hbm>> -> memref<16x128xf32, #tpu.memory_space<hbm>>
    tpu.enqueue_dma source(%dma_start3A_61 : memref<16x128xf32, #tpu.memory_space<hbm>>) target(%dma_start3A_59 : memref<16x128xf32, #tpu.memory_space<vmem>>) target_semaphore(%arg15 : memref<!tpu.dma_semaphore, #tpu.memory_space<semaphore_mem>>)
    %dma_start3A_62 = arith.constant 320 : i32
    %dma_start3A_63 = arith.constant 0 : i32
    %dma_start3A_64 = tpu.memref_slice %arg8[%dma_start3A_62, %dma_start3A_63] : memref<640x128xf32, #tpu.memory_space<vmem>> -> memref<128x128xf32, #tpu.memory_space<vmem>>
    %dma_start3A_65 = arith.constant 320 : i32
    %dma_start3A_66 = tpu.memref_slice %arg6[%dma_start3A_65] : memref<16000xi32, #tpu.memory_space<vmem>> -> memref<128xi32, #tpu.memory_space<vmem>>
    %dma_start3A_67 = arith.constant 0 : i32
    %dma_start3A_68 = arith.constant 0 : i32
    %dma_start3A_69 = tpu.memref_slice %arg4[%dma_start3A_67, %dma_start3A_68] : memref<100000x128xf32, #tpu.memory_space<hbm>> -> memref<100000x128xf32, #tpu.memory_space<hbm>>
    tpu.enqueue_indirect_dma source(%dma_start3A_69 : memref<100000x128xf32, #tpu.memory_space<hbm>>) target(%dma_start3A_64 : memref<128x128xf32, #tpu.memory_space<vmem>>) offsets(%dma_start3A_66 : memref<128xi32, #tpu.memory_space<vmem>>) semaphore(%arg12 : memref<!tpu.dma_semaphore, #tpu.memory_space<semaphore_mem>>)
    %dma_start3A_70 = arith.constant 448 : i32
    %dma_start3A_71 = arith.constant 0 : i32
    %dma_start3A_72 = tpu.memref_slice %arg8[%dma_start3A_70, %dma_start3A_71] : memref<640x128xf32, #tpu.memory_space<vmem>> -> memref<32x128xf32, #tpu.memory_space<vmem>>
    %dma_start3A_73 = arith.constant 448 : i32
    %dma_start3A_74 = tpu.memref_slice %arg6[%dma_start3A_73] : memref<16000xi32, #tpu.memory_space<vmem>> -> memref<32xi32, #tpu.memory_space<vmem>>
    %dma_start3A_75 = arith.constant 0 : i32
    %dma_start3A_76 = arith.constant 0 : i32
    %dma_start3A_77 = tpu.memref_slice %arg4[%dma_start3A_75, %dma_start3A_76] : memref<100000x128xf32, #tpu.memory_space<hbm>> -> memref<100000x128xf32, #tpu.memory_space<hbm>>
    tpu.enqueue_indirect_dma source(%dma_start3A_77 : memref<100000x128xf32, #tpu.memory_space<hbm>>) target(%dma_start3A_72 : memref<32x128xf32, #tpu.memory_space<vmem>>) offsets(%dma_start3A_74 : memref<32xi32, #tpu.memory_space<vmem>>) semaphore(%arg12 : memref<!tpu.dma_semaphore, #tpu.memory_space<semaphore_mem>>)
    %add3A_78 = arith.constant 32 : i32
    %add3A_79 = arith.addi %mul3A_2, %add3A_78 : i32
    %dma_start3A_80 = arith.constant 32 : i32
    %dma_start3A_81 = arith.constant 0 : i32
    %dma_start3A_82 = tpu.memref_slice %arg9[%dma_start3A_80, %dma_start3A_81] : memref<64x128xf32, #tpu.memory_space<vmem>> -> memref<16x128xf32, #tpu.memory_space<vmem>>
    %dma_start3A_83 = arith.constant 0 : i32
    %dma_start3A_84 = tpu.memref_slice %arg3[%add3A_79, %dma_start3A_83] : memref<51200x128xf32, #tpu.memory_space<hbm>> -> memref<16x128xf32, #tpu.memory_space<hbm>>
    %dma_start3A_85 = arith.constant 32 : i32
    %dma_start3A_86 = arith.constant 0 : i32
    %dma_start3A_87 = tpu.memref_slice %arg9[%dma_start3A_85, %dma_start3A_86] : memref<64x128xf32, #tpu.memory_space<vmem>> -> memref<16x128xf32, #tpu.memory_space<vmem>>
    %dma_start3A_88 = arith.constant 0 : i32
    %dma_start3A_89 = tpu.memref_slice %arg3[%add3A_79, %dma_start3A_88] : memref<51200x128xf32, #tpu.memory_space<hbm>> -> memref<16x128xf32, #tpu.memory_space<hbm>>
    tpu.enqueue_dma source(%dma_start3A_89 : memref<16x128xf32, #tpu.memory_space<hbm>>) target(%dma_start3A_87 : memref<16x128xf32, #tpu.memory_space<vmem>>) target_semaphore(%arg16 : memref<!tpu.dma_semaphore, #tpu.memory_space<semaphore_mem>>)
    %dma_start3A_90 = arith.constant 480 : i32
    %dma_start3A_91 = arith.constant 0 : i32
    %dma_start3A_92 = tpu.memref_slice %arg8[%dma_start3A_90, %dma_start3A_91] : memref<640x128xf32, #tpu.memory_space<vmem>> -> memref<128x128xf32, #tpu.memory_space<vmem>>
    %dma_start3A_93 = arith.constant 480 : i32
    %dma_start3A_94 = tpu.memref_slice %arg6[%dma_start3A_93] : memref<16000xi32, #tpu.memory_space<vmem>> -> memref<128xi32, #tpu.memory_space<vmem>>
    %dma_start3A_95 = arith.constant 0 : i32
    %dma_start3A_96 = arith.constant 0 : i32
    %dma_start3A_97 = tpu.memref_slice %arg4[%dma_start3A_95, %dma_start3A_96] : memref<100000x128xf32, #tpu.memory_space<hbm>> -> memref<100000x128xf32, #tpu.memory_space<hbm>>
    tpu.enqueue_indirect_dma source(%dma_start3A_97 : memref<100000x128xf32, #tpu.memory_space<hbm>>) target(%dma_start3A_92 : memref<128x128xf32, #tpu.memory_space<vmem>>) offsets(%dma_start3A_94 : memref<128xi32, #tpu.memory_space<vmem>>) semaphore(%arg13 : memref<!tpu.dma_semaphore, #tpu.memory_space<semaphore_mem>>)
    %dma_start3A_98 = arith.constant 608 : i32
    %dma_start3A_99 = arith.constant 0 : i32
    %dma_start3A_100 = tpu.memref_slice %arg8[%dma_start3A_98, %dma_start3A_99] : memref<640x128xf32, #tpu.memory_space<vmem>> -> memref<32x128xf32, #tpu.memory_space<vmem>>
    %dma_start3A_101 = arith.constant 608 : i32
    %dma_start3A_102 = tpu.memref_slice %arg6[%dma_start3A_101] : memref<16000xi32, #tpu.memory_space<vmem>> -> memref<32xi32, #tpu.memory_space<vmem>>
    %dma_start3A_103 = arith.constant 0 : i32
    %dma_start3A_104 = arith.constant 0 : i32
    %dma_start3A_105 = tpu.memref_slice %arg4[%dma_start3A_103, %dma_start3A_104] : memref<100000x128xf32, #tpu.memory_space<hbm>> -> memref<100000x128xf32, #tpu.memory_space<hbm>>
    tpu.enqueue_indirect_dma source(%dma_start3A_105 : memref<100000x128xf32, #tpu.memory_space<hbm>>) target(%dma_start3A_100 : memref<32x128xf32, #tpu.memory_space<vmem>>) offsets(%dma_start3A_102 : memref<32xi32, #tpu.memory_space<vmem>>) semaphore(%arg13 : memref<!tpu.dma_semaphore, #tpu.memory_space<semaphore_mem>>)
    %add3A_106 = arith.constant 48 : i32
    %add3A_107 = arith.addi %mul3A_2, %add3A_106 : i32
    %dma_start3A_108 = arith.constant 48 : i32
    %dma_start3A_109 = arith.constant 0 : i32
    %dma_start3A_110 = tpu.memref_slice %arg9[%dma_start3A_108, %dma_start3A_109] : memref<64x128xf32, #tpu.memory_space<vmem>> -> memref<16x128xf32, #tpu.memory_space<vmem>>
    %dma_start3A_111 = arith.constant 0 : i32
    %dma_start3A_112 = tpu.memref_slice %arg3[%add3A_107, %dma_start3A_111] : memref<51200x128xf32, #tpu.memory_space<hbm>> -> memref<16x128xf32, #tpu.memory_space<hbm>>
    %dma_start3A_113 = arith.constant 48 : i32
    %dma_start3A_114 = arith.constant 0 : i32
    %dma_start3A_115 = tpu.memref_slice %arg9[%dma_start3A_113, %dma_start3A_114] : memref<64x128xf32, #tpu.memory_space<vmem>> -> memref<16x128xf32, #tpu.memory_space<vmem>>
    %dma_start3A_116 = arith.constant 0 : i32
    %dma_start3A_117 = tpu.memref_slice %arg3[%add3A_107, %dma_start3A_116] : memref<51200x128xf32, #tpu.memory_space<hbm>> -> memref<16x128xf32, #tpu.memory_space<hbm>>
    tpu.enqueue_dma source(%dma_start3A_117 : memref<16x128xf32, #tpu.memory_space<hbm>>) target(%dma_start3A_115 : memref<16x128xf32, #tpu.memory_space<vmem>>) target_semaphore(%arg17 : memref<!tpu.dma_semaphore, #tpu.memory_space<semaphore_mem>>)
    %scan3A = arith.constant 0 : i32
    %scan3A_118 = arith.constant 0 : i32
    %scan3A_119 = arith.constant 100 : i32
    %scan3A_120 = arith.addi %scan3A_118, %scan3A_119 : i32
    %scan3A_121 = arith.constant 1 : i32
    scf.for %scan3A_123 = %scan3A_118 to %scan3A_120 step %scan3A_121  : i32 {
      %rem3A = arith.constant 4 : i32
      %rem3A_124 = arith.remsi %scan3A_123, %rem3A : i32
      %eq3A_125 = arith.constant 0 : i32
      %eq3A_126 = arith.cmpi eq, %rem3A_124, %eq3A_125 : i32
      %convert_element_type3A = arith.extui %eq3A_126 : i1 to i32
      %cond3A = arith.constant 0 : i32
      %cond3A_127 = arith.cmpi ne, %convert_element_type3A, %cond3A : i32
      scf.if %cond3A_127 {
        %dma_wait3A = arith.constant 0 : i32
        %dma_wait3A_153 = arith.constant 0 : i32
        %dma_wait3A_154 = tpu.memref_slice %arg8[%dma_wait3A, %dma_wait3A_153] : memref<640x128xf32, #tpu.memory_space<vmem>> -> memref<128x128xf32, #tpu.memory_space<vmem>>
        %dma_wait3A_155 = arith.constant 0 : i32
        %dma_wait3A_156 = arith.constant 0 : i32
        %dma_wait3A_157 = tpu.memref_slice %arg4[%dma_wait3A_155, %dma_wait3A_156] : memref<100000x128xf32, #tpu.memory_space<hbm>> -> memref<128x128xf32, #tpu.memory_space<hbm>>
        %dma_wait3A_158 = arith.constant 0 : i32
        %dma_wait3A_159 = arith.constant 0 : i32
        %dma_wait3A_160 = tpu.memref_slice %arg8[%dma_wait3A_158, %dma_wait3A_159] : memref<640x128xf32, #tpu.memory_space<vmem>> -> memref<128x128xf32, #tpu.memory_space<vmem>>
        %dma_wait3A_161 = arith.constant 0 : i32
        %dma_wait3A_162 = arith.constant 0 : i32
        %dma_wait3A_163 = tpu.memref_slice %arg4[%dma_wait3A_161, %dma_wait3A_162] : memref<100000x128xf32, #tpu.memory_space<hbm>> -> memref<128x128xf32, #tpu.memory_space<hbm>>
        tpu.wait_dma2 semaphore(%arg10 : memref<!tpu.dma_semaphore, #tpu.memory_space<semaphore_mem>>) src(%dma_wait3A_163 : memref<128x128xf32, #tpu.memory_space<hbm>>) dst(%dma_wait3A_160 : memref<128x128xf32, #tpu.memory_space<vmem>>)
        %dma_wait3A_164 = arith.constant 128 : i32
        %dma_wait3A_165 = arith.constant 0 : i32
        %dma_wait3A_166 = tpu.memref_slice %arg8[%dma_wait3A_164, %dma_wait3A_165] : memref<640x128xf32, #tpu.memory_space<vmem>> -> memref<32x128xf32, #tpu.memory_space<vmem>>
        %dma_wait3A_167 = arith.constant 0 : i32
        %dma_wait3A_168 = arith.constant 0 : i32
        %dma_wait3A_169 = tpu.memref_slice %arg4[%dma_wait3A_167, %dma_wait3A_168] : memref<100000x128xf32, #tpu.memory_space<hbm>> -> memref<32x128xf32, #tpu.memory_space<hbm>>
        %dma_wait3A_170 = arith.constant 128 : i32
        %dma_wait3A_171 = arith.constant 0 : i32
        %dma_wait3A_172 = tpu.memref_slice %arg8[%dma_wait3A_170, %dma_wait3A_171] : memref<640x128xf32, #tpu.memory_space<vmem>> -> memref<32x128xf32, #tpu.memory_space<vmem>>
        %dma_wait3A_173 = arith.constant 0 : i32
        %dma_wait3A_174 = arith.constant 0 : i32
        %dma_wait3A_175 = tpu.memref_slice %arg4[%dma_wait3A_173, %dma_wait3A_174] : memref<100000x128xf32, #tpu.memory_space<hbm>> -> memref<32x128xf32, #tpu.memory_space<hbm>>
        tpu.wait_dma2 semaphore(%arg10 : memref<!tpu.dma_semaphore, #tpu.memory_space<semaphore_mem>>) src(%dma_wait3A_175 : memref<32x128xf32, #tpu.memory_space<hbm>>) dst(%dma_wait3A_172 : memref<32x128xf32, #tpu.memory_space<vmem>>)
        %dma_wait3A_176 = arith.constant 0 : i32
        %dma_wait3A_177 = arith.constant 0 : i32
        %dma_wait3A_178 = tpu.memref_slice %arg9[%dma_wait3A_176, %dma_wait3A_177] : memref<64x128xf32, #tpu.memory_space<vmem>> -> memref<16x128xf32, #tpu.memory_space<vmem>>
        %dma_wait3A_179 = arith.constant 0 : i32
        %dma_wait3A_180 = arith.constant 0 : i32
        %dma_wait3A_181 = tpu.memref_slice %arg3[%dma_wait3A_179, %dma_wait3A_180] : memref<51200x128xf32, #tpu.memory_space<hbm>> -> memref<16x128xf32, #tpu.memory_space<hbm>>
        %dma_wait3A_182 = arith.constant 0 : i32
        %dma_wait3A_183 = arith.constant 0 : i32
        %dma_wait3A_184 = tpu.memref_slice %arg9[%dma_wait3A_182, %dma_wait3A_183] : memref<64x128xf32, #tpu.memory_space<vmem>> -> memref<16x128xf32, #tpu.memory_space<vmem>>
        %dma_wait3A_185 = arith.constant 0 : i32
        %dma_wait3A_186 = arith.constant 0 : i32
        %dma_wait3A_187 = tpu.memref_slice %arg3[%dma_wait3A_185, %dma_wait3A_186] : memref<51200x128xf32, #tpu.memory_space<hbm>> -> memref<16x128xf32, #tpu.memory_space<hbm>>
        tpu.wait_dma2 semaphore(%arg14 : memref<!tpu.dma_semaphore, #tpu.memory_space<semaphore_mem>>) src(%dma_wait3A_187 : memref<16x128xf32, #tpu.memory_space<hbm>>) dst(%dma_wait3A_184 : memref<16x128xf32, #tpu.memory_space<vmem>>)
      } else {
      }
      %eq3A_128 = arith.constant 1 : i32
      %eq3A_129 = arith.cmpi eq, %rem3A_124, %eq3A_128 : i32
      %convert_element_type3A_130 = arith.extui %eq3A_129 : i1 to i32
      %cond3A_131 = arith.constant 0 : i32
      %cond3A_132 = arith.cmpi ne, %convert_element_type3A_130, %cond3A_131 : i32
      scf.if %cond3A_132 {
        %dma_wait3A = arith.constant 160 : i32
        %dma_wait3A_153 = arith.constant 0 : i32
        %dma_wait3A_154 = tpu.memref_slice %arg8[%dma_wait3A, %dma_wait3A_153] : memref<640x128xf32, #tpu.memory_space<vmem>> -> memref<128x128xf32, #tpu.memory_space<vmem>>
        %dma_wait3A_155 = arith.constant 0 : i32
        %dma_wait3A_156 = arith.constant 0 : i32
        %dma_wait3A_157 = tpu.memref_slice %arg4[%dma_wait3A_155, %dma_wait3A_156] : memref<100000x128xf32, #tpu.memory_space<hbm>> -> memref<128x128xf32, #tpu.memory_space<hbm>>
        %dma_wait3A_158 = arith.constant 160 : i32
        %dma_wait3A_159 = arith.constant 0 : i32
        %dma_wait3A_160 = tpu.memref_slice %arg8[%dma_wait3A_158, %dma_wait3A_159] : memref<640x128xf32, #tpu.memory_space<vmem>> -> memref<128x128xf32, #tpu.memory_space<vmem>>
        %dma_wait3A_161 = arith.constant 0 : i32
        %dma_wait3A_162 = arith.constant 0 : i32
        %dma_wait3A_163 = tpu.memref_slice %arg4[%dma_wait3A_161, %dma_wait3A_162] : memref<100000x128xf32, #tpu.memory_space<hbm>> -> memref<128x128xf32, #tpu.memory_space<hbm>>
        tpu.wait_dma2 semaphore(%arg11 : memref<!tpu.dma_semaphore, #tpu.memory_space<semaphore_mem>>) src(%dma_wait3A_163 : memref<128x128xf32, #tpu.memory_space<hbm>>) dst(%dma_wait3A_160 : memref<128x128xf32, #tpu.memory_space<vmem>>)
        %dma_wait3A_164 = arith.constant 288 : i32
        %dma_wait3A_165 = arith.constant 0 : i32
        %dma_wait3A_166 = tpu.memref_slice %arg8[%dma_wait3A_164, %dma_wait3A_165] : memref<640x128xf32, #tpu.memory_space<vmem>> -> memref<32x128xf32, #tpu.memory_space<vmem>>
        %dma_wait3A_167 = arith.constant 0 : i32
        %dma_wait3A_168 = arith.constant 0 : i32
        %dma_wait3A_169 = tpu.memref_slice %arg4[%dma_wait3A_167, %dma_wait3A_168] : memref<100000x128xf32, #tpu.memory_space<hbm>> -> memref<32x128xf32, #tpu.memory_space<hbm>>
        %dma_wait3A_170 = arith.constant 288 : i32
        %dma_wait3A_171 = arith.constant 0 : i32
        %dma_wait3A_172 = tpu.memref_slice %arg8[%dma_wait3A_170, %dma_wait3A_171] : memref<640x128xf32, #tpu.memory_space<vmem>> -> memref<32x128xf32, #tpu.memory_space<vmem>>
        %dma_wait3A_173 = arith.constant 0 : i32
        %dma_wait3A_174 = arith.constant 0 : i32
        %dma_wait3A_175 = tpu.memref_slice %arg4[%dma_wait3A_173, %dma_wait3A_174] : memref<100000x128xf32, #tpu.memory_space<hbm>> -> memref<32x128xf32, #tpu.memory_space<hbm>>
        tpu.wait_dma2 semaphore(%arg11 : memref<!tpu.dma_semaphore, #tpu.memory_space<semaphore_mem>>) src(%dma_wait3A_175 : memref<32x128xf32, #tpu.memory_space<hbm>>) dst(%dma_wait3A_172 : memref<32x128xf32, #tpu.memory_space<vmem>>)
        %dma_wait3A_176 = arith.constant 16 : i32
        %dma_wait3A_177 = arith.constant 0 : i32
        %dma_wait3A_178 = tpu.memref_slice %arg9[%dma_wait3A_176, %dma_wait3A_177] : memref<64x128xf32, #tpu.memory_space<vmem>> -> memref<16x128xf32, #tpu.memory_space<vmem>>
        %dma_wait3A_179 = arith.constant 0 : i32
        %dma_wait3A_180 = arith.constant 0 : i32
        %dma_wait3A_181 = tpu.memref_slice %arg3[%dma_wait3A_179, %dma_wait3A_180] : memref<51200x128xf32, #tpu.memory_space<hbm>> -> memref<16x128xf32, #tpu.memory_space<hbm>>
        %dma_wait3A_182 = arith.constant 16 : i32
        %dma_wait3A_183 = arith.constant 0 : i32
        %dma_wait3A_184 = tpu.memref_slice %arg9[%dma_wait3A_182, %dma_wait3A_183] : memref<64x128xf32, #tpu.memory_space<vmem>> -> memref<16x128xf32, #tpu.memory_space<vmem>>
        %dma_wait3A_185 = arith.constant 0 : i32
        %dma_wait3A_186 = arith.constant 0 : i32
        %dma_wait3A_187 = tpu.memref_slice %arg3[%dma_wait3A_185, %dma_wait3A_186] : memref<51200x128xf32, #tpu.memory_space<hbm>> -> memref<16x128xf32, #tpu.memory_space<hbm>>
        tpu.wait_dma2 semaphore(%arg15 : memref<!tpu.dma_semaphore, #tpu.memory_space<semaphore_mem>>) src(%dma_wait3A_187 : memref<16x128xf32, #tpu.memory_space<hbm>>) dst(%dma_wait3A_184 : memref<16x128xf32, #tpu.memory_space<vmem>>)
      } else {
      }
      %eq3A_133 = arith.constant 2 : i32
      %eq3A_134 = arith.cmpi eq, %rem3A_124, %eq3A_133 : i32
      %convert_element_type3A_135 = arith.extui %eq3A_134 : i1 to i32
      %cond3A_136 = arith.constant 0 : i32
      %cond3A_137 = arith.cmpi ne, %convert_element_type3A_135, %cond3A_136 : i32
      scf.if %cond3A_137 {
        %dma_wait3A = arith.constant 320 : i32
        %dma_wait3A_153 = arith.constant 0 : i32
        %dma_wait3A_154 = tpu.memref_slice %arg8[%dma_wait3A, %dma_wait3A_153] : memref<640x128xf32, #tpu.memory_space<vmem>> -> memref<128x128xf32, #tpu.memory_space<vmem>>
        %dma_wait3A_155 = arith.constant 0 : i32
        %dma_wait3A_156 = arith.constant 0 : i32
        %dma_wait3A_157 = tpu.memref_slice %arg4[%dma_wait3A_155, %dma_wait3A_156] : memref<100000x128xf32, #tpu.memory_space<hbm>> -> memref<128x128xf32, #tpu.memory_space<hbm>>
        %dma_wait3A_158 = arith.constant 320 : i32
        %dma_wait3A_159 = arith.constant 0 : i32
        %dma_wait3A_160 = tpu.memref_slice %arg8[%dma_wait3A_158, %dma_wait3A_159] : memref<640x128xf32, #tpu.memory_space<vmem>> -> memref<128x128xf32, #tpu.memory_space<vmem>>
        %dma_wait3A_161 = arith.constant 0 : i32
        %dma_wait3A_162 = arith.constant 0 : i32
        %dma_wait3A_163 = tpu.memref_slice %arg4[%dma_wait3A_161, %dma_wait3A_162] : memref<100000x128xf32, #tpu.memory_space<hbm>> -> memref<128x128xf32, #tpu.memory_space<hbm>>
        tpu.wait_dma2 semaphore(%arg12 : memref<!tpu.dma_semaphore, #tpu.memory_space<semaphore_mem>>) src(%dma_wait3A_163 : memref<128x128xf32, #tpu.memory_space<hbm>>) dst(%dma_wait3A_160 : memref<128x128xf32, #tpu.memory_space<vmem>>)
        %dma_wait3A_164 = arith.constant 448 : i32
        %dma_wait3A_165 = arith.constant 0 : i32
        %dma_wait3A_166 = tpu.memref_slice %arg8[%dma_wait3A_164, %dma_wait3A_165] : memref<640x128xf32, #tpu.memory_space<vmem>> -> memref<32x128xf32, #tpu.memory_space<vmem>>
        %dma_wait3A_167 = arith.constant 0 : i32
        %dma_wait3A_168 = arith.constant 0 : i32
        %dma_wait3A_169 = tpu.memref_slice %arg4[%dma_wait3A_167, %dma_wait3A_168] : memref<100000x128xf32, #tpu.memory_space<hbm>> -> memref<32x128xf32, #tpu.memory_space<hbm>>
        %dma_wait3A_170 = arith.constant 448 : i32
        %dma_wait3A_171 = arith.constant 0 : i32
        %dma_wait3A_172 = tpu.memref_slice %arg8[%dma_wait3A_170, %dma_wait3A_171] : memref<640x128xf32, #tpu.memory_space<vmem>> -> memref<32x128xf32, #tpu.memory_space<vmem>>
        %dma_wait3A_173 = arith.constant 0 : i32
        %dma_wait3A_174 = arith.constant 0 : i32
        %dma_wait3A_175 = tpu.memref_slice %arg4[%dma_wait3A_173, %dma_wait3A_174] : memref<100000x128xf32, #tpu.memory_space<hbm>> -> memref<32x128xf32, #tpu.memory_space<hbm>>
        tpu.wait_dma2 semaphore(%arg12 : memref<!tpu.dma_semaphore, #tpu.memory_space<semaphore_mem>>) src(%dma_wait3A_175 : memref<32x128xf32, #tpu.memory_space<hbm>>) dst(%dma_wait3A_172 : memref<32x128xf32, #tpu.memory_space<vmem>>)
        %dma_wait3A_176 = arith.constant 32 : i32
        %dma_wait3A_177 = arith.constant 0 : i32
        %dma_wait3A_178 = tpu.memref_slice %arg9[%dma_wait3A_176, %dma_wait3A_177] : memref<64x128xf32, #tpu.memory_space<vmem>> -> memref<16x128xf32, #tpu.memory_space<vmem>>
        %dma_wait3A_179 = arith.constant 0 : i32
        %dma_wait3A_180 = arith.constant 0 : i32
        %dma_wait3A_181 = tpu.memref_slice %arg3[%dma_wait3A_179, %dma_wait3A_180] : memref<51200x128xf32, #tpu.memory_space<hbm>> -> memref<16x128xf32, #tpu.memory_space<hbm>>
        %dma_wait3A_182 = arith.constant 32 : i32
        %dma_wait3A_183 = arith.constant 0 : i32
        %dma_wait3A_184 = tpu.memref_slice %arg9[%dma_wait3A_182, %dma_wait3A_183] : memref<64x128xf32, #tpu.memory_space<vmem>> -> memref<16x128xf32, #tpu.memory_space<vmem>>
        %dma_wait3A_185 = arith.constant 0 : i32
        %dma_wait3A_186 = arith.constant 0 : i32
        %dma_wait3A_187 = tpu.memref_slice %arg3[%dma_wait3A_185, %dma_wait3A_186] : memref<51200x128xf32, #tpu.memory_space<hbm>> -> memref<16x128xf32, #tpu.memory_space<hbm>>
        tpu.wait_dma2 semaphore(%arg16 : memref<!tpu.dma_semaphore, #tpu.memory_space<semaphore_mem>>) src(%dma_wait3A_187 : memref<16x128xf32, #tpu.memory_space<hbm>>) dst(%dma_wait3A_184 : memref<16x128xf32, #tpu.memory_space<vmem>>)
      } else {
      }
      %eq3A_138 = arith.constant 3 : i32
      %eq3A_139 = arith.cmpi eq, %rem3A_124, %eq3A_138 : i32
      %convert_element_type3A_140 = arith.extui %eq3A_139 : i1 to i32
      %cond3A_141 = arith.constant 0 : i32
      %cond3A_142 = arith.cmpi ne, %convert_element_type3A_140, %cond3A_141 : i32
      scf.if %cond3A_142 {
        %dma_wait3A = arith.constant 480 : i32
        %dma_wait3A_153 = arith.constant 0 : i32
        %dma_wait3A_154 = tpu.memref_slice %arg8[%dma_wait3A, %dma_wait3A_153] : memref<640x128xf32, #tpu.memory_space<vmem>> -> memref<128x128xf32, #tpu.memory_space<vmem>>
        %dma_wait3A_155 = arith.constant 0 : i32
        %dma_wait3A_156 = arith.constant 0 : i32
        %dma_wait3A_157 = tpu.memref_slice %arg4[%dma_wait3A_155, %dma_wait3A_156] : memref<100000x128xf32, #tpu.memory_space<hbm>> -> memref<128x128xf32, #tpu.memory_space<hbm>>
        %dma_wait3A_158 = arith.constant 480 : i32
        %dma_wait3A_159 = arith.constant 0 : i32
        %dma_wait3A_160 = tpu.memref_slice %arg8[%dma_wait3A_158, %dma_wait3A_159] : memref<640x128xf32, #tpu.memory_space<vmem>> -> memref<128x128xf32, #tpu.memory_space<vmem>>
        %dma_wait3A_161 = arith.constant 0 : i32
        %dma_wait3A_162 = arith.constant 0 : i32
        %dma_wait3A_163 = tpu.memref_slice %arg4[%dma_wait3A_161, %dma_wait3A_162] : memref<100000x128xf32, #tpu.memory_space<hbm>> -> memref<128x128xf32, #tpu.memory_space<hbm>>
        tpu.wait_dma2 semaphore(%arg13 : memref<!tpu.dma_semaphore, #tpu.memory_space<semaphore_mem>>) src(%dma_wait3A_163 : memref<128x128xf32, #tpu.memory_space<hbm>>) dst(%dma_wait3A_160 : memref<128x128xf32, #tpu.memory_space<vmem>>)
        %dma_wait3A_164 = arith.constant 608 : i32
        %dma_wait3A_165 = arith.constant 0 : i32
        %dma_wait3A_166 = tpu.memref_slice %arg8[%dma_wait3A_164, %dma_wait3A_165] : memref<640x128xf32, #tpu.memory_space<vmem>> -> memref<32x128xf32, #tpu.memory_space<vmem>>
        %dma_wait3A_167 = arith.constant 0 : i32
        %dma_wait3A_168 = arith.constant 0 : i32
        %dma_wait3A_169 = tpu.memref_slice %arg4[%dma_wait3A_167, %dma_wait3A_168] : memref<100000x128xf32, #tpu.memory_space<hbm>> -> memref<32x128xf32, #tpu.memory_space<hbm>>
        %dma_wait3A_170 = arith.constant 608 : i32
        %dma_wait3A_171 = arith.constant 0 : i32
        %dma_wait3A_172 = tpu.memref_slice %arg8[%dma_wait3A_170, %dma_wait3A_171] : memref<640x128xf32, #tpu.memory_space<vmem>> -> memref<32x128xf32, #tpu.memory_space<vmem>>
        %dma_wait3A_173 = arith.constant 0 : i32
        %dma_wait3A_174 = arith.constant 0 : i32
        %dma_wait3A_175 = tpu.memref_slice %arg4[%dma_wait3A_173, %dma_wait3A_174] : memref<100000x128xf32, #tpu.memory_space<hbm>> -> memref<32x128xf32, #tpu.memory_space<hbm>>
        tpu.wait_dma2 semaphore(%arg13 : memref<!tpu.dma_semaphore, #tpu.memory_space<semaphore_mem>>) src(%dma_wait3A_175 : memref<32x128xf32, #tpu.memory_space<hbm>>) dst(%dma_wait3A_172 : memref<32x128xf32, #tpu.memory_space<vmem>>)
        %dma_wait3A_176 = arith.constant 48 : i32
        %dma_wait3A_177 = arith.constant 0 : i32
        %dma_wait3A_178 = tpu.memref_slice %arg9[%dma_wait3A_176, %dma_wait3A_177] : memref<64x128xf32, #tpu.memory_space<vmem>> -> memref<16x128xf32, #tpu.memory_space<vmem>>
        %dma_wait3A_179 = arith.constant 0 : i32
        %dma_wait3A_180 = arith.constant 0 : i32
        %dma_wait3A_181 = tpu.memref_slice %arg3[%dma_wait3A_179, %dma_wait3A_180] : memref<51200x128xf32, #tpu.memory_space<hbm>> -> memref<16x128xf32, #tpu.memory_space<hbm>>
        %dma_wait3A_182 = arith.constant 48 : i32
        %dma_wait3A_183 = arith.constant 0 : i32
        %dma_wait3A_184 = tpu.memref_slice %arg9[%dma_wait3A_182, %dma_wait3A_183] : memref<64x128xf32, #tpu.memory_space<vmem>> -> memref<16x128xf32, #tpu.memory_space<vmem>>
        %dma_wait3A_185 = arith.constant 0 : i32
        %dma_wait3A_186 = arith.constant 0 : i32
        %dma_wait3A_187 = tpu.memref_slice %arg3[%dma_wait3A_185, %dma_wait3A_186] : memref<51200x128xf32, #tpu.memory_space<hbm>> -> memref<16x128xf32, #tpu.memory_space<hbm>>
        tpu.wait_dma2 semaphore(%arg17 : memref<!tpu.dma_semaphore, #tpu.memory_space<semaphore_mem>>) src(%dma_wait3A_187 : memref<16x128xf32, #tpu.memory_space<hbm>>) dst(%dma_wait3A_184 : memref<16x128xf32, #tpu.memory_space<vmem>>)
      } else {
      }
      %mul3A_143 = arith.constant 160 : i32
      %mul3A_144 = arith.muli %rem3A_124, %mul3A_143 : i32
      %mul3A_145 = arith.constant 16 : i32
      %mul3A_146 = arith.muli %rem3A_124, %mul3A_145 : i32
      %parallel_loop3A = arith.constant 0 : i32
      %parallel_loop3A_147 = arith.constant 16 : i32
      %parallel_loop3A_148 = arith.constant 1 : i32
      scf.for %parallel_loop3A_153 = %parallel_loop3A to %parallel_loop3A_147 step %parallel_loop3A_148  : i32 {
        %parallel_loop3A_154 = arith.addi %mul3A_146, %parallel_loop3A_153 : i32
        %parallel_loop3A_155 = arith.index_cast %parallel_loop3A_154 : i32 to index
        %parallel_loop3A_156 = arith.constant 0 : index
        %parallel_loop3A_157 = tpu.vector_load %arg9[%parallel_loop3A_155, %parallel_loop3A_156] {strides = array<i32>} : memref<64x128xf32, #tpu.memory_space<vmem>>, vector<16xf32>,
        %parallel_loop3A_158 = arith.addi %mul3A_146, %parallel_loop3A_153 : i32
        %parallel_loop3A_159 = arith.index_cast %parallel_loop3A_158 : i32 to index
        %parallel_loop3A_160 = arith.constant 16 : index
        %parallel_loop3A_161 = tpu.vector_load %arg9[%parallel_loop3A_159, %parallel_loop3A_160] {strides = array<i32>} : memref<64x128xf32, #tpu.memory_space<vmem>>, vector<16xf32>,
        %parallel_loop3A_162 = arith.addi %mul3A_146, %parallel_loop3A_153 : i32
        %parallel_loop3A_163 = arith.index_cast %parallel_loop3A_162 : i32 to index
        %parallel_loop3A_164 = arith.constant 32 : index
        %parallel_loop3A_165 = tpu.vector_load %arg9[%parallel_loop3A_163, %parallel_loop3A_164] {strides = array<i32>} : memref<64x128xf32, #tpu.memory_space<vmem>>, vector<16xf32>,
        %parallel_loop3A_166 = arith.addi %mul3A_146, %parallel_loop3A_153 : i32
        %parallel_loop3A_167 = arith.index_cast %parallel_loop3A_166 : i32 to index
        %parallel_loop3A_168 = arith.constant 48 : index
        %parallel_loop3A_169 = tpu.vector_load %arg9[%parallel_loop3A_167, %parallel_loop3A_168] {strides = array<i32>} : memref<64x128xf32, #tpu.memory_space<vmem>>, vector<16xf32>,
        %parallel_loop3A_170 = arith.addi %mul3A_146, %parallel_loop3A_153 : i32
        %parallel_loop3A_171 = arith.index_cast %parallel_loop3A_170 : i32 to index
        %parallel_loop3A_172 = arith.constant 64 : index
        %parallel_loop3A_173 = tpu.vector_load %arg9[%parallel_loop3A_171, %parallel_loop3A_172] {strides = array<i32>} : memref<64x128xf32, #tpu.memory_space<vmem>>, vector<16xf32>,
        %parallel_loop3A_174 = arith.addi %mul3A_146, %parallel_loop3A_153 : i32
        %parallel_loop3A_175 = arith.index_cast %parallel_loop3A_174 : i32 to index
        %parallel_loop3A_176 = arith.constant 80 : index
        %parallel_loop3A_177 = tpu.vector_load %arg9[%parallel_loop3A_175, %parallel_loop3A_176] {strides = array<i32>} : memref<64x128xf32, #tpu.memory_space<vmem>>, vector<16xf32>,
        %parallel_loop3A_178 = arith.addi %mul3A_146, %parallel_loop3A_153 : i32
        %parallel_loop3A_179 = arith.index_cast %parallel_loop3A_178 : i32 to index
        %parallel_loop3A_180 = arith.constant 96 : index
        %parallel_loop3A_181 = tpu.vector_load %arg9[%parallel_loop3A_179, %parallel_loop3A_180] {strides = array<i32>} : memref<64x128xf32, #tpu.memory_space<vmem>>, vector<16xf32>,
        %parallel_loop3A_182 = arith.addi %mul3A_146, %parallel_loop3A_153 : i32
        %parallel_loop3A_183 = arith.index_cast %parallel_loop3A_182 : i32 to index
        %parallel_loop3A_184 = arith.constant 112 : index
        %parallel_loop3A_185 = tpu.vector_load %arg9[%parallel_loop3A_183, %parallel_loop3A_184] {strides = array<i32>} : memref<64x128xf32, #tpu.memory_space<vmem>>, vector<16xf32>,
        %parallel_loop3A_186 = arith.constant 10 : i32
        %parallel_loop3A_187 = arith.muli %parallel_loop3A_153, %parallel_loop3A_186 : i32
        %parallel_loop3A_188 = arith.constant 0 : i32
        %parallel_loop3A_189 = arith.addi %parallel_loop3A_187, %parallel_loop3A_188 : i32
        %parallel_loop3A_190 = arith.addi %mul3A_144, %parallel_loop3A_189 : i32
        %parallel_loop3A_191 = arith.index_cast %parallel_loop3A_190 : i32 to index
        %parallel_loop3A_192 = arith.constant 0 : index
        %parallel_loop3A_193 = tpu.vector_load %arg8[%parallel_loop3A_191, %parallel_loop3A_192] {strides = array<i32>} : memref<640x128xf32, #tpu.memory_space<vmem>>, vector<16xf32>,
        %parallel_loop3A_194 = arith.mulf %parallel_loop3A_193, %parallel_loop3A_157 : vector<16xf32>
        %parallel_loop3A_195 = arith.addi %mul3A_144, %parallel_loop3A_189 : i32
        %parallel_loop3A_196 = arith.index_cast %parallel_loop3A_195 : i32 to index
        %parallel_loop3A_197 = arith.constant 16 : index
        %parallel_loop3A_198 = tpu.vector_load %arg8[%parallel_loop3A_196, %parallel_loop3A_197] {strides = array<i32>} : memref<640x128xf32, #tpu.memory_space<vmem>>, vector<16xf32>,
        %parallel_loop3A_199 = arith.mulf %parallel_loop3A_198, %parallel_loop3A_161 : vector<16xf32>
        %parallel_loop3A_200 = arith.addi %mul3A_144, %parallel_loop3A_189 : i32
        %parallel_loop3A_201 = arith.index_cast %parallel_loop3A_200 : i32 to index
        %parallel_loop3A_202 = arith.constant 32 : index
        %parallel_loop3A_203 = tpu.vector_load %arg8[%parallel_loop3A_201, %parallel_loop3A_202] {strides = array<i32>} : memref<640x128xf32, #tpu.memory_space<vmem>>, vector<16xf32>,
        %parallel_loop3A_204 = arith.mulf %parallel_loop3A_203, %parallel_loop3A_165 : vector<16xf32>
        %parallel_loop3A_205 = arith.addi %mul3A_144, %parallel_loop3A_189 : i32
        %parallel_loop3A_206 = arith.index_cast %parallel_loop3A_205 : i32 to index
        %parallel_loop3A_207 = arith.constant 48 : index
        %parallel_loop3A_208 = tpu.vector_load %arg8[%parallel_loop3A_206, %parallel_loop3A_207] {strides = array<i32>} : memref<640x128xf32, #tpu.memory_space<vmem>>, vector<16xf32>,
        %parallel_loop3A_209 = arith.mulf %parallel_loop3A_208, %parallel_loop3A_169 : vector<16xf32>
        %parallel_loop3A_210 = arith.addi %mul3A_144, %parallel_loop3A_189 : i32
        %parallel_loop3A_211 = arith.index_cast %parallel_loop3A_210 : i32 to index
        %parallel_loop3A_212 = arith.constant 64 : index
        %parallel_loop3A_213 = tpu.vector_load %arg8[%parallel_loop3A_211, %parallel_loop3A_212] {strides = array<i32>} : memref<640x128xf32, #tpu.memory_space<vmem>>, vector<16xf32>,
        %parallel_loop3A_214 = arith.mulf %parallel_loop3A_213, %parallel_loop3A_173 : vector<16xf32>
        %parallel_loop3A_215 = arith.addi %mul3A_144, %parallel_loop3A_189 : i32
        %parallel_loop3A_216 = arith.index_cast %parallel_loop3A_215 : i32 to index
        %parallel_loop3A_217 = arith.constant 80 : index
        %parallel_loop3A_218 = tpu.vector_load %arg8[%parallel_loop3A_216, %parallel_loop3A_217] {strides = array<i32>} : memref<640x128xf32, #tpu.memory_space<vmem>>, vector<16xf32>,
        %parallel_loop3A_219 = arith.mulf %parallel_loop3A_218, %parallel_loop3A_177 : vector<16xf32>
        %parallel_loop3A_220 = arith.addi %mul3A_144, %parallel_loop3A_189 : i32
        %parallel_loop3A_221 = arith.index_cast %parallel_loop3A_220 : i32 to index
        %parallel_loop3A_222 = arith.constant 96 : index
        %parallel_loop3A_223 = tpu.vector_load %arg8[%parallel_loop3A_221, %parallel_loop3A_222] {strides = array<i32>} : memref<640x128xf32, #tpu.memory_space<vmem>>, vector<16xf32>,
        %parallel_loop3A_224 = arith.mulf %parallel_loop3A_223, %parallel_loop3A_181 : vector<16xf32>
        %parallel_loop3A_225 = arith.addi %mul3A_144, %parallel_loop3A_189 : i32
        %parallel_loop3A_226 = arith.index_cast %parallel_loop3A_225 : i32 to index
        %parallel_loop3A_227 = arith.constant 112 : index
        %parallel_loop3A_228 = tpu.vector_load %arg8[%parallel_loop3A_226, %parallel_loop3A_227] {strides = array<i32>} : memref<640x128xf32, #tpu.memory_space<vmem>>, vector<16xf32>,
        %parallel_loop3A_229 = arith.mulf %parallel_loop3A_228, %parallel_loop3A_185 : vector<16xf32>
        %parallel_loop3A_230 = arith.addf %parallel_loop3A_194, %parallel_loop3A_199 : vector<16xf32>
        %parallel_loop3A_231 = arith.addf %parallel_loop3A_204, %parallel_loop3A_209 : vector<16xf32>
        %parallel_loop3A_232 = arith.addf %parallel_loop3A_230, %parallel_loop3A_231 : vector<16xf32>
        %parallel_loop3A_233 = arith.addf %parallel_loop3A_214, %parallel_loop3A_219 : vector<16xf32>
        %parallel_loop3A_234 = arith.addf %parallel_loop3A_224, %parallel_loop3A_229 : vector<16xf32>
        %parallel_loop3A_235 = arith.addf %parallel_loop3A_233, %parallel_loop3A_234 : vector<16xf32>
        %parallel_loop3A_236 = arith.addf %parallel_loop3A_232, %parallel_loop3A_235 : vector<16xf32>
        %parallel_loop3A_237 = arith.constant 160 : i32
        %parallel_loop3A_238 = arith.muli %scan3A_123, %parallel_loop3A_237 : i32
        %parallel_loop3A_239 = arith.addi %parallel_loop3A_238, %parallel_loop3A_189 : i32
        %parallel_loop3A_240 = arith.constant true
        %parallel_loop3A_241 = vector.broadcast %parallel_loop3A_240 : i1 to vector<16xi1>
        %parallel_loop3A_242 = tpu.scan <sum>, %parallel_loop3A_236 masked %parallel_loop3A_241 : vector<16xf32>, vector<16xi1> -> vector<16xf32>
        %parallel_loop3A_243 = arith.index_cast %parallel_loop3A_239 : i32 to index
        %parallel_loop3A_244 = tpu.vector_load %arg7[%parallel_loop3A_243] masked %eq3A_6 {strides = array<i32>} : memref<16016xf32, #tpu.memory_space<vmem>>, vector<16xf32>, vector<16xi1>
        tpu.vector_store %arg7[%parallel_loop3A_243], %parallel_loop3A_242 masked %eq3A_6 {strides = array<i32>} : memref<16016xf32, #tpu.memory_space<vmem>>, vector<16xf32>, vector<16xi1>
        %parallel_loop3A_245 = arith.constant 10 : i32
        %parallel_loop3A_246 = arith.muli %parallel_loop3A_153, %parallel_loop3A_245 : i32
        %parallel_loop3A_247 = arith.constant 1 : i32
        %parallel_loop3A_248 = arith.addi %parallel_loop3A_246, %parallel_loop3A_247 : i32
        %parallel_loop3A_249 = arith.addi %mul3A_144, %parallel_loop3A_248 : i32
        %parallel_loop3A_250 = arith.index_cast %parallel_loop3A_249 : i32 to index
        %parallel_loop3A_251 = arith.constant 0 : index
        %parallel_loop3A_252 = tpu.vector_load %arg8[%parallel_loop3A_250, %parallel_loop3A_251] {strides = array<i32>} : memref<640x128xf32, #tpu.memory_space<vmem>>, vector<16xf32>,
        %parallel_loop3A_253 = arith.mulf %parallel_loop3A_252, %parallel_loop3A_157 : vector<16xf32>
        %parallel_loop3A_254 = arith.addi %mul3A_144, %parallel_loop3A_248 : i32
        %parallel_loop3A_255 = arith.index_cast %parallel_loop3A_254 : i32 to index
        %parallel_loop3A_256 = arith.constant 16 : index
        %parallel_loop3A_257 = tpu.vector_load %arg8[%parallel_loop3A_255, %parallel_loop3A_256] {strides = array<i32>} : memref<640x128xf32, #tpu.memory_space<vmem>>, vector<16xf32>,
        %parallel_loop3A_258 = arith.mulf %parallel_loop3A_257, %parallel_loop3A_161 : vector<16xf32>
        %parallel_loop3A_259 = arith.addi %mul3A_144, %parallel_loop3A_248 : i32
        %parallel_loop3A_260 = arith.index_cast %parallel_loop3A_259 : i32 to index
        %parallel_loop3A_261 = arith.constant 32 : index
        %parallel_loop3A_262 = tpu.vector_load %arg8[%parallel_loop3A_260, %parallel_loop3A_261] {strides = array<i32>} : memref<640x128xf32, #tpu.memory_space<vmem>>, vector<16xf32>,
        %parallel_loop3A_263 = arith.mulf %parallel_loop3A_262, %parallel_loop3A_165 : vector<16xf32>
        %parallel_loop3A_264 = arith.addi %mul3A_144, %parallel_loop3A_248 : i32
        %parallel_loop3A_265 = arith.index_cast %parallel_loop3A_264 : i32 to index
        %parallel_loop3A_266 = arith.constant 48 : index
        %parallel_loop3A_267 = tpu.vector_load %arg8[%parallel_loop3A_265, %parallel_loop3A_266] {strides = array<i32>} : memref<640x128xf32, #tpu.memory_space<vmem>>, vector<16xf32>,
        %parallel_loop3A_268 = arith.mulf %parallel_loop3A_267, %parallel_loop3A_169 : vector<16xf32>
        %parallel_loop3A_269 = arith.addi %mul3A_144, %parallel_loop3A_248 : i32
        %parallel_loop3A_270 = arith.index_cast %parallel_loop3A_269 : i32 to index
        %parallel_loop3A_271 = arith.constant 64 : index
        %parallel_loop3A_272 = tpu.vector_load %arg8[%parallel_loop3A_270, %parallel_loop3A_271] {strides = array<i32>} : memref<640x128xf32, #tpu.memory_space<vmem>>, vector<16xf32>,
        %parallel_loop3A_273 = arith.mulf %parallel_loop3A_272, %parallel_loop3A_173 : vector<16xf32>
        %parallel_loop3A_274 = arith.addi %mul3A_144, %parallel_loop3A_248 : i32
        %parallel_loop3A_275 = arith.index_cast %parallel_loop3A_274 : i32 to index
        %parallel_loop3A_276 = arith.constant 80 : index
        %parallel_loop3A_277 = tpu.vector_load %arg8[%parallel_loop3A_275, %parallel_loop3A_276] {strides = array<i32>} : memref<640x128xf32, #tpu.memory_space<vmem>>, vector<16xf32>,
        %parallel_loop3A_278 = arith.mulf %parallel_loop3A_277, %parallel_loop3A_177 : vector<16xf32>
        %parallel_loop3A_279 = arith.addi %mul3A_144, %parallel_loop3A_248 : i32
        %parallel_loop3A_280 = arith.index_cast %parallel_loop3A_279 : i32 to index
        %parallel_loop3A_281 = arith.constant 96 : index
        %parallel_loop3A_282 = tpu.vector_load %arg8[%parallel_loop3A_280, %parallel_loop3A_281] {strides = array<i32>} : memref<640x128xf32, #tpu.memory_space<vmem>>, vector<16xf32>,
        %parallel_loop3A_283 = arith.mulf %parallel_loop3A_282, %parallel_loop3A_181 : vector<16xf32>
        %parallel_loop3A_284 = arith.addi %mul3A_144, %parallel_loop3A_248 : i32
        %parallel_loop3A_285 = arith.index_cast %parallel_loop3A_284 : i32 to index
        %parallel_loop3A_286 = arith.constant 112 : index
        %parallel_loop3A_287 = tpu.vector_load %arg8[%parallel_loop3A_285, %parallel_loop3A_286] {strides = array<i32>} : memref<640x128xf32, #tpu.memory_space<vmem>>, vector<16xf32>,
        %parallel_loop3A_288 = arith.mulf %parallel_loop3A_287, %parallel_loop3A_185 : vector<16xf32>
        %parallel_loop3A_289 = arith.addf %parallel_loop3A_253, %parallel_loop3A_258 : vector<16xf32>
        %parallel_loop3A_290 = arith.addf %parallel_loop3A_263, %parallel_loop3A_268 : vector<16xf32>
        %parallel_loop3A_291 = arith.addf %parallel_loop3A_289, %parallel_loop3A_290 : vector<16xf32>
        %parallel_loop3A_292 = arith.addf %parallel_loop3A_273, %parallel_loop3A_278 : vector<16xf32>
        %parallel_loop3A_293 = arith.addf %parallel_loop3A_283, %parallel_loop3A_288 : vector<16xf32>
        %parallel_loop3A_294 = arith.addf %parallel_loop3A_292, %parallel_loop3A_293 : vector<16xf32>
        %parallel_loop3A_295 = arith.addf %parallel_loop3A_291, %parallel_loop3A_294 : vector<16xf32>
        %parallel_loop3A_296 = arith.constant 160 : i32
        %parallel_loop3A_297 = arith.muli %scan3A_123, %parallel_loop3A_296 : i32
        %parallel_loop3A_298 = arith.addi %parallel_loop3A_297, %parallel_loop3A_248 : i32
        %parallel_loop3A_299 = arith.constant true
        %parallel_loop3A_300 = vector.broadcast %parallel_loop3A_299 : i1 to vector<16xi1>
        %parallel_loop3A_301 = tpu.scan <sum>, %parallel_loop3A_295 masked %parallel_loop3A_300 : vector<16xf32>, vector<16xi1> -> vector<16xf32>
        %parallel_loop3A_302 = arith.index_cast %parallel_loop3A_298 : i32 to index
        %parallel_loop3A_303 = tpu.vector_load %arg7[%parallel_loop3A_302] masked %eq3A_6 {strides = array<i32>} : memref<16016xf32, #tpu.memory_space<vmem>>, vector<16xf32>, vector<16xi1>
        tpu.vector_store %arg7[%parallel_loop3A_302], %parallel_loop3A_301 masked %eq3A_6 {strides = array<i32>} : memref<16016xf32, #tpu.memory_space<vmem>>, vector<16xf32>, vector<16xi1>
        %parallel_loop3A_304 = arith.constant 10 : i32
        %parallel_loop3A_305 = arith.muli %parallel_loop3A_153, %parallel_loop3A_304 : i32
        %parallel_loop3A_306 = arith.constant 2 : i32
        %parallel_loop3A_307 = arith.addi %parallel_loop3A_305, %parallel_loop3A_306 : i32
        %parallel_loop3A_308 = arith.addi %mul3A_144, %parallel_loop3A_307 : i32
        %parallel_loop3A_309 = arith.index_cast %parallel_loop3A_308 : i32 to index
        %parallel_loop3A_310 = arith.constant 0 : index
        %parallel_loop3A_311 = tpu.vector_load %arg8[%parallel_loop3A_309, %parallel_loop3A_310] {strides = array<i32>} : memref<640x128xf32, #tpu.memory_space<vmem>>, vector<16xf32>,
        %parallel_loop3A_312 = arith.mulf %parallel_loop3A_311, %parallel_loop3A_157 : vector<16xf32>
        %parallel_loop3A_313 = arith.addi %mul3A_144, %parallel_loop3A_307 : i32
        %parallel_loop3A_314 = arith.index_cast %parallel_loop3A_313 : i32 to index
        %parallel_loop3A_315 = arith.constant 16 : index
        %parallel_loop3A_316 = tpu.vector_load %arg8[%parallel_loop3A_314, %parallel_loop3A_315] {strides = array<i32>} : memref<640x128xf32, #tpu.memory_space<vmem>>, vector<16xf32>,
        %parallel_loop3A_317 = arith.mulf %parallel_loop3A_316, %parallel_loop3A_161 : vector<16xf32>
        %parallel_loop3A_318 = arith.addi %mul3A_144, %parallel_loop3A_307 : i32
        %parallel_loop3A_319 = arith.index_cast %parallel_loop3A_318 : i32 to index
        %parallel_loop3A_320 = arith.constant 32 : index
        %parallel_loop3A_321 = tpu.vector_load %arg8[%parallel_loop3A_319, %parallel_loop3A_320] {strides = array<i32>} : memref<640x128xf32, #tpu.memory_space<vmem>>, vector<16xf32>,
        %parallel_loop3A_322 = arith.mulf %parallel_loop3A_321, %parallel_loop3A_165 : vector<16xf32>
        %parallel_loop3A_323 = arith.addi %mul3A_144, %parallel_loop3A_307 : i32
        %parallel_loop3A_324 = arith.index_cast %parallel_loop3A_323 : i32 to index
        %parallel_loop3A_325 = arith.constant 48 : index
        %parallel_loop3A_326 = tpu.vector_load %arg8[%parallel_loop3A_324, %parallel_loop3A_325] {strides = array<i32>} : memref<640x128xf32, #tpu.memory_space<vmem>>, vector<16xf32>,
        %parallel_loop3A_327 = arith.mulf %parallel_loop3A_326, %parallel_loop3A_169 : vector<16xf32>
        %parallel_loop3A_328 = arith.addi %mul3A_144, %parallel_loop3A_307 : i32
        %parallel_loop3A_329 = arith.index_cast %parallel_loop3A_328 : i32 to index
        %parallel_loop3A_330 = arith.constant 64 : index
        %parallel_loop3A_331 = tpu.vector_load %arg8[%parallel_loop3A_329, %parallel_loop3A_330] {strides = array<i32>} : memref<640x128xf32, #tpu.memory_space<vmem>>, vector<16xf32>,
        %parallel_loop3A_332 = arith.mulf %parallel_loop3A_331, %parallel_loop3A_173 : vector<16xf32>
        %parallel_loop3A_333 = arith.addi %mul3A_144, %parallel_loop3A_307 : i32
        %parallel_loop3A_334 = arith.index_cast %parallel_loop3A_333 : i32 to index
        %parallel_loop3A_335 = arith.constant 80 : index
        %parallel_loop3A_336 = tpu.vector_load %arg8[%parallel_loop3A_334, %parallel_loop3A_335] {strides = array<i32>} : memref<640x128xf32, #tpu.memory_space<vmem>>, vector<16xf32>,
        %parallel_loop3A_337 = arith.mulf %parallel_loop3A_336, %parallel_loop3A_177 : vector<16xf32>
        %parallel_loop3A_338 = arith.addi %mul3A_144, %parallel_loop3A_307 : i32
        %parallel_loop3A_339 = arith.index_cast %parallel_loop3A_338 : i32 to index
        %parallel_loop3A_340 = arith.constant 96 : index
        %parallel_loop3A_341 = tpu.vector_load %arg8[%parallel_loop3A_339, %parallel_loop3A_340] {strides = array<i32>} : memref<640x128xf32, #tpu.memory_space<vmem>>, vector<16xf32>,
        %parallel_loop3A_342 = arith.mulf %parallel_loop3A_341, %parallel_loop3A_181 : vector<16xf32>
        %parallel_loop3A_343 = arith.addi %mul3A_144, %parallel_loop3A_307 : i32
        %parallel_loop3A_344 = arith.index_cast %parallel_loop3A_343 : i32 to index
        %parallel_loop3A_345 = arith.constant 112 : index
        %parallel_loop3A_346 = tpu.vector_load %arg8[%parallel_loop3A_344, %parallel_loop3A_345] {strides = array<i32>} : memref<640x128xf32, #tpu.memory_space<vmem>>, vector<16xf32>,
        %parallel_loop3A_347 = arith.mulf %parallel_loop3A_346, %parallel_loop3A_185 : vector<16xf32>
        %parallel_loop3A_348 = arith.addf %parallel_loop3A_312, %parallel_loop3A_317 : vector<16xf32>
        %parallel_loop3A_349 = arith.addf %parallel_loop3A_322, %parallel_loop3A_327 : vector<16xf32>
        %parallel_loop3A_350 = arith.addf %parallel_loop3A_348, %parallel_loop3A_349 : vector<16xf32>
        %parallel_loop3A_351 = arith.addf %parallel_loop3A_332, %parallel_loop3A_337 : vector<16xf32>
        %parallel_loop3A_352 = arith.addf %parallel_loop3A_342, %parallel_loop3A_347 : vector<16xf32>
        %parallel_loop3A_353 = arith.addf %parallel_loop3A_351, %parallel_loop3A_352 : vector<16xf32>
        %parallel_loop3A_354 = arith.addf %parallel_loop3A_350, %parallel_loop3A_353 : vector<16xf32>
        %parallel_loop3A_355 = arith.constant 160 : i32
        %parallel_loop3A_356 = arith.muli %scan3A_123, %parallel_loop3A_355 : i32
        %parallel_loop3A_357 = arith.addi %parallel_loop3A_356, %parallel_loop3A_307 : i32
        %parallel_loop3A_358 = arith.constant true
        %parallel_loop3A_359 = vector.broadcast %parallel_loop3A_358 : i1 to vector<16xi1>
        %parallel_loop3A_360 = tpu.scan <sum>, %parallel_loop3A_354 masked %parallel_loop3A_359 : vector<16xf32>, vector<16xi1> -> vector<16xf32>
        %parallel_loop3A_361 = arith.index_cast %parallel_loop3A_357 : i32 to index
        %parallel_loop3A_362 = tpu.vector_load %arg7[%parallel_loop3A_361] masked %eq3A_6 {strides = array<i32>} : memref<16016xf32, #tpu.memory_space<vmem>>, vector<16xf32>, vector<16xi1>
        tpu.vector_store %arg7[%parallel_loop3A_361], %parallel_loop3A_360 masked %eq3A_6 {strides = array<i32>} : memref<16016xf32, #tpu.memory_space<vmem>>, vector<16xf32>, vector<16xi1>
        %parallel_loop3A_363 = arith.constant 10 : i32
        %parallel_loop3A_364 = arith.muli %parallel_loop3A_153, %parallel_loop3A_363 : i32
        %parallel_loop3A_365 = arith.constant 3 : i32
        %parallel_loop3A_366 = arith.addi %parallel_loop3A_364, %parallel_loop3A_365 : i32
        %parallel_loop3A_367 = arith.addi %mul3A_144, %parallel_loop3A_366 : i32
        %parallel_loop3A_368 = arith.index_cast %parallel_loop3A_367 : i32 to index
        %parallel_loop3A_369 = arith.constant 0 : index
        %parallel_loop3A_370 = tpu.vector_load %arg8[%parallel_loop3A_368, %parallel_loop3A_369] {strides = array<i32>} : memref<640x128xf32, #tpu.memory_space<vmem>>, vector<16xf32>,
        %parallel_loop3A_371 = arith.mulf %parallel_loop3A_370, %parallel_loop3A_157 : vector<16xf32>
        %parallel_loop3A_372 = arith.addi %mul3A_144, %parallel_loop3A_366 : i32
        %parallel_loop3A_373 = arith.index_cast %parallel_loop3A_372 : i32 to index
        %parallel_loop3A_374 = arith.constant 16 : index
        %parallel_loop3A_375 = tpu.vector_load %arg8[%parallel_loop3A_373, %parallel_loop3A_374] {strides = array<i32>} : memref<640x128xf32, #tpu.memory_space<vmem>>, vector<16xf32>,
        %parallel_loop3A_376 = arith.mulf %parallel_loop3A_375, %parallel_loop3A_161 : vector<16xf32>
        %parallel_loop3A_377 = arith.addi %mul3A_144, %parallel_loop3A_366 : i32
        %parallel_loop3A_378 = arith.index_cast %parallel_loop3A_377 : i32 to index
        %parallel_loop3A_379 = arith.constant 32 : index
        %parallel_loop3A_380 = tpu.vector_load %arg8[%parallel_loop3A_378, %parallel_loop3A_379] {strides = array<i32>} : memref<640x128xf32, #tpu.memory_space<vmem>>, vector<16xf32>,
        %parallel_loop3A_381 = arith.mulf %parallel_loop3A_380, %parallel_loop3A_165 : vector<16xf32>
        %parallel_loop3A_382 = arith.addi %mul3A_144, %parallel_loop3A_366 : i32
        %parallel_loop3A_383 = arith.index_cast %parallel_loop3A_382 : i32 to index
        %parallel_loop3A_384 = arith.constant 48 : index
        %parallel_loop3A_385 = tpu.vector_load %arg8[%parallel_loop3A_383, %parallel_loop3A_384] {strides = array<i32>} : memref<640x128xf32, #tpu.memory_space<vmem>>, vector<16xf32>,
        %parallel_loop3A_386 = arith.mulf %parallel_loop3A_385, %parallel_loop3A_169 : vector<16xf32>
        %parallel_loop3A_387 = arith.addi %mul3A_144, %parallel_loop3A_366 : i32
        %parallel_loop3A_388 = arith.index_cast %parallel_loop3A_387 : i32 to index
        %parallel_loop3A_389 = arith.constant 64 : index
        %parallel_loop3A_390 = tpu.vector_load %arg8[%parallel_loop3A_388, %parallel_loop3A_389] {strides = array<i32>} : memref<640x128xf32, #tpu.memory_space<vmem>>, vector<16xf32>,
        %parallel_loop3A_391 = arith.mulf %parallel_loop3A_390, %parallel_loop3A_173 : vector<16xf32>
        %parallel_loop3A_392 = arith.addi %mul3A_144, %parallel_loop3A_366 : i32
        %parallel_loop3A_393 = arith.index_cast %parallel_loop3A_392 : i32 to index
        %parallel_loop3A_394 = arith.constant 80 : index
        %parallel_loop3A_395 = tpu.vector_load %arg8[%parallel_loop3A_393, %parallel_loop3A_394] {strides = array<i32>} : memref<640x128xf32, #tpu.memory_space<vmem>>, vector<16xf32>,
        %parallel_loop3A_396 = arith.mulf %parallel_loop3A_395, %parallel_loop3A_177 : vector<16xf32>
        %parallel_loop3A_397 = arith.addi %mul3A_144, %parallel_loop3A_366 : i32
        %parallel_loop3A_398 = arith.index_cast %parallel_loop3A_397 : i32 to index
        %parallel_loop3A_399 = arith.constant 96 : index
        %parallel_loop3A_400 = tpu.vector_load %arg8[%parallel_loop3A_398, %parallel_loop3A_399] {strides = array<i32>} : memref<640x128xf32, #tpu.memory_space<vmem>>, vector<16xf32>,
        %parallel_loop3A_401 = arith.mulf %parallel_loop3A_400, %parallel_loop3A_181 : vector<16xf32>
        %parallel_loop3A_402 = arith.addi %mul3A_144, %parallel_loop3A_366 : i32
        %parallel_loop3A_403 = arith.index_cast %parallel_loop3A_402 : i32 to index
        %parallel_loop3A_404 = arith.constant 112 : index
        %parallel_loop3A_405 = tpu.vector_load %arg8[%parallel_loop3A_403, %parallel_loop3A_404] {strides = array<i32>} : memref<640x128xf32, #tpu.memory_space<vmem>>, vector<16xf32>,
        %parallel_loop3A_406 = arith.mulf %parallel_loop3A_405, %parallel_loop3A_185 : vector<16xf32>
        %parallel_loop3A_407 = arith.addf %parallel_loop3A_371, %parallel_loop3A_376 : vector<16xf32>
        %parallel_loop3A_408 = arith.addf %parallel_loop3A_381, %parallel_loop3A_386 : vector<16xf32>
        %parallel_loop3A_409 = arith.addf %parallel_loop3A_407, %parallel_loop3A_408 : vector<16xf32>
        %parallel_loop3A_410 = arith.addf %parallel_loop3A_391, %parallel_loop3A_396 : vector<16xf32>
        %parallel_loop3A_411 = arith.addf %parallel_loop3A_401, %parallel_loop3A_406 : vector<16xf32>
        %parallel_loop3A_412 = arith.addf %parallel_loop3A_410, %parallel_loop3A_411 : vector<16xf32>
        %parallel_loop3A_413 = arith.addf %parallel_loop3A_409, %parallel_loop3A_412 : vector<16xf32>
        %parallel_loop3A_414 = arith.constant 160 : i32
        %parallel_loop3A_415 = arith.muli %scan3A_123, %parallel_loop3A_414 : i32
        %parallel_loop3A_416 = arith.addi %parallel_loop3A_415, %parallel_loop3A_366 : i32
        %parallel_loop3A_417 = arith.constant true
        %parallel_loop3A_418 = vector.broadcast %parallel_loop3A_417 : i1 to vector<16xi1>
        %parallel_loop3A_419 = tpu.scan <sum>, %parallel_loop3A_413 masked %parallel_loop3A_418 : vector<16xf32>, vector<16xi1> -> vector<16xf32>
        %parallel_loop3A_420 = arith.index_cast %parallel_loop3A_416 : i32 to index
        %parallel_loop3A_421 = tpu.vector_load %arg7[%parallel_loop3A_420] masked %eq3A_6 {strides = array<i32>} : memref<16016xf32, #tpu.memory_space<vmem>>, vector<16xf32>, vector<16xi1>
        tpu.vector_store %arg7[%parallel_loop3A_420], %parallel_loop3A_419 masked %eq3A_6 {strides = array<i32>} : memref<16016xf32, #tpu.memory_space<vmem>>, vector<16xf32>, vector<16xi1>
        %parallel_loop3A_422 = arith.constant 10 : i32
        %parallel_loop3A_423 = arith.muli %parallel_loop3A_153, %parallel_loop3A_422 : i32
        %parallel_loop3A_424 = arith.constant 4 : i32
        %parallel_loop3A_425 = arith.addi %parallel_loop3A_423, %parallel_loop3A_424 : i32
        %parallel_loop3A_426 = arith.addi %mul3A_144, %parallel_loop3A_425 : i32
        %parallel_loop3A_427 = arith.index_cast %parallel_loop3A_426 : i32 to index
        %parallel_loop3A_428 = arith.constant 0 : index
        %parallel_loop3A_429 = tpu.vector_load %arg8[%parallel_loop3A_427, %parallel_loop3A_428] {strides = array<i32>} : memref<640x128xf32, #tpu.memory_space<vmem>>, vector<16xf32>,
        %parallel_loop3A_430 = arith.mulf %parallel_loop3A_429, %parallel_loop3A_157 : vector<16xf32>
        %parallel_loop3A_431 = arith.addi %mul3A_144, %parallel_loop3A_425 : i32
        %parallel_loop3A_432 = arith.index_cast %parallel_loop3A_431 : i32 to index
        %parallel_loop3A_433 = arith.constant 16 : index
        %parallel_loop3A_434 = tpu.vector_load %arg8[%parallel_loop3A_432, %parallel_loop3A_433] {strides = array<i32>} : memref<640x128xf32, #tpu.memory_space<vmem>>, vector<16xf32>,
        %parallel_loop3A_435 = arith.mulf %parallel_loop3A_434, %parallel_loop3A_161 : vector<16xf32>
        %parallel_loop3A_436 = arith.addi %mul3A_144, %parallel_loop3A_425 : i32
        %parallel_loop3A_437 = arith.index_cast %parallel_loop3A_436 : i32 to index
        %parallel_loop3A_438 = arith.constant 32 : index
        %parallel_loop3A_439 = tpu.vector_load %arg8[%parallel_loop3A_437, %parallel_loop3A_438] {strides = array<i32>} : memref<640x128xf32, #tpu.memory_space<vmem>>, vector<16xf32>,
        %parallel_loop3A_440 = arith.mulf %parallel_loop3A_439, %parallel_loop3A_165 : vector<16xf32>
        %parallel_loop3A_441 = arith.addi %mul3A_144, %parallel_loop3A_425 : i32
        %parallel_loop3A_442 = arith.index_cast %parallel_loop3A_441 : i32 to index
        %parallel_loop3A_443 = arith.constant 48 : index
        %parallel_loop3A_444 = tpu.vector_load %arg8[%parallel_loop3A_442, %parallel_loop3A_443] {strides = array<i32>} : memref<640x128xf32, #tpu.memory_space<vmem>>, vector<16xf32>,
        %parallel_loop3A_445 = arith.mulf %parallel_loop3A_444, %parallel_loop3A_169 : vector<16xf32>
        %parallel_loop3A_446 = arith.addi %mul3A_144, %parallel_loop3A_425 : i32
        %parallel_loop3A_447 = arith.index_cast %parallel_loop3A_446 : i32 to index
        %parallel_loop3A_448 = arith.constant 64 : index
        %parallel_loop3A_449 = tpu.vector_load %arg8[%parallel_loop3A_447, %parallel_loop3A_448] {strides = array<i32>} : memref<640x128xf32, #tpu.memory_space<vmem>>, vector<16xf32>,
        %parallel_loop3A_450 = arith.mulf %parallel_loop3A_449, %parallel_loop3A_173 : vector<16xf32>
        %parallel_loop3A_451 = arith.addi %mul3A_144, %parallel_loop3A_425 : i32
        %parallel_loop3A_452 = arith.index_cast %parallel_loop3A_451 : i32 to index
        %parallel_loop3A_453 = arith.constant 80 : index
        %parallel_loop3A_454 = tpu.vector_load %arg8[%parallel_loop3A_452, %parallel_loop3A_453] {strides = array<i32>} : memref<640x128xf32, #tpu.memory_space<vmem>>, vector<16xf32>,
        %parallel_loop3A_455 = arith.mulf %parallel_loop3A_454, %parallel_loop3A_177 : vector<16xf32>
        %parallel_loop3A_456 = arith.addi %mul3A_144, %parallel_loop3A_425 : i32
        %parallel_loop3A_457 = arith.index_cast %parallel_loop3A_456 : i32 to index
        %parallel_loop3A_458 = arith.constant 96 : index
        %parallel_loop3A_459 = tpu.vector_load %arg8[%parallel_loop3A_457, %parallel_loop3A_458] {strides = array<i32>} : memref<640x128xf32, #tpu.memory_space<vmem>>, vector<16xf32>,
        %parallel_loop3A_460 = arith.mulf %parallel_loop3A_459, %parallel_loop3A_181 : vector<16xf32>
        %parallel_loop3A_461 = arith.addi %mul3A_144, %parallel_loop3A_425 : i32
        %parallel_loop3A_462 = arith.index_cast %parallel_loop3A_461 : i32 to index
        %parallel_loop3A_463 = arith.constant 112 : index
        %parallel_loop3A_464 = tpu.vector_load %arg8[%parallel_loop3A_462, %parallel_loop3A_463] {strides = array<i32>} : memref<640x128xf32, #tpu.memory_space<vmem>>, vector<16xf32>,
        %parallel_loop3A_465 = arith.mulf %parallel_loop3A_464, %parallel_loop3A_185 : vector<16xf32>
        %parallel_loop3A_466 = arith.addf %parallel_loop3A_430, %parallel_loop3A_435 : vector<16xf32>
        %parallel_loop3A_467 = arith.addf %parallel_loop3A_440, %parallel_loop3A_445 : vector<16xf32>
        %parallel_loop3A_468 = arith.addf %parallel_loop3A_466, %parallel_loop3A_467 : vector<16xf32>
        %parallel_loop3A_469 = arith.addf %parallel_loop3A_450, %parallel_loop3A_455 : vector<16xf32>
        %parallel_loop3A_470 = arith.addf %parallel_loop3A_460, %parallel_loop3A_465 : vector<16xf32>
        %parallel_loop3A_471 = arith.addf %parallel_loop3A_469, %parallel_loop3A_470 : vector<16xf32>
        %parallel_loop3A_472 = arith.addf %parallel_loop3A_468, %parallel_loop3A_471 : vector<16xf32>
        %parallel_loop3A_473 = arith.constant 160 : i32
        %parallel_loop3A_474 = arith.muli %scan3A_123, %parallel_loop3A_473 : i32
        %parallel_loop3A_475 = arith.addi %parallel_loop3A_474, %parallel_loop3A_425 : i32
        %parallel_loop3A_476 = arith.constant true
        %parallel_loop3A_477 = vector.broadcast %parallel_loop3A_476 : i1 to vector<16xi1>
        %parallel_loop3A_478 = tpu.scan <sum>, %parallel_loop3A_472 masked %parallel_loop3A_477 : vector<16xf32>, vector<16xi1> -> vector<16xf32>
        %parallel_loop3A_479 = arith.index_cast %parallel_loop3A_475 : i32 to index
        %parallel_loop3A_480 = tpu.vector_load %arg7[%parallel_loop3A_479] masked %eq3A_6 {strides = array<i32>} : memref<16016xf32, #tpu.memory_space<vmem>>, vector<16xf32>, vector<16xi1>
        tpu.vector_store %arg7[%parallel_loop3A_479], %parallel_loop3A_478 masked %eq3A_6 {strides = array<i32>} : memref<16016xf32, #tpu.memory_space<vmem>>, vector<16xf32>, vector<16xi1>
        %parallel_loop3A_481 = arith.constant 10 : i32
        %parallel_loop3A_482 = arith.muli %parallel_loop3A_153, %parallel_loop3A_481 : i32
        %parallel_loop3A_483 = arith.constant 5 : i32
        %parallel_loop3A_484 = arith.addi %parallel_loop3A_482, %parallel_loop3A_483 : i32
        %parallel_loop3A_485 = arith.addi %mul3A_144, %parallel_loop3A_484 : i32
        %parallel_loop3A_486 = arith.index_cast %parallel_loop3A_485 : i32 to index
        %parallel_loop3A_487 = arith.constant 0 : index
        %parallel_loop3A_488 = tpu.vector_load %arg8[%parallel_loop3A_486, %parallel_loop3A_487] {strides = array<i32>} : memref<640x128xf32, #tpu.memory_space<vmem>>, vector<16xf32>,
        %parallel_loop3A_489 = arith.mulf %parallel_loop3A_488, %parallel_loop3A_157 : vector<16xf32>
        %parallel_loop3A_490 = arith.addi %mul3A_144, %parallel_loop3A_484 : i32
        %parallel_loop3A_491 = arith.index_cast %parallel_loop3A_490 : i32 to index
        %parallel_loop3A_492 = arith.constant 16 : index
        %parallel_loop3A_493 = tpu.vector_load %arg8[%parallel_loop3A_491, %parallel_loop3A_492] {strides = array<i32>} : memref<640x128xf32, #tpu.memory_space<vmem>>, vector<16xf32>,
        %parallel_loop3A_494 = arith.mulf %parallel_loop3A_493, %parallel_loop3A_161 : vector<16xf32>
        %parallel_loop3A_495 = arith.addi %mul3A_144, %parallel_loop3A_484 : i32
        %parallel_loop3A_496 = arith.index_cast %parallel_loop3A_495 : i32 to index
        %parallel_loop3A_497 = arith.constant 32 : index
        %parallel_loop3A_498 = tpu.vector_load %arg8[%parallel_loop3A_496, %parallel_loop3A_497] {strides = array<i32>} : memref<640x128xf32, #tpu.memory_space<vmem>>, vector<16xf32>,
        %parallel_loop3A_499 = arith.mulf %parallel_loop3A_498, %parallel_loop3A_165 : vector<16xf32>
        %parallel_loop3A_500 = arith.addi %mul3A_144, %parallel_loop3A_484 : i32
        %parallel_loop3A_501 = arith.index_cast %parallel_loop3A_500 : i32 to index
        %parallel_loop3A_502 = arith.constant 48 : index
        %parallel_loop3A_503 = tpu.vector_load %arg8[%parallel_loop3A_501, %parallel_loop3A_502] {strides = array<i32>} : memref<640x128xf32, #tpu.memory_space<vmem>>, vector<16xf32>,
        %parallel_loop3A_504 = arith.mulf %parallel_loop3A_503, %parallel_loop3A_169 : vector<16xf32>
        %parallel_loop3A_505 = arith.addi %mul3A_144, %parallel_loop3A_484 : i32
        %parallel_loop3A_506 = arith.index_cast %parallel_loop3A_505 : i32 to index
        %parallel_loop3A_507 = arith.constant 64 : index
        %parallel_loop3A_508 = tpu.vector_load %arg8[%parallel_loop3A_506, %parallel_loop3A_507] {strides = array<i32>} : memref<640x128xf32, #tpu.memory_space<vmem>>, vector<16xf32>,
        %parallel_loop3A_509 = arith.mulf %parallel_loop3A_508, %parallel_loop3A_173 : vector<16xf32>
        %parallel_loop3A_510 = arith.addi %mul3A_144, %parallel_loop3A_484 : i32
        %parallel_loop3A_511 = arith.index_cast %parallel_loop3A_510 : i32 to index
        %parallel_loop3A_512 = arith.constant 80 : index
        %parallel_loop3A_513 = tpu.vector_load %arg8[%parallel_loop3A_511, %parallel_loop3A_512] {strides = array<i32>} : memref<640x128xf32, #tpu.memory_space<vmem>>, vector<16xf32>,
        %parallel_loop3A_514 = arith.mulf %parallel_loop3A_513, %parallel_loop3A_177 : vector<16xf32>
        %parallel_loop3A_515 = arith.addi %mul3A_144, %parallel_loop3A_484 : i32
        %parallel_loop3A_516 = arith.index_cast %parallel_loop3A_515 : i32 to index
        %parallel_loop3A_517 = arith.constant 96 : index
        %parallel_loop3A_518 = tpu.vector_load %arg8[%parallel_loop3A_516, %parallel_loop3A_517] {strides = array<i32>} : memref<640x128xf32, #tpu.memory_space<vmem>>, vector<16xf32>,
        %parallel_loop3A_519 = arith.mulf %parallel_loop3A_518, %parallel_loop3A_181 : vector<16xf32>
        %parallel_loop3A_520 = arith.addi %mul3A_144, %parallel_loop3A_484 : i32
        %parallel_loop3A_521 = arith.index_cast %parallel_loop3A_520 : i32 to index
        %parallel_loop3A_522 = arith.constant 112 : index
        %parallel_loop3A_523 = tpu.vector_load %arg8[%parallel_loop3A_521, %parallel_loop3A_522] {strides = array<i32>} : memref<640x128xf32, #tpu.memory_space<vmem>>, vector<16xf32>,
        %parallel_loop3A_524 = arith.mulf %parallel_loop3A_523, %parallel_loop3A_185 : vector<16xf32>
        %parallel_loop3A_525 = arith.addf %parallel_loop3A_489, %parallel_loop3A_494 : vector<16xf32>
        %parallel_loop3A_526 = arith.addf %parallel_loop3A_499, %parallel_loop3A_504 : vector<16xf32>
        %parallel_loop3A_527 = arith.addf %parallel_loop3A_525, %parallel_loop3A_526 : vector<16xf32>
        %parallel_loop3A_528 = arith.addf %parallel_loop3A_509, %parallel_loop3A_514 : vector<16xf32>
        %parallel_loop3A_529 = arith.addf %parallel_loop3A_519, %parallel_loop3A_524 : vector<16xf32>
        %parallel_loop3A_530 = arith.addf %parallel_loop3A_528, %parallel_loop3A_529 : vector<16xf32>
        %parallel_loop3A_531 = arith.addf %parallel_loop3A_527, %parallel_loop3A_530 : vector<16xf32>
        %parallel_loop3A_532 = arith.constant 160 : i32
        %parallel_loop3A_533 = arith.muli %scan3A_123, %parallel_loop3A_532 : i32
        %parallel_loop3A_534 = arith.addi %parallel_loop3A_533, %parallel_loop3A_484 : i32
        %parallel_loop3A_535 = arith.constant true
        %parallel_loop3A_536 = vector.broadcast %parallel_loop3A_535 : i1 to vector<16xi1>
        %parallel_loop3A_537 = tpu.scan <sum>, %parallel_loop3A_531 masked %parallel_loop3A_536 : vector<16xf32>, vector<16xi1> -> vector<16xf32>
        %parallel_loop3A_538 = arith.index_cast %parallel_loop3A_534 : i32 to index
        %parallel_loop3A_539 = tpu.vector_load %arg7[%parallel_loop3A_538] masked %eq3A_6 {strides = array<i32>} : memref<16016xf32, #tpu.memory_space<vmem>>, vector<16xf32>, vector<16xi1>
        tpu.vector_store %arg7[%parallel_loop3A_538], %parallel_loop3A_537 masked %eq3A_6 {strides = array<i32>} : memref<16016xf32, #tpu.memory_space<vmem>>, vector<16xf32>, vector<16xi1>
        %parallel_loop3A_540 = arith.constant 10 : i32
        %parallel_loop3A_541 = arith.muli %parallel_loop3A_153, %parallel_loop3A_540 : i32
        %parallel_loop3A_542 = arith.constant 6 : i32
        %parallel_loop3A_543 = arith.addi %parallel_loop3A_541, %parallel_loop3A_542 : i32
        %parallel_loop3A_544 = arith.addi %mul3A_144, %parallel_loop3A_543 : i32
        %parallel_loop3A_545 = arith.index_cast %parallel_loop3A_544 : i32 to index
        %parallel_loop3A_546 = arith.constant 0 : index
        %parallel_loop3A_547 = tpu.vector_load %arg8[%parallel_loop3A_545, %parallel_loop3A_546] {strides = array<i32>} : memref<640x128xf32, #tpu.memory_space<vmem>>, vector<16xf32>,
        %parallel_loop3A_548 = arith.mulf %parallel_loop3A_547, %parallel_loop3A_157 : vector<16xf32>
        %parallel_loop3A_549 = arith.addi %mul3A_144, %parallel_loop3A_543 : i32
        %parallel_loop3A_550 = arith.index_cast %parallel_loop3A_549 : i32 to index
        %parallel_loop3A_551 = arith.constant 16 : index
        %parallel_loop3A_552 = tpu.vector_load %arg8[%parallel_loop3A_550, %parallel_loop3A_551] {strides = array<i32>} : memref<640x128xf32, #tpu.memory_space<vmem>>, vector<16xf32>,
        %parallel_loop3A_553 = arith.mulf %parallel_loop3A_552, %parallel_loop3A_161 : vector<16xf32>
        %parallel_loop3A_554 = arith.addi %mul3A_144, %parallel_loop3A_543 : i32
        %parallel_loop3A_555 = arith.index_cast %parallel_loop3A_554 : i32 to index
        %parallel_loop3A_556 = arith.constant 32 : index
        %parallel_loop3A_557 = tpu.vector_load %arg8[%parallel_loop3A_555, %parallel_loop3A_556] {strides = array<i32>} : memref<640x128xf32, #tpu.memory_space<vmem>>, vector<16xf32>,
        %parallel_loop3A_558 = arith.mulf %parallel_loop3A_557, %parallel_loop3A_165 : vector<16xf32>
        %parallel_loop3A_559 = arith.addi %mul3A_144, %parallel_loop3A_543 : i32
        %parallel_loop3A_560 = arith.index_cast %parallel_loop3A_559 : i32 to index
        %parallel_loop3A_561 = arith.constant 48 : index
        %parallel_loop3A_562 = tpu.vector_load %arg8[%parallel_loop3A_560, %parallel_loop3A_561] {strides = array<i32>} : memref<640x128xf32, #tpu.memory_space<vmem>>, vector<16xf32>,
        %parallel_loop3A_563 = arith.mulf %parallel_loop3A_562, %parallel_loop3A_169 : vector<16xf32>
        %parallel_loop3A_564 = arith.addi %mul3A_144, %parallel_loop3A_543 : i32
        %parallel_loop3A_565 = arith.index_cast %parallel_loop3A_564 : i32 to index
        %parallel_loop3A_566 = arith.constant 64 : index
        %parallel_loop3A_567 = tpu.vector_load %arg8[%parallel_loop3A_565, %parallel_loop3A_566] {strides = array<i32>} : memref<640x128xf32, #tpu.memory_space<vmem>>, vector<16xf32>,
        %parallel_loop3A_568 = arith.mulf %parallel_loop3A_567, %parallel_loop3A_173 : vector<16xf32>
        %parallel_loop3A_569 = arith.addi %mul3A_144, %parallel_loop3A_543 : i32
        %parallel_loop3A_570 = arith.index_cast %parallel_loop3A_569 : i32 to index
        %parallel_loop3A_571 = arith.constant 80 : index
        %parallel_loop3A_572 = tpu.vector_load %arg8[%parallel_loop3A_570, %parallel_loop3A_571] {strides = array<i32>} : memref<640x128xf32, #tpu.memory_space<vmem>>, vector<16xf32>,
        %parallel_loop3A_573 = arith.mulf %parallel_loop3A_572, %parallel_loop3A_177 : vector<16xf32>
        %parallel_loop3A_574 = arith.addi %mul3A_144, %parallel_loop3A_543 : i32
        %parallel_loop3A_575 = arith.index_cast %parallel_loop3A_574 : i32 to index
        %parallel_loop3A_576 = arith.constant 96 : index
        %parallel_loop3A_577 = tpu.vector_load %arg8[%parallel_loop3A_575, %parallel_loop3A_576] {strides = array<i32>} : memref<640x128xf32, #tpu.memory_space<vmem>>, vector<16xf32>,
        %parallel_loop3A_578 = arith.mulf %parallel_loop3A_577, %parallel_loop3A_181 : vector<16xf32>
        %parallel_loop3A_579 = arith.addi %mul3A_144, %parallel_loop3A_543 : i32
        %parallel_loop3A_580 = arith.index_cast %parallel_loop3A_579 : i32 to index
        %parallel_loop3A_581 = arith.constant 112 : index
        %parallel_loop3A_582 = tpu.vector_load %arg8[%parallel_loop3A_580, %parallel_loop3A_581] {strides = array<i32>} : memref<640x128xf32, #tpu.memory_space<vmem>>, vector<16xf32>,
        %parallel_loop3A_583 = arith.mulf %parallel_loop3A_582, %parallel_loop3A_185 : vector<16xf32>
        %parallel_loop3A_584 = arith.addf %parallel_loop3A_548, %parallel_loop3A_553 : vector<16xf32>
        %parallel_loop3A_585 = arith.addf %parallel_loop3A_558, %parallel_loop3A_563 : vector<16xf32>
        %parallel_loop3A_586 = arith.addf %parallel_loop3A_584, %parallel_loop3A_585 : vector<16xf32>
        %parallel_loop3A_587 = arith.addf %parallel_loop3A_568, %parallel_loop3A_573 : vector<16xf32>
        %parallel_loop3A_588 = arith.addf %parallel_loop3A_578, %parallel_loop3A_583 : vector<16xf32>
        %parallel_loop3A_589 = arith.addf %parallel_loop3A_587, %parallel_loop3A_588 : vector<16xf32>
        %parallel_loop3A_590 = arith.addf %parallel_loop3A_586, %parallel_loop3A_589 : vector<16xf32>
        %parallel_loop3A_591 = arith.constant 160 : i32
        %parallel_loop3A_592 = arith.muli %scan3A_123, %parallel_loop3A_591 : i32
        %parallel_loop3A_593 = arith.addi %parallel_loop3A_592, %parallel_loop3A_543 : i32
        %parallel_loop3A_594 = arith.constant true
        %parallel_loop3A_595 = vector.broadcast %parallel_loop3A_594 : i1 to vector<16xi1>
        %parallel_loop3A_596 = tpu.scan <sum>, %parallel_loop3A_590 masked %parallel_loop3A_595 : vector<16xf32>, vector<16xi1> -> vector<16xf32>
        %parallel_loop3A_597 = arith.index_cast %parallel_loop3A_593 : i32 to index
        %parallel_loop3A_598 = tpu.vector_load %arg7[%parallel_loop3A_597] masked %eq3A_6 {strides = array<i32>} : memref<16016xf32, #tpu.memory_space<vmem>>, vector<16xf32>, vector<16xi1>
        tpu.vector_store %arg7[%parallel_loop3A_597], %parallel_loop3A_596 masked %eq3A_6 {strides = array<i32>} : memref<16016xf32, #tpu.memory_space<vmem>>, vector<16xf32>, vector<16xi1>
        %parallel_loop3A_599 = arith.constant 10 : i32
        %parallel_loop3A_600 = arith.muli %parallel_loop3A_153, %parallel_loop3A_599 : i32
        %parallel_loop3A_601 = arith.constant 7 : i32
        %parallel_loop3A_602 = arith.addi %parallel_loop3A_600, %parallel_loop3A_601 : i32
        %parallel_loop3A_603 = arith.addi %mul3A_144, %parallel_loop3A_602 : i32
        %parallel_loop3A_604 = arith.index_cast %parallel_loop3A_603 : i32 to index
        %parallel_loop3A_605 = arith.constant 0 : index
        %parallel_loop3A_606 = tpu.vector_load %arg8[%parallel_loop3A_604, %parallel_loop3A_605] {strides = array<i32>} : memref<640x128xf32, #tpu.memory_space<vmem>>, vector<16xf32>,
        %parallel_loop3A_607 = arith.mulf %parallel_loop3A_606, %parallel_loop3A_157 : vector<16xf32>
        %parallel_loop3A_608 = arith.addi %mul3A_144, %parallel_loop3A_602 : i32
        %parallel_loop3A_609 = arith.index_cast %parallel_loop3A_608 : i32 to index
        %parallel_loop3A_610 = arith.constant 16 : index
        %parallel_loop3A_611 = tpu.vector_load %arg8[%parallel_loop3A_609, %parallel_loop3A_610] {strides = array<i32>} : memref<640x128xf32, #tpu.memory_space<vmem>>, vector<16xf32>,
        %parallel_loop3A_612 = arith.mulf %parallel_loop3A_611, %parallel_loop3A_161 : vector<16xf32>
        %parallel_loop3A_613 = arith.addi %mul3A_144, %parallel_loop3A_602 : i32
        %parallel_loop3A_614 = arith.index_cast %parallel_loop3A_613 : i32 to index
        %parallel_loop3A_615 = arith.constant 32 : index
        %parallel_loop3A_616 = tpu.vector_load %arg8[%parallel_loop3A_614, %parallel_loop3A_615] {strides = array<i32>} : memref<640x128xf32, #tpu.memory_space<vmem>>, vector<16xf32>,
        %parallel_loop3A_617 = arith.mulf %parallel_loop3A_616, %parallel_loop3A_165 : vector<16xf32>
        %parallel_loop3A_618 = arith.addi %mul3A_144, %parallel_loop3A_602 : i32
        %parallel_loop3A_619 = arith.index_cast %parallel_loop3A_618 : i32 to index
        %parallel_loop3A_620 = arith.constant 48 : index
        %parallel_loop3A_621 = tpu.vector_load %arg8[%parallel_loop3A_619, %parallel_loop3A_620] {strides = array<i32>} : memref<640x128xf32, #tpu.memory_space<vmem>>, vector<16xf32>,
        %parallel_loop3A_622 = arith.mulf %parallel_loop3A_621, %parallel_loop3A_169 : vector<16xf32>
        %parallel_loop3A_623 = arith.addi %mul3A_144, %parallel_loop3A_602 : i32
        %parallel_loop3A_624 = arith.index_cast %parallel_loop3A_623 : i32 to index
        %parallel_loop3A_625 = arith.constant 64 : index
        %parallel_loop3A_626 = tpu.vector_load %arg8[%parallel_loop3A_624, %parallel_loop3A_625] {strides = array<i32>} : memref<640x128xf32, #tpu.memory_space<vmem>>, vector<16xf32>,
        %parallel_loop3A_627 = arith.mulf %parallel_loop3A_626, %parallel_loop3A_173 : vector<16xf32>
        %parallel_loop3A_628 = arith.addi %mul3A_144, %parallel_loop3A_602 : i32
        %parallel_loop3A_629 = arith.index_cast %parallel_loop3A_628 : i32 to index
        %parallel_loop3A_630 = arith.constant 80 : index
        %parallel_loop3A_631 = tpu.vector_load %arg8[%parallel_loop3A_629, %parallel_loop3A_630] {strides = array<i32>} : memref<640x128xf32, #tpu.memory_space<vmem>>, vector<16xf32>,
        %parallel_loop3A_632 = arith.mulf %parallel_loop3A_631, %parallel_loop3A_177 : vector<16xf32>
        %parallel_loop3A_633 = arith.addi %mul3A_144, %parallel_loop3A_602 : i32
        %parallel_loop3A_634 = arith.index_cast %parallel_loop3A_633 : i32 to index
        %parallel_loop3A_635 = arith.constant 96 : index
        %parallel_loop3A_636 = tpu.vector_load %arg8[%parallel_loop3A_634, %parallel_loop3A_635] {strides = array<i32>} : memref<640x128xf32, #tpu.memory_space<vmem>>, vector<16xf32>,
        %parallel_loop3A_637 = arith.mulf %parallel_loop3A_636, %parallel_loop3A_181 : vector<16xf32>
        %parallel_loop3A_638 = arith.addi %mul3A_144, %parallel_loop3A_602 : i32
        %parallel_loop3A_639 = arith.index_cast %parallel_loop3A_638 : i32 to index
        %parallel_loop3A_640 = arith.constant 112 : index
        %parallel_loop3A_641 = tpu.vector_load %arg8[%parallel_loop3A_639, %parallel_loop3A_640] {strides = array<i32>} : memref<640x128xf32, #tpu.memory_space<vmem>>, vector<16xf32>,
        %parallel_loop3A_642 = arith.mulf %parallel_loop3A_641, %parallel_loop3A_185 : vector<16xf32>
        %parallel_loop3A_643 = arith.addf %parallel_loop3A_607, %parallel_loop3A_612 : vector<16xf32>
        %parallel_loop3A_644 = arith.addf %parallel_loop3A_617, %parallel_loop3A_622 : vector<16xf32>
        %parallel_loop3A_645 = arith.addf %parallel_loop3A_643, %parallel_loop3A_644 : vector<16xf32>
        %parallel_loop3A_646 = arith.addf %parallel_loop3A_627, %parallel_loop3A_632 : vector<16xf32>
        %parallel_loop3A_647 = arith.addf %parallel_loop3A_637, %parallel_loop3A_642 : vector<16xf32>
        %parallel_loop3A_648 = arith.addf %parallel_loop3A_646, %parallel_loop3A_647 : vector<16xf32>
        %parallel_loop3A_649 = arith.addf %parallel_loop3A_645, %parallel_loop3A_648 : vector<16xf32>
        %parallel_loop3A_650 = arith.constant 160 : i32
        %parallel_loop3A_651 = arith.muli %scan3A_123, %parallel_loop3A_650 : i32
        %parallel_loop3A_652 = arith.addi %parallel_loop3A_651, %parallel_loop3A_602 : i32
        %parallel_loop3A_653 = arith.constant true
        %parallel_loop3A_654 = vector.broadcast %parallel_loop3A_653 : i1 to vector<16xi1>
        %parallel_loop3A_655 = tpu.scan <sum>, %parallel_loop3A_649 masked %parallel_loop3A_654 : vector<16xf32>, vector<16xi1> -> vector<16xf32>
        %parallel_loop3A_656 = arith.index_cast %parallel_loop3A_652 : i32 to index
        %parallel_loop3A_657 = tpu.vector_load %arg7[%parallel_loop3A_656] masked %eq3A_6 {strides = array<i32>} : memref<16016xf32, #tpu.memory_space<vmem>>, vector<16xf32>, vector<16xi1>
        tpu.vector_store %arg7[%parallel_loop3A_656], %parallel_loop3A_655 masked %eq3A_6 {strides = array<i32>} : memref<16016xf32, #tpu.memory_space<vmem>>, vector<16xf32>, vector<16xi1>
        %parallel_loop3A_658 = arith.constant 10 : i32
        %parallel_loop3A_659 = arith.muli %parallel_loop3A_153, %parallel_loop3A_658 : i32
        %parallel_loop3A_660 = arith.constant 8 : i32
        %parallel_loop3A_661 = arith.addi %parallel_loop3A_659, %parallel_loop3A_660 : i32
        %parallel_loop3A_662 = arith.addi %mul3A_144, %parallel_loop3A_661 : i32
        %parallel_loop3A_663 = arith.index_cast %parallel_loop3A_662 : i32 to index
        %parallel_loop3A_664 = arith.constant 0 : index
        %parallel_loop3A_665 = tpu.vector_load %arg8[%parallel_loop3A_663, %parallel_loop3A_664] {strides = array<i32>} : memref<640x128xf32, #tpu.memory_space<vmem>>, vector<16xf32>,
        %parallel_loop3A_666 = arith.mulf %parallel_loop3A_665, %parallel_loop3A_157 : vector<16xf32>
        %parallel_loop3A_667 = arith.addi %mul3A_144, %parallel_loop3A_661 : i32
        %parallel_loop3A_668 = arith.index_cast %parallel_loop3A_667 : i32 to index
        %parallel_loop3A_669 = arith.constant 16 : index
        %parallel_loop3A_670 = tpu.vector_load %arg8[%parallel_loop3A_668, %parallel_loop3A_669] {strides = array<i32>} : memref<640x128xf32, #tpu.memory_space<vmem>>, vector<16xf32>,
        %parallel_loop3A_671 = arith.mulf %parallel_loop3A_670, %parallel_loop3A_161 : vector<16xf32>
        %parallel_loop3A_672 = arith.addi %mul3A_144, %parallel_loop3A_661 : i32
        %parallel_loop3A_673 = arith.index_cast %parallel_loop3A_672 : i32 to index
        %parallel_loop3A_674 = arith.constant 32 : index
        %parallel_loop3A_675 = tpu.vector_load %arg8[%parallel_loop3A_673, %parallel_loop3A_674] {strides = array<i32>} : memref<640x128xf32, #tpu.memory_space<vmem>>, vector<16xf32>,
        %parallel_loop3A_676 = arith.mulf %parallel_loop3A_675, %parallel_loop3A_165 : vector<16xf32>
        %parallel_loop3A_677 = arith.addi %mul3A_144, %parallel_loop3A_661 : i32
        %parallel_loop3A_678 = arith.index_cast %parallel_loop3A_677 : i32 to index
        %parallel_loop3A_679 = arith.constant 48 : index
        %parallel_loop3A_680 = tpu.vector_load %arg8[%parallel_loop3A_678, %parallel_loop3A_679] {strides = array<i32>} : memref<640x128xf32, #tpu.memory_space<vmem>>, vector<16xf32>,
        %parallel_loop3A_681 = arith.mulf %parallel_loop3A_680, %parallel_loop3A_169 : vector<16xf32>
        %parallel_loop3A_682 = arith.addi %mul3A_144, %parallel_loop3A_661 : i32
        %parallel_loop3A_683 = arith.index_cast %parallel_loop3A_682 : i32 to index
        %parallel_loop3A_684 = arith.constant 64 : index
        %parallel_loop3A_685 = tpu.vector_load %arg8[%parallel_loop3A_683, %parallel_loop3A_684] {strides = array<i32>} : memref<640x128xf32, #tpu.memory_space<vmem>>, vector<16xf32>,
        %parallel_loop3A_686 = arith.mulf %parallel_loop3A_685, %parallel_loop3A_173 : vector<16xf32>
        %parallel_loop3A_687 = arith.addi %mul3A_144, %parallel_loop3A_661 : i32
        %parallel_loop3A_688 = arith.index_cast %parallel_loop3A_687 : i32 to index
        %parallel_loop3A_689 = arith.constant 80 : index
        %parallel_loop3A_690 = tpu.vector_load %arg8[%parallel_loop3A_688, %parallel_loop3A_689] {strides = array<i32>} : memref<640x128xf32, #tpu.memory_space<vmem>>, vector<16xf32>,
        %parallel_loop3A_691 = arith.mulf %parallel_loop3A_690, %parallel_loop3A_177 : vector<16xf32>
        %parallel_loop3A_692 = arith.addi %mul3A_144, %parallel_loop3A_661 : i32
        %parallel_loop3A_693 = arith.index_cast %parallel_loop3A_692 : i32 to index
        %parallel_loop3A_694 = arith.constant 96 : index
        %parallel_loop3A_695 = tpu.vector_load %arg8[%parallel_loop3A_693, %parallel_loop3A_694] {strides = array<i32>} : memref<640x128xf32, #tpu.memory_space<vmem>>, vector<16xf32>,
        %parallel_loop3A_696 = arith.mulf %parallel_loop3A_695, %parallel_loop3A_181 : vector<16xf32>
        %parallel_loop3A_697 = arith.addi %mul3A_144, %parallel_loop3A_661 : i32
        %parallel_loop3A_698 = arith.index_cast %parallel_loop3A_697 : i32 to index
        %parallel_loop3A_699 = arith.constant 112 : index
        %parallel_loop3A_700 = tpu.vector_load %arg8[%parallel_loop3A_698, %parallel_loop3A_699] {strides = array<i32>} : memref<640x128xf32, #tpu.memory_space<vmem>>, vector<16xf32>,
        %parallel_loop3A_701 = arith.mulf %parallel_loop3A_700, %parallel_loop3A_185 : vector<16xf32>
        %parallel_loop3A_702 = arith.addf %parallel_loop3A_666, %parallel_loop3A_671 : vector<16xf32>
        %parallel_loop3A_703 = arith.addf %parallel_loop3A_676, %parallel_loop3A_681 : vector<16xf32>
        %parallel_loop3A_704 = arith.addf %parallel_loop3A_702, %parallel_loop3A_703 : vector<16xf32>
        %parallel_loop3A_705 = arith.addf %parallel_loop3A_686, %parallel_loop3A_691 : vector<16xf32>
        %parallel_loop3A_706 = arith.addf %parallel_loop3A_696, %parallel_loop3A_701 : vector<16xf32>
        %parallel_loop3A_707 = arith.addf %parallel_loop3A_705, %parallel_loop3A_706 : vector<16xf32>
        %parallel_loop3A_708 = arith.addf %parallel_loop3A_704, %parallel_loop3A_707 : vector<16xf32>
        %parallel_loop3A_709 = arith.constant 160 : i32
        %parallel_loop3A_710 = arith.muli %scan3A_123, %parallel_loop3A_709 : i32
        %parallel_loop3A_711 = arith.addi %parallel_loop3A_710, %parallel_loop3A_661 : i32
        %parallel_loop3A_712 = arith.constant true
        %parallel_loop3A_713 = vector.broadcast %parallel_loop3A_712 : i1 to vector<16xi1>
        %parallel_loop3A_714 = tpu.scan <sum>, %parallel_loop3A_708 masked %parallel_loop3A_713 : vector<16xf32>, vector<16xi1> -> vector<16xf32>
        %parallel_loop3A_715 = arith.index_cast %parallel_loop3A_711 : i32 to index
        %parallel_loop3A_716 = tpu.vector_load %arg7[%parallel_loop3A_715] masked %eq3A_6 {strides = array<i32>} : memref<16016xf32, #tpu.memory_space<vmem>>, vector<16xf32>, vector<16xi1>
        tpu.vector_store %arg7[%parallel_loop3A_715], %parallel_loop3A_714 masked %eq3A_6 {strides = array<i32>} : memref<16016xf32, #tpu.memory_space<vmem>>, vector<16xf32>, vector<16xi1>
        %parallel_loop3A_717 = arith.constant 10 : i32
        %parallel_loop3A_718 = arith.muli %parallel_loop3A_153, %parallel_loop3A_717 : i32
        %parallel_loop3A_719 = arith.constant 9 : i32
        %parallel_loop3A_720 = arith.addi %parallel_loop3A_718, %parallel_loop3A_719 : i32
        %parallel_loop3A_721 = arith.addi %mul3A_144, %parallel_loop3A_720 : i32
        %parallel_loop3A_722 = arith.index_cast %parallel_loop3A_721 : i32 to index
        %parallel_loop3A_723 = arith.constant 0 : index
        %parallel_loop3A_724 = tpu.vector_load %arg8[%parallel_loop3A_722, %parallel_loop3A_723] {strides = array<i32>} : memref<640x128xf32, #tpu.memory_space<vmem>>, vector<16xf32>,
        %parallel_loop3A_725 = arith.mulf %parallel_loop3A_724, %parallel_loop3A_157 : vector<16xf32>
        %parallel_loop3A_726 = arith.addi %mul3A_144, %parallel_loop3A_720 : i32
        %parallel_loop3A_727 = arith.index_cast %parallel_loop3A_726 : i32 to index
        %parallel_loop3A_728 = arith.constant 16 : index
        %parallel_loop3A_729 = tpu.vector_load %arg8[%parallel_loop3A_727, %parallel_loop3A_728] {strides = array<i32>} : memref<640x128xf32, #tpu.memory_space<vmem>>, vector<16xf32>,
        %parallel_loop3A_730 = arith.mulf %parallel_loop3A_729, %parallel_loop3A_161 : vector<16xf32>
        %parallel_loop3A_731 = arith.addi %mul3A_144, %parallel_loop3A_720 : i32
        %parallel_loop3A_732 = arith.index_cast %parallel_loop3A_731 : i32 to index
        %parallel_loop3A_733 = arith.constant 32 : index
        %parallel_loop3A_734 = tpu.vector_load %arg8[%parallel_loop3A_732, %parallel_loop3A_733] {strides = array<i32>} : memref<640x128xf32, #tpu.memory_space<vmem>>, vector<16xf32>,
        %parallel_loop3A_735 = arith.mulf %parallel_loop3A_734, %parallel_loop3A_165 : vector<16xf32>
        %parallel_loop3A_736 = arith.addi %mul3A_144, %parallel_loop3A_720 : i32
        %parallel_loop3A_737 = arith.index_cast %parallel_loop3A_736 : i32 to index
        %parallel_loop3A_738 = arith.constant 48 : index
        %parallel_loop3A_739 = tpu.vector_load %arg8[%parallel_loop3A_737, %parallel_loop3A_738] {strides = array<i32>} : memref<640x128xf32, #tpu.memory_space<vmem>>, vector<16xf32>,
        %parallel_loop3A_740 = arith.mulf %parallel_loop3A_739, %parallel_loop3A_169 : vector<16xf32>
        %parallel_loop3A_741 = arith.addi %mul3A_144, %parallel_loop3A_720 : i32
        %parallel_loop3A_742 = arith.index_cast %parallel_loop3A_741 : i32 to index
        %parallel_loop3A_743 = arith.constant 64 : index
        %parallel_loop3A_744 = tpu.vector_load %arg8[%parallel_loop3A_742, %parallel_loop3A_743] {strides = array<i32>} : memref<640x128xf32, #tpu.memory_space<vmem>>, vector<16xf32>,
        %parallel_loop3A_745 = arith.mulf %parallel_loop3A_744, %parallel_loop3A_173 : vector<16xf32>
        %parallel_loop3A_746 = arith.addi %mul3A_144, %parallel_loop3A_720 : i32
        %parallel_loop3A_747 = arith.index_cast %parallel_loop3A_746 : i32 to index
        %parallel_loop3A_748 = arith.constant 80 : index
        %parallel_loop3A_749 = tpu.vector_load %arg8[%parallel_loop3A_747, %parallel_loop3A_748] {strides = array<i32>} : memref<640x128xf32, #tpu.memory_space<vmem>>, vector<16xf32>,
        %parallel_loop3A_750 = arith.mulf %parallel_loop3A_749, %parallel_loop3A_177 : vector<16xf32>
        %parallel_loop3A_751 = arith.addi %mul3A_144, %parallel_loop3A_720 : i32
        %parallel_loop3A_752 = arith.index_cast %parallel_loop3A_751 : i32 to index
        %parallel_loop3A_753 = arith.constant 96 : index
        %parallel_loop3A_754 = tpu.vector_load %arg8[%parallel_loop3A_752, %parallel_loop3A_753] {strides = array<i32>} : memref<640x128xf32, #tpu.memory_space<vmem>>, vector<16xf32>,
        %parallel_loop3A_755 = arith.mulf %parallel_loop3A_754, %parallel_loop3A_181 : vector<16xf32>
        %parallel_loop3A_756 = arith.addi %mul3A_144, %parallel_loop3A_720 : i32
        %parallel_loop3A_757 = arith.index_cast %parallel_loop3A_756 : i32 to index
        %parallel_loop3A_758 = arith.constant 112 : index
        %parallel_loop3A_759 = tpu.vector_load %arg8[%parallel_loop3A_757, %parallel_loop3A_758] {strides = array<i32>} : memref<640x128xf32, #tpu.memory_space<vmem>>, vector<16xf32>,
        %parallel_loop3A_760 = arith.mulf %parallel_loop3A_759, %parallel_loop3A_185 : vector<16xf32>
        %parallel_loop3A_761 = arith.addf %parallel_loop3A_725, %parallel_loop3A_730 : vector<16xf32>
        %parallel_loop3A_762 = arith.addf %parallel_loop3A_735, %parallel_loop3A_740 : vector<16xf32>
        %parallel_loop3A_763 = arith.addf %parallel_loop3A_761, %parallel_loop3A_762 : vector<16xf32>
        %parallel_loop3A_764 = arith.addf %parallel_loop3A_745, %parallel_loop3A_750 : vector<16xf32>
        %parallel_loop3A_765 = arith.addf %parallel_loop3A_755, %parallel_loop3A_760 : vector<16xf32>
        %parallel_loop3A_766 = arith.addf %parallel_loop3A_764, %parallel_loop3A_765 : vector<16xf32>
        %parallel_loop3A_767 = arith.addf %parallel_loop3A_763, %parallel_loop3A_766 : vector<16xf32>
        %parallel_loop3A_768 = arith.constant 160 : i32
        %parallel_loop3A_769 = arith.muli %scan3A_123, %parallel_loop3A_768 : i32
        %parallel_loop3A_770 = arith.addi %parallel_loop3A_769, %parallel_loop3A_720 : i32
        %parallel_loop3A_771 = arith.constant true
        %parallel_loop3A_772 = vector.broadcast %parallel_loop3A_771 : i1 to vector<16xi1>
        %parallel_loop3A_773 = tpu.scan <sum>, %parallel_loop3A_767 masked %parallel_loop3A_772 : vector<16xf32>, vector<16xi1> -> vector<16xf32>
        %parallel_loop3A_774 = arith.index_cast %parallel_loop3A_770 : i32 to index
        %parallel_loop3A_775 = tpu.vector_load %arg7[%parallel_loop3A_774] masked %eq3A_6 {strides = array<i32>} : memref<16016xf32, #tpu.memory_space<vmem>>, vector<16xf32>, vector<16xi1>
        tpu.vector_store %arg7[%parallel_loop3A_774], %parallel_loop3A_773 masked %eq3A_6 {strides = array<i32>} : memref<16016xf32, #tpu.memory_space<vmem>>, vector<16xf32>, vector<16xi1>
      } {sc.loop_unroll_factor = 2 : i64, sc.parallel_access}
      %lt3A = arith.constant 96 : i32
      %lt3A_149 = arith.cmpi slt, %scan3A_123, %lt3A : i32
      %convert_element_type3A_150 = arith.extui %lt3A_149 : i1 to i32
      %cond3A_151 = arith.constant 0 : i32
      %cond3A_152 = arith.cmpi ne, %convert_element_type3A_150, %cond3A_151 : i32
      scf.if %cond3A_152 {
        %eq3A_153 = arith.constant 0 : i32
        %eq3A_154 = arith.cmpi eq, %rem3A_124, %eq3A_153 : i32
        %convert_element_type3A_155 = arith.extui %eq3A_154 : i1 to i32
        %cond3A_156 = arith.constant 0 : i32
        %cond3A_157 = arith.cmpi ne, %convert_element_type3A_155, %cond3A_156 : i32
        scf.if %cond3A_157 {
          %add3A_173 = arith.constant 4 : i32
          %add3A_174 = arith.addi %scan3A_123, %add3A_173 : i32
          %mul3A_175 = arith.constant 160 : i32
          %mul3A_176 = arith.muli %add3A_174, %mul3A_175 : i32
          %add3A_177 = arith.constant 0 : i32
          %add3A_178 = arith.addi %mul3A_176, %add3A_177 : i32
          %dma_start3A_179 = arith.constant 0 : i32
          %dma_start3A_180 = arith.constant 0 : i32
          %dma_start3A_181 = tpu.memref_slice %arg8[%dma_start3A_179, %dma_start3A_180] : memref<640x128xf32, #tpu.memory_space<vmem>> -> memref<128x128xf32, #tpu.memory_space<vmem>>
          %dma_start3A_182 = tpu.memref_slice %arg6[%add3A_178] : memref<16000xi32, #tpu.memory_space<vmem>> -> memref<128xi32, #tpu.memory_space<vmem>>
          %dma_start3A_183 = arith.constant 0 : i32
          %dma_start3A_184 = arith.constant 0 : i32
          %dma_start3A_185 = tpu.memref_slice %arg4[%dma_start3A_183, %dma_start3A_184] : memref<100000x128xf32, #tpu.memory_space<hbm>> -> memref<100000x128xf32, #tpu.memory_space<hbm>>
          tpu.enqueue_indirect_dma source(%dma_start3A_185 : memref<100000x128xf32, #tpu.memory_space<hbm>>) target(%dma_start3A_181 : memref<128x128xf32, #tpu.memory_space<vmem>>) offsets(%dma_start3A_182 : memref<128xi32, #tpu.memory_space<vmem>>) semaphore(%arg10 : memref<!tpu.dma_semaphore, #tpu.memory_space<semaphore_mem>>)
          %mul3A_186 = arith.constant 160 : i32
          %mul3A_187 = arith.muli %add3A_174, %mul3A_186 : i32
          %add3A_188 = arith.constant 128 : i32
          %add3A_189 = arith.addi %mul3A_187, %add3A_188 : i32
          %dma_start3A_190 = arith.constant 128 : i32
          %dma_start3A_191 = arith.constant 0 : i32
          %dma_start3A_192 = tpu.memref_slice %arg8[%dma_start3A_190, %dma_start3A_191] : memref<640x128xf32, #tpu.memory_space<vmem>> -> memref<32x128xf32, #tpu.memory_space<vmem>>
          %dma_start3A_193 = tpu.memref_slice %arg6[%add3A_189] : memref<16000xi32, #tpu.memory_space<vmem>> -> memref<32xi32, #tpu.memory_space<vmem>>
          %dma_start3A_194 = arith.constant 0 : i32
          %dma_start3A_195 = arith.constant 0 : i32
          %dma_start3A_196 = tpu.memref_slice %arg4[%dma_start3A_194, %dma_start3A_195] : memref<100000x128xf32, #tpu.memory_space<hbm>> -> memref<100000x128xf32, #tpu.memory_space<hbm>>
          tpu.enqueue_indirect_dma source(%dma_start3A_196 : memref<100000x128xf32, #tpu.memory_space<hbm>>) target(%dma_start3A_192 : memref<32x128xf32, #tpu.memory_space<vmem>>) offsets(%dma_start3A_193 : memref<32xi32, #tpu.memory_space<vmem>>) semaphore(%arg10 : memref<!tpu.dma_semaphore, #tpu.memory_space<semaphore_mem>>)
          %mul3A_197 = arith.constant 16 : i32
          %mul3A_198 = arith.muli %add3A_174, %mul3A_197 : i32
          %add3A_199 = arith.addi %mul3A_2, %mul3A_198 : i32
          %dma_start3A_200 = arith.constant 0 : i32
          %dma_start3A_201 = arith.constant 0 : i32
          %dma_start3A_202 = tpu.memref_slice %arg9[%dma_start3A_200, %dma_start3A_201] : memref<64x128xf32, #tpu.memory_space<vmem>> -> memref<16x128xf32, #tpu.memory_space<vmem>>
          %dma_start3A_203 = arith.constant 0 : i32
          %dma_start3A_204 = tpu.memref_slice %arg3[%add3A_199, %dma_start3A_203] : memref<51200x128xf32, #tpu.memory_space<hbm>> -> memref<16x128xf32, #tpu.memory_space<hbm>>
          %dma_start3A_205 = arith.constant 0 : i32
          %dma_start3A_206 = arith.constant 0 : i32
          %dma_start3A_207 = tpu.memref_slice %arg9[%dma_start3A_205, %dma_start3A_206] : memref<64x128xf32, #tpu.memory_space<vmem>> -> memref<16x128xf32, #tpu.memory_space<vmem>>
          %dma_start3A_208 = arith.constant 0 : i32
          %dma_start3A_209 = tpu.memref_slice %arg3[%add3A_199, %dma_start3A_208] : memref<51200x128xf32, #tpu.memory_space<hbm>> -> memref<16x128xf32, #tpu.memory_space<hbm>>
          tpu.enqueue_dma source(%dma_start3A_209 : memref<16x128xf32, #tpu.memory_space<hbm>>) target(%dma_start3A_207 : memref<16x128xf32, #tpu.memory_space<vmem>>) target_semaphore(%arg14 : memref<!tpu.dma_semaphore, #tpu.memory_space<semaphore_mem>>)
        } else {
        }
        %eq3A_158 = arith.constant 1 : i32
        %eq3A_159 = arith.cmpi eq, %rem3A_124, %eq3A_158 : i32
        %convert_element_type3A_160 = arith.extui %eq3A_159 : i1 to i32
        %cond3A_161 = arith.constant 0 : i32
        %cond3A_162 = arith.cmpi ne, %convert_element_type3A_160, %cond3A_161 : i32
        scf.if %cond3A_162 {
          %add3A_173 = arith.constant 4 : i32
          %add3A_174 = arith.addi %scan3A_123, %add3A_173 : i32
          %mul3A_175 = arith.constant 160 : i32
          %mul3A_176 = arith.muli %add3A_174, %mul3A_175 : i32
          %add3A_177 = arith.constant 0 : i32
          %add3A_178 = arith.addi %mul3A_176, %add3A_177 : i32
          %dma_start3A_179 = arith.constant 160 : i32
          %dma_start3A_180 = arith.constant 0 : i32
          %dma_start3A_181 = tpu.memref_slice %arg8[%dma_start3A_179, %dma_start3A_180] : memref<640x128xf32, #tpu.memory_space<vmem>> -> memref<128x128xf32, #tpu.memory_space<vmem>>
          %dma_start3A_182 = tpu.memref_slice %arg6[%add3A_178] : memref<16000xi32, #tpu.memory_space<vmem>> -> memref<128xi32, #tpu.memory_space<vmem>>
          %dma_start3A_183 = arith.constant 0 : i32
          %dma_start3A_184 = arith.constant 0 : i32
          %dma_start3A_185 = tpu.memref_slice %arg4[%dma_start3A_183, %dma_start3A_184] : memref<100000x128xf32, #tpu.memory_space<hbm>> -> memref<100000x128xf32, #tpu.memory_space<hbm>>
          tpu.enqueue_indirect_dma source(%dma_start3A_185 : memref<100000x128xf32, #tpu.memory_space<hbm>>) target(%dma_start3A_181 : memref<128x128xf32, #tpu.memory_space<vmem>>) offsets(%dma_start3A_182 : memref<128xi32, #tpu.memory_space<vmem>>) semaphore(%arg11 : memref<!tpu.dma_semaphore, #tpu.memory_space<semaphore_mem>>)
          %mul3A_186 = arith.constant 160 : i32
          %mul3A_187 = arith.muli %add3A_174, %mul3A_186 : i32
          %add3A_188 = arith.constant 128 : i32
          %add3A_189 = arith.addi %mul3A_187, %add3A_188 : i32
          %dma_start3A_190 = arith.constant 288 : i32
          %dma_start3A_191 = arith.constant 0 : i32
          %dma_start3A_192 = tpu.memref_slice %arg8[%dma_start3A_190, %dma_start3A_191] : memref<640x128xf32, #tpu.memory_space<vmem>> -> memref<32x128xf32, #tpu.memory_space<vmem>>
          %dma_start3A_193 = tpu.memref_slice %arg6[%add3A_189] : memref<16000xi32, #tpu.memory_space<vmem>> -> memref<32xi32, #tpu.memory_space<vmem>>
          %dma_start3A_194 = arith.constant 0 : i32
          %dma_start3A_195 = arith.constant 0 : i32
          %dma_start3A_196 = tpu.memref_slice %arg4[%dma_start3A_194, %dma_start3A_195] : memref<100000x128xf32, #tpu.memory_space<hbm>> -> memref<100000x128xf32, #tpu.memory_space<hbm>>
          tpu.enqueue_indirect_dma source(%dma_start3A_196 : memref<100000x128xf32, #tpu.memory_space<hbm>>) target(%dma_start3A_192 : memref<32x128xf32, #tpu.memory_space<vmem>>) offsets(%dma_start3A_193 : memref<32xi32, #tpu.memory_space<vmem>>) semaphore(%arg11 : memref<!tpu.dma_semaphore, #tpu.memory_space<semaphore_mem>>)
          %mul3A_197 = arith.constant 16 : i32
          %mul3A_198 = arith.muli %add3A_174, %mul3A_197 : i32
          %add3A_199 = arith.addi %mul3A_2, %mul3A_198 : i32
          %dma_start3A_200 = arith.constant 16 : i32
          %dma_start3A_201 = arith.constant 0 : i32
          %dma_start3A_202 = tpu.memref_slice %arg9[%dma_start3A_200, %dma_start3A_201] : memref<64x128xf32, #tpu.memory_space<vmem>> -> memref<16x128xf32, #tpu.memory_space<vmem>>
          %dma_start3A_203 = arith.constant 0 : i32
          %dma_start3A_204 = tpu.memref_slice %arg3[%add3A_199, %dma_start3A_203] : memref<51200x128xf32, #tpu.memory_space<hbm>> -> memref<16x128xf32, #tpu.memory_space<hbm>>
          %dma_start3A_205 = arith.constant 16 : i32
          %dma_start3A_206 = arith.constant 0 : i32
          %dma_start3A_207 = tpu.memref_slice %arg9[%dma_start3A_205, %dma_start3A_206] : memref<64x128xf32, #tpu.memory_space<vmem>> -> memref<16x128xf32, #tpu.memory_space<vmem>>
          %dma_start3A_208 = arith.constant 0 : i32
          %dma_start3A_209 = tpu.memref_slice %arg3[%add3A_199, %dma_start3A_208] : memref<51200x128xf32, #tpu.memory_space<hbm>> -> memref<16x128xf32, #tpu.memory_space<hbm>>
          tpu.enqueue_dma source(%dma_start3A_209 : memref<16x128xf32, #tpu.memory_space<hbm>>) target(%dma_start3A_207 : memref<16x128xf32, #tpu.memory_space<vmem>>) target_semaphore(%arg15 : memref<!tpu.dma_semaphore, #tpu.memory_space<semaphore_mem>>)
        } else {
        }
        %eq3A_163 = arith.constant 2 : i32
        %eq3A_164 = arith.cmpi eq, %rem3A_124, %eq3A_163 : i32
        %convert_element_type3A_165 = arith.extui %eq3A_164 : i1 to i32
        %cond3A_166 = arith.constant 0 : i32
        %cond3A_167 = arith.cmpi ne, %convert_element_type3A_165, %cond3A_166 : i32
        scf.if %cond3A_167 {
          %add3A_173 = arith.constant 4 : i32
          %add3A_174 = arith.addi %scan3A_123, %add3A_173 : i32
          %mul3A_175 = arith.constant 160 : i32
          %mul3A_176 = arith.muli %add3A_174, %mul3A_175 : i32
          %add3A_177 = arith.constant 0 : i32
          %add3A_178 = arith.addi %mul3A_176, %add3A_177 : i32
          %dma_start3A_179 = arith.constant 320 : i32
          %dma_start3A_180 = arith.constant 0 : i32
          %dma_start3A_181 = tpu.memref_slice %arg8[%dma_start3A_179, %dma_start3A_180] : memref<640x128xf32, #tpu.memory_space<vmem>> -> memref<128x128xf32, #tpu.memory_space<vmem>>
          %dma_start3A_182 = tpu.memref_slice %arg6[%add3A_178] : memref<16000xi32, #tpu.memory_space<vmem>> -> memref<128xi32, #tpu.memory_space<vmem>>
          %dma_start3A_183 = arith.constant 0 : i32
          %dma_start3A_184 = arith.constant 0 : i32
          %dma_start3A_185 = tpu.memref_slice %arg4[%dma_start3A_183, %dma_start3A_184] : memref<100000x128xf32, #tpu.memory_space<hbm>> -> memref<100000x128xf32, #tpu.memory_space<hbm>>
          tpu.enqueue_indirect_dma source(%dma_start3A_185 : memref<100000x128xf32, #tpu.memory_space<hbm>>) target(%dma_start3A_181 : memref<128x128xf32, #tpu.memory_space<vmem>>) offsets(%dma_start3A_182 : memref<128xi32, #tpu.memory_space<vmem>>) semaphore(%arg12 : memref<!tpu.dma_semaphore, #tpu.memory_space<semaphore_mem>>)
          %mul3A_186 = arith.constant 160 : i32
          %mul3A_187 = arith.muli %add3A_174, %mul3A_186 : i32
          %add3A_188 = arith.constant 128 : i32
          %add3A_189 = arith.addi %mul3A_187, %add3A_188 : i32
          %dma_start3A_190 = arith.constant 448 : i32
          %dma_start3A_191 = arith.constant 0 : i32
          %dma_start3A_192 = tpu.memref_slice %arg8[%dma_start3A_190, %dma_start3A_191] : memref<640x128xf32, #tpu.memory_space<vmem>> -> memref<32x128xf32, #tpu.memory_space<vmem>>
          %dma_start3A_193 = tpu.memref_slice %arg6[%add3A_189] : memref<16000xi32, #tpu.memory_space<vmem>> -> memref<32xi32, #tpu.memory_space<vmem>>
          %dma_start3A_194 = arith.constant 0 : i32
          %dma_start3A_195 = arith.constant 0 : i32
          %dma_start3A_196 = tpu.memref_slice %arg4[%dma_start3A_194, %dma_start3A_195] : memref<100000x128xf32, #tpu.memory_space<hbm>> -> memref<100000x128xf32, #tpu.memory_space<hbm>>
          tpu.enqueue_indirect_dma source(%dma_start3A_196 : memref<100000x128xf32, #tpu.memory_space<hbm>>) target(%dma_start3A_192 : memref<32x128xf32, #tpu.memory_space<vmem>>) offsets(%dma_start3A_193 : memref<32xi32, #tpu.memory_space<vmem>>) semaphore(%arg12 : memref<!tpu.dma_semaphore, #tpu.memory_space<semaphore_mem>>)
          %mul3A_197 = arith.constant 16 : i32
          %mul3A_198 = arith.muli %add3A_174, %mul3A_197 : i32
          %add3A_199 = arith.addi %mul3A_2, %mul3A_198 : i32
          %dma_start3A_200 = arith.constant 32 : i32
          %dma_start3A_201 = arith.constant 0 : i32
          %dma_start3A_202 = tpu.memref_slice %arg9[%dma_start3A_200, %dma_start3A_201] : memref<64x128xf32, #tpu.memory_space<vmem>> -> memref<16x128xf32, #tpu.memory_space<vmem>>
          %dma_start3A_203 = arith.constant 0 : i32
          %dma_start3A_204 = tpu.memref_slice %arg3[%add3A_199, %dma_start3A_203] : memref<51200x128xf32, #tpu.memory_space<hbm>> -> memref<16x128xf32, #tpu.memory_space<hbm>>
          %dma_start3A_205 = arith.constant 32 : i32
          %dma_start3A_206 = arith.constant 0 : i32
          %dma_start3A_207 = tpu.memref_slice %arg9[%dma_start3A_205, %dma_start3A_206] : memref<64x128xf32, #tpu.memory_space<vmem>> -> memref<16x128xf32, #tpu.memory_space<vmem>>
          %dma_start3A_208 = arith.constant 0 : i32
          %dma_start3A_209 = tpu.memref_slice %arg3[%add3A_199, %dma_start3A_208] : memref<51200x128xf32, #tpu.memory_space<hbm>> -> memref<16x128xf32, #tpu.memory_space<hbm>>
          tpu.enqueue_dma source(%dma_start3A_209 : memref<16x128xf32, #tpu.memory_space<hbm>>) target(%dma_start3A_207 : memref<16x128xf32, #tpu.memory_space<vmem>>) target_semaphore(%arg16 : memref<!tpu.dma_semaphore, #tpu.memory_space<semaphore_mem>>)
        } else {
        }
        %eq3A_168 = arith.constant 3 : i32
        %eq3A_169 = arith.cmpi eq, %rem3A_124, %eq3A_168 : i32
        %convert_element_type3A_170 = arith.extui %eq3A_169 : i1 to i32
        %cond3A_171 = arith.constant 0 : i32
        %cond3A_172 = arith.cmpi ne, %convert_element_type3A_170, %cond3A_171 : i32
        scf.if %cond3A_172 {
          %add3A_173 = arith.constant 4 : i32
          %add3A_174 = arith.addi %scan3A_123, %add3A_173 : i32
          %mul3A_175 = arith.constant 160 : i32
          %mul3A_176 = arith.muli %add3A_174, %mul3A_175 : i32
          %add3A_177 = arith.constant 0 : i32
          %add3A_178 = arith.addi %mul3A_176, %add3A_177 : i32
          %dma_start3A_179 = arith.constant 480 : i32
          %dma_start3A_180 = arith.constant 0 : i32
          %dma_start3A_181 = tpu.memref_slice %arg8[%dma_start3A_179, %dma_start3A_180] : memref<640x128xf32, #tpu.memory_space<vmem>> -> memref<128x128xf32, #tpu.memory_space<vmem>>
          %dma_start3A_182 = tpu.memref_slice %arg6[%add3A_178] : memref<16000xi32, #tpu.memory_space<vmem>> -> memref<128xi32, #tpu.memory_space<vmem>>
          %dma_start3A_183 = arith.constant 0 : i32
          %dma_start3A_184 = arith.constant 0 : i32
          %dma_start3A_185 = tpu.memref_slice %arg4[%dma_start3A_183, %dma_start3A_184] : memref<100000x128xf32, #tpu.memory_space<hbm>> -> memref<100000x128xf32, #tpu.memory_space<hbm>>
          tpu.enqueue_indirect_dma source(%dma_start3A_185 : memref<100000x128xf32, #tpu.memory_space<hbm>>) target(%dma_start3A_181 : memref<128x128xf32, #tpu.memory_space<vmem>>) offsets(%dma_start3A_182 : memref<128xi32, #tpu.memory_space<vmem>>) semaphore(%arg13 : memref<!tpu.dma_semaphore, #tpu.memory_space<semaphore_mem>>)
          %mul3A_186 = arith.constant 160 : i32
          %mul3A_187 = arith.muli %add3A_174, %mul3A_186 : i32
          %add3A_188 = arith.constant 128 : i32
          %add3A_189 = arith.addi %mul3A_187, %add3A_188 : i32
          %dma_start3A_190 = arith.constant 608 : i32
          %dma_start3A_191 = arith.constant 0 : i32
          %dma_start3A_192 = tpu.memref_slice %arg8[%dma_start3A_190, %dma_start3A_191] : memref<640x128xf32, #tpu.memory_space<vmem>> -> memref<32x128xf32, #tpu.memory_space<vmem>>
          %dma_start3A_193 = tpu.memref_slice %arg6[%add3A_189] : memref<16000xi32, #tpu.memory_space<vmem>> -> memref<32xi32, #tpu.memory_space<vmem>>
          %dma_start3A_194 = arith.constant 0 : i32
          %dma_start3A_195 = arith.constant 0 : i32
          %dma_start3A_196 = tpu.memref_slice %arg4[%dma_start3A_194, %dma_start3A_195] : memref<100000x128xf32, #tpu.memory_space<hbm>> -> memref<100000x128xf32, #tpu.memory_space<hbm>>
          tpu.enqueue_indirect_dma source(%dma_start3A_196 : memref<100000x128xf32, #tpu.memory_space<hbm>>) target(%dma_start3A_192 : memref<32x128xf32, #tpu.memory_space<vmem>>) offsets(%dma_start3A_193 : memref<32xi32, #tpu.memory_space<vmem>>) semaphore(%arg13 : memref<!tpu.dma_semaphore, #tpu.memory_space<semaphore_mem>>)
          %mul3A_197 = arith.constant 16 : i32
          %mul3A_198 = arith.muli %add3A_174, %mul3A_197 : i32
          %add3A_199 = arith.addi %mul3A_2, %mul3A_198 : i32
          %dma_start3A_200 = arith.constant 48 : i32
          %dma_start3A_201 = arith.constant 0 : i32
          %dma_start3A_202 = tpu.memref_slice %arg9[%dma_start3A_200, %dma_start3A_201] : memref<64x128xf32, #tpu.memory_space<vmem>> -> memref<16x128xf32, #tpu.memory_space<vmem>>
          %dma_start3A_203 = arith.constant 0 : i32
          %dma_start3A_204 = tpu.memref_slice %arg3[%add3A_199, %dma_start3A_203] : memref<51200x128xf32, #tpu.memory_space<hbm>> -> memref<16x128xf32, #tpu.memory_space<hbm>>
          %dma_start3A_205 = arith.constant 48 : i32
          %dma_start3A_206 = arith.constant 0 : i32
          %dma_start3A_207 = tpu.memref_slice %arg9[%dma_start3A_205, %dma_start3A_206] : memref<64x128xf32, #tpu.memory_space<vmem>> -> memref<16x128xf32, #tpu.memory_space<vmem>>
          %dma_start3A_208 = arith.constant 0 : i32
          %dma_start3A_209 = tpu.memref_slice %arg3[%add3A_199, %dma_start3A_208] : memref<51200x128xf32, #tpu.memory_space<hbm>> -> memref<16x128xf32, #tpu.memory_space<hbm>>
          tpu.enqueue_dma source(%dma_start3A_209 : memref<16x128xf32, #tpu.memory_space<hbm>>) target(%dma_start3A_207 : memref<16x128xf32, #tpu.memory_space<vmem>>) target_semaphore(%arg17 : memref<!tpu.dma_semaphore, #tpu.memory_space<semaphore_mem>>)
        } else {
        }
      } else {
      }
    }
    %scan3A_122 = arith.constant 100 : i32
    "tpu.region"() ({
      %run_scoped3A = tpu.sem_alloc : memref<!tpu.dma_semaphore, #tpu.memory_space<semaphore_mem>>
      %dma_start3A_123 = arith.constant 0 : i32
      %dma_start3A_124 = tpu.memref_slice %arg7[%dma_start3A_123] : memref<16016xf32, #tpu.memory_space<vmem>> -> memref<16000xf32, #tpu.memory_space<vmem>>
      %dma_start3A_125 = tpu.memref_slice %arg5[%mul3A_4] : memref<512000xf32, #tpu.memory_space<hbm>> -> memref<16000xf32, #tpu.memory_space<hbm>>
      %dma_start3A_126 = tpu.memref_slice %arg5[%mul3A_4] : memref<512000xf32, #tpu.memory_space<hbm>> -> memref<16000xf32, #tpu.memory_space<hbm>>
      %dma_start3A_127 = arith.constant 0 : i32
      %dma_start3A_128 = tpu.memref_slice %arg7[%dma_start3A_127] : memref<16016xf32, #tpu.memory_space<vmem>> -> memref<16000xf32, #tpu.memory_space<vmem>>
      tpu.enqueue_dma source(%dma_start3A_128 : memref<16000xf32, #tpu.memory_space<vmem>>) target(%dma_start3A_126 : memref<16000xf32, #tpu.memory_space<hbm>>) target_semaphore(%run_scoped3A : memref<!tpu.dma_semaphore, #tpu.memory_space<semaphore_mem>>)
      %dma_wait3A = arith.constant 0 : i32
      %dma_wait3A_129 = tpu.memref_slice %arg7[%dma_wait3A] : memref<16016xf32, #tpu.memory_space<vmem>> -> memref<16000xf32, #tpu.memory_space<vmem>>
      %dma_wait3A_130 = tpu.memref_slice %arg5[%mul3A_4] : memref<512000xf32, #tpu.memory_space<hbm>> -> memref<16000xf32, #tpu.memory_space<hbm>>
      %dma_wait3A_131 = tpu.memref_slice %arg5[%mul3A_4] : memref<512000xf32, #tpu.memory_space<hbm>> -> memref<16000xf32, #tpu.memory_space<hbm>>
      %dma_wait3A_132 = arith.constant 0 : i32
      %dma_wait3A_133 = tpu.memref_slice %arg7[%dma_wait3A_132] : memref<16016xf32, #tpu.memory_space<vmem>> -> memref<16000xf32, #tpu.memory_space<vmem>>
      tpu.wait_dma2 semaphore(%run_scoped3A : memref<!tpu.dma_semaphore, #tpu.memory_space<semaphore_mem>>) src(%dma_wait3A_133 : memref<16000xf32, #tpu.memory_space<vmem>>) dst(%dma_wait3A_131 : memref<16000xf32, #tpu.memory_space<hbm>>)
      tpu.yield
    }) : () -> ()
    return
  }
}

module attributes {stable_mosaic.version = 14 : i64} {
  func.func @_pos_body(%arg0: i32, %arg1: memref<1x1024x128xf32, #tpu.memory_space<vmem>>, %arg2: memref<1x1024x128xf32, #tpu.memory_space<vmem>>, %arg3: memref<1x1xf32, #tpu.memory_space<smem>>) attributes {dimension_semantics = [#tpu.dimension_semantics<arbitrary>], iteration_bounds = array<i64: 50>, scalar_prefetch = 0 : i64, scratch_operands = 0 : i64, tpu.core_type = #tpu.core_type<tc>, window_params = [{transform_indices = @transform_0, window_bounds = array<i64: 1, 1024, 128>}, {transform_indices = @transform_1, window_bounds = array<i64: 1, 1024, 128>}, {transform_indices = @transform_2, window_bounds = array<i64: 1, 1>}]} {
    %eq3A = arith.constant 0 : i32
    %eq3A_0 = arith.cmpi eq, %arg0, %eq3A : i32
    %convert_element_type3A = arith.extui %eq3A_0 : i1 to i32
    %cond3A = arith.constant 0 : i32
    %cond3A_1 = arith.cmpi ne, %convert_element_type3A, %cond3A : i32
    scf.if %cond3A_1 {
      %swap3A_35 = arith.constant 0.000000e+00 : f32
      %swap3A_36 = arith.constant 0 : index
      %swap3A_37 = arith.constant 0 : index
      %swap3A_38 = memref.load %arg3[%swap3A_36, %swap3A_37] : memref<1x1xf32, #tpu.memory_space<smem>>
      memref.store %swap3A_35, %arg3[%swap3A_36, %swap3A_37] : memref<1x1xf32, #tpu.memory_space<smem>>
    } else {
    }
    %get3A = arith.constant 0 : index
    %get3A_2 = arith.constant 0 : index
    %get3A_3 = arith.constant 0 : index
    %get3A_4 = vector.load %arg1[%get3A, %get3A_2, %get3A_3] : memref<1x1024x128xf32, #tpu.memory_space<vmem>>, vector<1x1024x128xf32>
    %get3A_5 = vector.shape_cast %get3A_4 : vector<1x1024x128xf32> to vector<1024x128xf32>
    %get3A_6 = arith.constant 0 : index
    %get3A_7 = arith.constant 0 : index
    %get3A_8 = arith.constant 0 : index
    %get3A_9 = vector.load %arg2[%get3A_6, %get3A_7, %get3A_8] : memref<1x1024x128xf32, #tpu.memory_space<vmem>>, vector<1x1024x128xf32>
    %get3A_10 = vector.shape_cast %get3A_9 : vector<1x1024x128xf32> to vector<1024x128xf32>
    %mul3A = arith.mulf %get3A_5, %get3A_10 : vector<1024x128xf32>
    %reduce_sum3A = arith.constant dense<0.000000e+00> : vector<1024xf32>
    %reduce_sum3A_11 = vector.multi_reduction <add>, %mul3A, %reduce_sum3A [1] : vector<1024x128xf32> to vector<1024xf32>
    %get3A_12 = arith.constant 0 : index
    %get3A_13 = arith.constant 0 : index
    %get3A_14 = memref.load %arg3[%get3A_12, %get3A_13] : memref<1x1xf32, #tpu.memory_space<smem>>
    %neg3A = arith.constant 0.000000e+00 : f32
    %neg3A_15 = vector.broadcast %neg3A : f32 to vector<1024xf32>
    %neg3A_16 = arith.subf %neg3A_15, %reduce_sum3A_11 : vector<1024xf32>
    %custom_jvp_call3A = arith.constant 0.000000e+00 : f32
    %max3A = vector.broadcast %custom_jvp_call3A : f32 to vector<1024xf32>
    %max3A_17 = arith.maximumf %neg3A_16, %max3A : vector<1024xf32>
    %sub3A = vector.broadcast %custom_jvp_call3A : f32 to vector<1024xf32>
    %sub3A_18 = arith.subf %neg3A_16, %sub3A : vector<1024xf32>
    %ne3A = arith.cmpf one, %sub3A_18, %sub3A_18 : vector<1024xf32>
    %add3A = vector.broadcast %custom_jvp_call3A : f32 to vector<1024xf32>
    %add3A_19 = arith.addf %neg3A_16, %add3A : vector<1024xf32>
    %abs3A = math.absf %sub3A_18 : vector<1024xf32>
    %neg3A_20 = arith.constant 0.000000e+00 : f32
    %neg3A_21 = vector.broadcast %neg3A_20 : f32 to vector<1024xf32>
    %neg3A_22 = arith.subf %neg3A_21, %abs3A : vector<1024xf32>
    %exp3A = math.exp %neg3A_22 : vector<1024xf32>
    %log1p3A = math.log1p %exp3A : vector<1024xf32>
    %add3A_23 = arith.addf %max3A_17, %log1p3A : vector<1024xf32>
    %select_n3A = arith.select %ne3A, %add3A_19, %add3A_23 : vector<1024xi1>, vector<1024xf32>
    %neg3A_24 = arith.constant 0.000000e+00 : f32
    %neg3A_25 = vector.broadcast %neg3A_24 : f32 to vector<1024xf32>
    %neg3A_26 = arith.subf %neg3A_25, %select_n3A : vector<1024xf32>
    %reduce_sum3A_27 = vector.shape_cast %neg3A_26 : vector<1024xf32> to vector<1x1024xf32>
    %reduce_sum3A_28 = arith.constant dense<0.000000e+00> : vector<1xf32>
    %reduce_sum3A_29 = vector.multi_reduction <add>, %reduce_sum3A_27, %reduce_sum3A_28 [1] : vector<1x1024xf32> to vector<1xf32>
    %reduce_sum3A_30 = vector.shape_cast %reduce_sum3A_29 : vector<1xf32> to vector<1x1xf32>
    %reduce_sum3A_31 = vector.extract %reduce_sum3A_30[0, 0] : f32 from vector<1x1xf32>
    %add3A_32 = arith.addf %get3A_14, %reduce_sum3A_31 : f32
    %swap3A = arith.constant 0 : index
    %swap3A_33 = arith.constant 0 : index
    %swap3A_34 = memref.load %arg3[%swap3A, %swap3A_33] : memref<1x1xf32, #tpu.memory_space<smem>>
    memref.store %add3A_32, %arg3[%swap3A, %swap3A_33] : memref<1x1xf32, #tpu.memory_space<smem>>
    return
  }
  func.func @transform_0(%arg0: i32) -> (i32, i32, i32) {
    %c0_i32 = arith.constant 0 : i32
    %c0_i32_0 = arith.constant 0 : i32
    %c0_i32_1 = arith.constant 0 : i32
    return %arg0, %c0_i32, %c0_i32_0 : i32, i32, i32
  }
  func.func @transform_1(%arg0: i32) -> (i32, i32, i32) {
    %c0_i32 = arith.constant 0 : i32
    %c0_i32_0 = arith.constant 0 : i32
    %c0_i32_1 = arith.constant 0 : i32
    return %arg0, %c0_i32, %c0_i32_0 : i32, i32, i32
  }
  func.func @transform_2(%arg0: i32) -> (i32, i32) {
    %c0_i32 = arith.constant 0 : i32
    %c0_i32_0 = arith.constant 0 : i32
    %c0_i32_1 = arith.constant 0 : i32
    return %c0_i32, %c0_i32_0 : i32, i32
  }
}

module attributes {stable_mosaic.version = 14 : i64} {
  func.func @_neg_body(%arg0: memref<512000xf32, #tpu.memory_space<vmem>>, %arg1: memref<1x1xf32, #tpu.memory_space<smem>>) attributes {dimension_semantics = [], scalar_prefetch = 0 : i64, scratch_operands = 0 : i64, tpu.core_type = #tpu.core_type<tc>} {
    %get3A = arith.constant 0 : index
    %get3A_0 = vector.load %arg0[%get3A] : memref<512000xf32, #tpu.memory_space<vmem>>, vector<512000xf32>
    %neg3A = arith.constant 0.000000e+00 : f32
    %neg3A_1 = vector.broadcast %neg3A : f32 to vector<512000xf32>
    %neg3A_2 = arith.subf %neg3A_1, %get3A_0 : vector<512000xf32>
    %neg3A_3 = arith.constant 0.000000e+00 : f32
    %neg3A_4 = vector.broadcast %neg3A_3 : f32 to vector<512000xf32>
    %neg3A_5 = arith.subf %neg3A_4, %neg3A_2 : vector<512000xf32>
    %custom_jvp_call3A = arith.constant 0.000000e+00 : f32
    %max3A = vector.broadcast %custom_jvp_call3A : f32 to vector<512000xf32>
    %max3A_6 = arith.maximumf %neg3A_5, %max3A : vector<512000xf32>
    %sub3A = vector.broadcast %custom_jvp_call3A : f32 to vector<512000xf32>
    %sub3A_7 = arith.subf %neg3A_5, %sub3A : vector<512000xf32>
    %ne3A = arith.cmpf one, %sub3A_7, %sub3A_7 : vector<512000xf32>
    %add3A = vector.broadcast %custom_jvp_call3A : f32 to vector<512000xf32>
    %add3A_8 = arith.addf %neg3A_5, %add3A : vector<512000xf32>
    %abs3A = math.absf %sub3A_7 : vector<512000xf32>
    %neg3A_9 = arith.constant 0.000000e+00 : f32
    %neg3A_10 = vector.broadcast %neg3A_9 : f32 to vector<512000xf32>
    %neg3A_11 = arith.subf %neg3A_10, %abs3A : vector<512000xf32>
    %exp3A = math.exp %neg3A_11 : vector<512000xf32>
    %log1p3A = math.log1p %exp3A : vector<512000xf32>
    %add3A_12 = arith.addf %max3A_6, %log1p3A : vector<512000xf32>
    %select_n3A = arith.select %ne3A, %add3A_8, %add3A_12 : vector<512000xi1>, vector<512000xf32>
    %neg3A_13 = arith.constant 0.000000e+00 : f32
    %neg3A_14 = vector.broadcast %neg3A_13 : f32 to vector<512000xf32>
    %neg3A_15 = arith.subf %neg3A_14, %select_n3A : vector<512000xf32>
    %reduce_sum3A = vector.shape_cast %neg3A_15 : vector<512000xf32> to vector<1x512000xf32>
    %reduce_sum3A_16 = arith.constant dense<0.000000e+00> : vector<1xf32>
    %reduce_sum3A_17 = vector.multi_reduction <add>, %reduce_sum3A, %reduce_sum3A_16 [1] : vector<1x512000xf32> to vector<1xf32>
    %reduce_sum3A_18 = vector.shape_cast %reduce_sum3A_17 : vector<1xf32> to vector<1x1xf32>
    %reduce_sum3A_19 = vector.extract %reduce_sum3A_18[0, 0] : f32 from vector<1x1xf32>
    %swap3A = arith.constant 0 : index
    %swap3A_20 = arith.constant 0 : index
    %swap3A_21 = memref.load %arg1[%swap3A, %swap3A_20] : memref<1x1xf32, #tpu.memory_space<smem>>
    memref.store %reduce_sum3A_19, %arg1[%swap3A, %swap3A_20] : memref<1x1xf32, #tpu.memory_space<smem>>
    return
  }
}

</mosaic_0001>

<sc_bundles>
// kernel: kernel.5.cloned.1.call-start
scs
__scs_entry_jumppad:
0x0: {  	(pc) =	sbr.rel $0x88, $3  }
0x1: {  	(tag) =	ssettag $0x0;
	lr =	simm.s32 $0x1  }
0x2: {  	[smem:$0x3F9D] =	sst lr;
	_ =	strace $0xD0000000  }
0x3: {  	_ = 	snop  }
0x4: {  	_ = 	snop  }
0x5: {  	_ = 	snop  }
0x6: {  	_ = 	snop  }
0x7: {  	_ = 	snop  }
__scs_overlays_trampoline_lowered:
0x8: {  	[smem:$0x3FAC] =	sst s0  }
0x9: {  	[smem:$0x3FAD] =	sst s1  }
0xa: {  	[smem:$0x3FAE] =	sst s2  }
0xb: {  	[smem:$0x3FAF] =	sst s3  }
0xc: {  	[smem:$0x3FB0] =	sst s4  }
0xd: {  	[smem:$0x3FB1] =	sst s5  }
0xe: {  	[smem:$0x3FB2] =	sst s6  }
0xf: {  	[smem:$0x3FB3] =	sst s7  }
0x10: {  	[smem:$0x3FB4] =	sst s8  }
0x11: {  	[smem:$0x3FB5] =	sst s9;
	s0 =	simm.s32 @!p0 $0x0  }
0x12: {  	s1 =	sld [smem:$0x3F9B];
	s0 =	simm.s32 @p0 $0x1  }
0x13: {  	[smem:$0x3FB6] =	sst s0;
	s0 =	simm.s32 @!p1 $0x0  }
0x14: {  	s2 =	sld [smem:$0x3F9A];
	s0 =	simm.s32 @p1 $0x1  }
0x15: {  	[smem:$0x3FB7] =	sst s0;
	s0 =	simm.s32 @!p2 $0x0  }
0x16: {  	s3 =	sld [smem:$0x3FDB];
	s0 =	simm.s32 @p2 $0x1  }
0x17: {  	s4 =	simm.s32 $0x1BF5;
	[smem:$0x3FB9] =	sst s0  }
0x18: {  	s0 =	sld [smem:$0x3F9C];
	_ =	swait.ge [sflag:s4], $0x0  }
0x19: {  	s7 =	sld [smem:$0x3F9D]  }
0x1a: {  	s8 =	sadd.s32 $0xFFFFE003, lr  }
0x1b: {  	s9 =	sadd.s32 $0xFFFFFEF7, lr;
	s5 =	simm.s32 $0xFFFFFFFF;
	p2 =	slt.u32 s8, $0xFFFFF086  }
0x1c: {  	p1 =	slt.u32 s9, $0xF7A;
	s5 =	simm.s32 @!p2 $0x0  }
0x1d: {  	s5 =	simm.s32 @p1 $0x1;
	p0 =	seq.s32 s7, s2  }
0x1e: {  	s7 =	smul.u32 @!p0 $0xF7A, s2;
	p2 =	seq.s32 @!p0 s5, $0x0  }
0x1f: {  	s9 =	smul.u32 $0xF7A, s1;
	s8 =	simm.s32 @!p0 $0x1BF5;
	p2 =	por !p2, p0  }
0x20: {  	[sflag:s8] =	ssyncset.s32 @!p0 $0xFFFFF086;
	s6 =	sadd.s32 @!p0 s3, s7;
	s7 =	simm.s32 @!p0 $0x108  }
0x21: {  	s3 =	sadd.s32 s3, s9;
	s6 =	sadd.s32 @!p0 $0x88, s6;
	s7 =	simm.s32 @p2 $0x1082  }
0x22: {  	[simem:s7], [sflag:s8] =	dma.local @!p0 [hbm:s6], $0xF7A  }
0x23: {  	s9 =	sor.u32 $0xD0000000, s2;
	s6 =	simm.s32 $0x108;
	_ =	swait.ge @!p0 [sflag:s8], $0x0  }
0x24: {  	s3 =	sadd.s32 $0x88, s3;
	s6 =	simm.s32 @!p1 $0x1082;
	[sflag:s4] =	ssyncset.s32 $0xFFFFF086  }
0x25: {  	[simem:s6], [sflag:s4] =	dma.local [hbm:s3], $0xF7A  }
0x26: {  	[smem:$0x3F9D] =	sst s1;
	(tag) =	ssettag s2;
	_ =	strace s9  }
0x27: {  	s1 =	sld [smem:$0x3FAD]  }
0x28: {  	s2 =	sld [smem:$0x3FAE]  }
0x29: {  	s4 =	sld [smem:$0x3FB0]  }
0x2a: {  	p0 =	seq.s32 s5, $0x0;
	s5 =	sld [smem:$0x3FB1]  }
0x2b: {  	s6 =	sld [smem:$0x3FB2]  }
0x2c: {  	s7 =	sld [smem:$0x3FB3]  }
0x2d: {  	s3 =	simm.s32 $0x108;
	s8 =	sld [smem:$0x3FB4]  }
0x2e: {  	s3 =	simm.s32 @!p0 $0x1082;
	s9 =	sld [smem:$0x3FB5]  }
0x2f: {  	lr =	sadd.s32 s0, s3;
	s0 =	sld [smem:$0x3FAC]  }
0x30: {  	s3 =	sld [smem:$0x3FAF]  }
0x31: {  	[smem:$0x3FB8] =	sst s10  }
0x32: {  	s10 =	sld [smem:$0x3FB6];
	_ =	sdelay $0x3  }
0x33: {  	p0 =	seq.s32 s10, $0x1;
	s10 =	sld [smem:$0x3FB8];
	_ =	sdelay $0x3  }
0x34: {  	[smem:$0x3FB8] =	sst s10  }
0x35: {  	s10 =	sld [smem:$0x3FB7];
	_ =	sdelay $0x3  }
0x36: {  	p1 =	seq.s32 s10, $0x1;
	s10 =	sld [smem:$0x3FB8];
	_ =	sdelay $0x3  }
0x37: {  	[smem:$0x3FB8] =	sst s10  }
0x38: {  	s10 =	sld [smem:$0x3FB9]  }
0x39: {  	_ = 	snop;
	(pc) =	sbr.ind lr, $3  }
0x3a: {  	_ = 	snop  }
0x3b: {  	_ = 	snop  }
0x3c: {  	p2 =	seq.s32 s10, $0x1;
	s10 =	sld [smem:$0x3FB8]  }
0x3d: {  	_ =	shalt  }
0x3e: {  	_ =	shalt  }
0x3f: {  	_ =	shalt  }
0x40: {  	_ =	shalt  }
0x41: {  	_ =	shalt  }
0x42: {  	_ =	shalt  }
0x43: {  	_ =	shalt  }
0x44: {  	_ =	shalt  }
0x45: {  	_ =	shalt  }
0x46: {  	_ =	shalt  }
0x47: {  	_ =	shalt  }
0x48: {  	_ =	shalt  }
0x49: {  	_ =	shalt  }
0x4a: {  	_ =	shalt  }
0x4b: {  	_ =	shalt  }
0x4c: {  	_ =	shalt  }
0x4d: {  	_ =	shalt  }
0x4e: {  	_ =	shalt  }
0x4f: {  	_ =	shalt  }
0x50: {  	_ =	shalt  }
0x51: {  	_ =	shalt  }
0x52: {  	_ =	shalt  }
0x53: {  	_ =	shalt  }
0x54: {  	_ =	shalt  }
0x55: {  	_ =	shalt  }
0x56: {  	_ =	shalt  }
0x57: {  	_ =	shalt  }
0x58: {  	_ =	shalt  }
0x59: {  	_ =	shalt  }
0x5a: {  	_ =	shalt  }
0x5b: {  	_ =	shalt  }
0x5c: {  	_ =	shalt  }
0x5d: {  	_ =	shalt  }
0x5e: {  	_ =	shalt  }
0x5f: {  	_ =	shalt  }
0x60: {  	_ =	shalt  }
0x61: {  	_ =	shalt  }
0x62: {  	_ =	shalt  }
0x63: {  	_ =	shalt  }
0x64: {  	_ =	shalt  }
0x65: {  	_ =	shalt  }
0x66: {  	_ =	shalt  }
0x67: {  	_ =	shalt  }
0x68: {  	_ =	shalt  }
0x69: {  	_ =	shalt  }
0x6a: {  	_ =	shalt  }
0x6b: {  	_ =	shalt  }
0x6c: {  	_ =	shalt  }
0x6d: {  	_ =	shalt  }
0x6e: {  	_ =	shalt  }
0x6f: {  	_ =	shalt  }
0x70: {  	_ =	shalt  }
0x71: {  	_ =	shalt  }
0x72: {  	_ =	shalt  }
0x73: {  	_ =	shalt  }
0x74: {  	_ =	shalt  }
0x75: {  	_ =	shalt  }
0x76: {  	_ =	shalt  }
0x77: {  	_ =	shalt  }
0x78: {  	_ =	shalt  }
0x79: {  	_ =	shalt  }
0x7a: {  	_ =	shalt  }
0x7b: {  	_ =	shalt  }
0x7c: {  	_ =	shalt  }
0x7d: {  	_ =	shalt  }
0x7e: {  	_ =	shalt  }
0x7f: {  	_ =	shalt  }
0x80: {  	_ =	shalt  }
0x81: {  	_ =	shalt  }
0x82: {  	_ =	shalt  }
0x83: {  	_ =	shalt  }
0x84: {  	_ =	shalt  }
0x85: {  	_ =	shalt  }
0x86: {  	_ =	shalt  }
0x87: {  	_ =	shalt  }
.Lfunc_end0:
.L_simem_size_0:
called_computation_lowered:
.L_overlay_start_0:
0x88: {  	s2 =	sld [smem:$0x3FD9]  }
0x89: {  	s3 =	sld [smem:$0x3FFE];
	_ =	sdelay $0x1  }
0x8a: {  	s1 =	srdreg.scid  }
0x8b: {  	s0 =	sand.u32 $0x1, s1  }
0x8c: {  	s17 =	sshll.u32 s0, $0xA;
	s2 =	sadd.s32 s3, s2  }
0x8d: {  	s2 =	sadd.s32 s2, s17  }
0x8e: {  	[smem:$0x3FC4] =	sst s2  }
0x8f: {  	_ = 	snop  }
0x90: {  	s2 =	sld [smem:$0x3FC8]  }
0x91: {  	s18 =	sld [smem:$0x3FC7];
	(tm) =	ssettm $0x1  }
0x92: {  	s4 =	sld [smem:$0x3FFB];
	_ =	sdelay $0x3  }
0x93: {  	_ =	strace s4  }
0x94: {  	s4 =	sld [smem:$0x3FFC];
	_ =	sdelay $0x3  }
0x95: {  	_ =	strace s4  }
0x96: {  	s4 =	sld [smem:$0x3FFD];
	_ =	sdelay $0x3  }
0x97: {  	_ =	strace s4  }
0x98: {  	_ =	strace $0x8FFFFFFF  }
0x99: {  	s19 =	sld [smem:$0x3FDB];
	_ =	sdelay $0x1  }
0x9a: {  	s5 =	simm.s32 $_scs_section_size  }
0x9b: {  	s6 =	simm.s32 $_size__tile_overlayer_lowered;
	s7 =	simm.s32 $_tile_overlayer_lowered  }
0x9c: {  	s22 =	simm.s32 $0x1BFF;
	s21 =	sshll.u32 s7, $0x1;
	s4 =	sadd.s32 s5, s19  }
0x9d: {  	s8 =	simm.s32 $0x0;
	s20 =	sshll.u32 s6, $0x1;
	s6 =	sadd.s32 s21, s4  }
0x9e: {  	[timem:s8], [sflag:s22] =	dma.local [hbm:s6], s20  }
0x9f: {  	_ =	swait.ge [sflag:s22], s20  }
0xa0: {  	s5 =	ssub.s32 $0x0, s20;
	[sflag:s22] =	ssyncset.done $0x0  }
0xa1: {  	[sflag:s22] =	ssyncadd.s32 s5;
	_ =	sdelay $0x1  }
0xa2: {  	s23 =	simm.s32 $0x1B8B  }
0xa3: {  	_ =	swait.ge [sflag:s23], $0x1  }
0xa4: {  	[sflag:s23] =	ssyncset.done $0x0  }
0xa5: {  	s25 =	simm.s32 $0x1B8E;
	s24 =	sld [smem:$0x3FFE];
	[sflag:s23] =	ssyncadd.s32 $0xFFFFFFFF  }
0xa6: {  	s26 =	simm.s32 $execute0_lowered;
	[smem:$0x3FD2] =	sst s25  }
0xa7: {  	s6 =	sshll.u32 s26, $0x1;
	_ =	strace $0x80000046;
	[dreg:$0x1] =	wrdreg $0xFFFFFFFF  }
0xa8: {  	s28 =	simm.s32 $_size_execute0_lowered;
	s4 =	sadd.s32 s4, s6;
	[dreg:$0x0] =	wrdreg $0x0  }
0xa9: {  	s6 =	sshll.u32 s28, $0x1;
	[dreg:$0x2] =	wrdreg s4  }
0xaa: {  	[dreg:$0x3] =	wrdreg s6  }
0xab: {  	[dreg:$0x4] =	wrdreg $0xC0  }
0xac: {  	_ =	task [dreg:s8], $0x5FFFF  }
0xad: {  	[dreg:$0x1] =	wrdreg $0xFFFFFFFF  }
0xae: {  	[dreg:$0x0] =	wrdreg $0x60  }
0xaf: {  	[dreg:$0x2] =	wrdreg s24  }
0xb0: {  	[dreg:$0x3] =	wrdreg s2  }
0xb1: {  	[dreg:$0x4] =	wrdreg s18  }
0xb2: {  	[dreg:$0x5] =	wrdreg $0x9  }
0xb3: {  	_ =	task.clear_ibuf [dreg:s8], $0x6FFFF;
	_ =	strace $0x90000046  }
0xb4: {  	s29 =	simm.s32 $0x9;
	_ =	strace $0x80000048  }
0xb5: {  	_ =	swait.ge [sflag:s29], $0x1  }
0xb6: {  	[sflag:s29] =	ssyncadd.s32 $0xFFFFFFFF  }
0xb7: {  	_ =	strace $0x90000048  }
0xb8: {  	_ =	sfence  }
0xb9: {  	s30 =	sld [smem:$0x0];
	_ =	sdelay $0x2  }
0xba: {  	s31 =	sshll.u32 s1, $0xD;
	s1 =	sshrl.u32 s1, $0x2  }
0xbb: {  	s3 =	sand.u32 $0x4000, s31;
	s1 =	sadd.s32 s1, s30  }
0xbc: {  	s0 =	sor.u32 s3, s0;
	s1 =	sshll.u32 s1, $0x11  }
0xbd: {  	s0 =	sor.u32 s1, s0  }
0xbe: {  	s0 =	sadd.s32 $0x8F2B, s0  }
0xbf: {  	[sflag:s0] =	ssyncadd.remote.s32 $0x1  }
0xc0: {  	_ =	sfence.sel $0xFFFF  }
0xc1: {  	[dreg:$0x0] =	wrdreg $0xFFFFFFFF;
	(pc) =	sbr.abs _section_cstart, $3  }
0xc2: {  	[dreg:$0x1] =	wrdreg $0xFFFFFFFF  }
0xc3: {  	_ =	task.clear_ibuf [dreg:s8], $0x2FFFF;
	_ =	strace $0x9FFFFFFF  }
0xc4: {  	(tm) =	ssettm $0x7FFFFFFF  }
0xc5: {  	_ =	shalt  }
tec
execute0_lowered:
.L_overlay_start_1:
0x0: {  	(tag) =	ssettag $0x1  }
0x1: {  	s0 =	rddreg [dreg:$0x0];
	s1 =	srdreg.scid  }
0x2: {  	s3 =	stileid.u32;
	s2 =	rddreg [dreg:$0x1]  }
0x3: {  	s13 =	simm.s32 $0x9;
	s1 =	sand.u32 $0x1, s1;
	s4 =	sshll.u32 s3, $0x1  }
0x4: {  	s14 =	simm.s32 $0x80;
	s16 =	simm.s32 $0x20;
	s10 =	sor.u32 s1, s4  }
0x5: {  	s15 =	simm.s32 $0x1D580;
	s17 =	simm.s32 $0x3E80;
	s5 =	smul.u32 $0x7D0, s10  }
0x6: {  	s18 =	simm.s32 $0x0;
	s3 =	rddreg [dreg:$0x2];
	s6 =	smul.u32 $0x6400, s10  }
0x7: {  	s4 =	simm.s32 $0x0;
	s1 =	ssub.s32 $0x2, s1;
	s10 =	smul.u32 $0x32000, s10  }
.Ltmp0:
0x8: {  	[smem:$0x7FF] =	sst s4;
	s7 =	sshrl.u32 s1, $0x1;
	(pc) =	sbr.rel .LBB2_1-.Ltmp0, $4  }
0x9: {  	_ =	strace $0x80000047;
	s1 =	ssub.s32 s1, s7;
	s0 =	sadd.s32 s5, s0  }
0xa: {  	s5 =	sadd.s32 s2, s6;
	s12 =	smax.u32 s1, $0x1;
	s1 =	simm.s32 $0x260  }
0xb: {  	s6 =	sadd.s32 $0x600, s0;
	s7 =	sadd.s32 $0x100, s5;
	s8 =	sadd.s32 $0x200, s5  }
0xc: {  	vm0 =	vcmask $0x3F3C;
	s9 =	sadd.s32 $0x300, s5;
	s11 =	sadd.s32 $0x10000, s0;
	s0 =	simm.s32 $0x1AD80  }
.LBB2_12:
0xd: {  	s18 =	sadd.s32 $0x1, s18  }
0xe: {  	p0 =	sne.s32 s18, s12  }
.Ltmp1:
0xf: {  	_ = 	snop;
	(pc) =	sbr.rel @!p0 .LBB2_13-.Ltmp1, $4  }
0x10: {  	[hbm4b:s11+s4] =	stream.linear.scatter [tilespmem:s17], [sflag:$0x9], $0x3E80, $0x38;
	[tilespmem:$0x1DD80] =	vst v63  }
0x11: {  	_ =	swait.ge [sflag:s13], $0x3E80  }
0x12: {  	[sflag:s13] =	ssyncset.done $0x0  }
0x13: {  	[sflag:s13] =	ssyncadd.s32 $0xFFFFC180  }
.LBB2_1:
0x14: {  	[tilespmem:s4], [sflag:$0x9] =	stream.linear.gather [hbm4b:s6+s4], $0x3E80, $0x38;
	[tilespmem:$0x1DD80] =	vst v63  }
0x15: {  	_ =	swait.ge [sflag:s13], $0x3E80  }
0x16: {  	[sflag:s13] =	ssyncset.done $0x0  }
0x17: {  	s19 =	simm.s32 $0x7D80;
	[sflag:s13] =	ssyncadd.s32 $0xFFFFC180  }
0x18: {  	[tilespmem:s19], [sflag:$0x1] =	stream.indirect.gather [hbm4b:s3+s14], $0x80, s4, s14, $0xb8;
	[tilespmem:$0x1DD80] =	vst v63  }
0x19: {  	s29 =	simm.s32 $0xBD80  }
0x1a: {  	[tilespmem:s29], [sflag:$0x1] =	stream.indirect.gather [hbm4b:s3+s16], $0x80, s14, s16, $0xb8;
	[tilespmem:$0x1DD80] =	vst v63  }
0x1b: {  	s30 =	simm.s32 $0x1BD80  }
0x1c: {  	[tilespmem:s30], [sflag:$0x5] =	stream.linear.gather [hbm4b:s5+s4], $0x800, $0x38;
	[tilespmem:$0x1DD80] =	vst v63  }
0x1d: {  	s31 =	simm.s32 $0xA0;
	s20 =	simm.s32 $0xCD80  }
0x1e: {  	[tilespmem:s20], [sflag:$0x2] =	stream.indirect.gather [hbm4b:s3+s14], $0x80, s31, s14, $0xb8;
	[tilespmem:$0x1DD80] =	vst v63  }
0x1f: {  	s21 =	simm.s32 $0x120;
	s22 =	simm.s32 $0x10D80  }
0x20: {  	[tilespmem:s22], [sflag:$0x2] =	stream.indirect.gather [hbm4b:s3+s16], $0x80, s21, s16, $0xb8;
	[tilespmem:$0x1DD80] =	vst v63  }
0x21: {  	s23 =	simm.s32 $0x1C580  }
0x22: {  	[tilespmem:s23], [sflag:$0x6] =	stream.linear.gather [hbm4b:s7+s4], $0x800, $0x38;
	[tilespmem:$0x1DD80] =	vst v63  }
0x23: {  	s24 =	simm.s32 $0x140;
	s25 =	simm.s32 $0x11D80  }
0x24: {  	[tilespmem:s25], [sflag:$0x3] =	stream.indirect.gather [hbm4b:s3+s14], $0x80, s24, s14, $0xb8;
	[tilespmem:$0x1DD80] =	vst v63  }
0x25: {  	s26 =	simm.s32 $0x1C0;
	s28 =	simm.s32 $0x15D80  }
0x26: {  	[tilespmem:s28], [sflag:$0x3] =	stream.indirect.gather [hbm4b:s3+s16], $0x80, s26, s16, $0xb8;
	[tilespmem:$0x1DD80] =	vst v63  }
0x27: {  	s29 =	simm.s32 $0x1CD80  }
0x28: {  	[tilespmem:s29], [sflag:$0x7] =	stream.linear.gather [hbm4b:s8+s4], $0x800, $0x38;
	[tilespmem:$0x1DD80] =	vst v63  }
0x29: {  	s30 =	simm.s32 $0x1E0;
	s31 =	simm.s32 $0x16D80  }
0x2a: {  	[tilespmem:s31], [sflag:$0x4] =	stream.indirect.gather [hbm4b:s3+s14], $0x80, s30, s14, $0xb8;
	[tilespmem:$0x1DD80] =	vst v63  }
.Ltmp2:
0x2b: {  	_ = 	snop;
	(pc) =	sbr.rel .LBB2_2-.Ltmp2, $4  }
0x2c: {  	_ = 	snop  }
0x2d: {  	[tilespmem:s0], [sflag:$0x4] =	stream.indirect.gather [hbm4b:s3+s16], $0x80, s1, s16, $0xb8;
	[tilespmem:$0x1DD80] =	vst v63  }
0x2e: {  	s19 =	simm.s32 $0x3E8A;
	s20 =	simm.s32 $0x0;
	s21 =	simm.s32 $0x0  }
0x2f: {  	[tilespmem:s15], [sflag:$0x8] =	stream.linear.gather [hbm4b:s9+s4], $0x800, $0x38;
	[tilespmem:$0x1DD80] =	vst v63  }
.LBB2_11:
0x30: {  	s21 =	sadd.s32 $0x1, s21  }
0x31: {  	p0 =	sne.s32 s21, $0x64  }
.Ltmp3:
0x32: {  	_ = 	snop;
	(pc) =	sbr.rel @!p0 .LBB2_12-.Ltmp3, $2  }
0x33: {  	_ =	sdelay $0x2  }
0x34: {  	s19 =	sadd.s32 $0xA0, s19;
	s20 =	sadd.s32 $0x1, s20  }
.LBB2_2:
0x35: {  	s22 =	sand.u32 $0x3, s21  }
0x36: {  	p0 =	sgt.s32 s22, $0x1  }
.Ltmp4:
0x37: {  	_ = 	snop;
	(pc) =	sbr.rel @p0 .LBB2_4-.Ltmp4, $1  }
0x38: {  	_ =	sdelay $0x3  }
.Ltmp5:
0x39: {  	p3 =	seq.s32 s22, $0x0;
	(pc) =	sbr.rel .LBB2_7-.Ltmp5, $4  }
0x3a: {  	p0 =	por $0x0, $0x0;
	p2 =	por $0x0, $0x0;
	p1 =	por $0x0, $0x0  }
0x3b: {  	p4 =	por @!p3 $0x1, $0x1;
	s24 =	simm.s32 @!p3 $0x6;
	s23 =	simm.s32 @!p3 $0x2  }
0x3c: {  	p5 =	por @!p3 $0x0, $0x0;
	s23 =	simm.s32 @p3 $0x1;
	s24 =	simm.s32 @p3 $0x5  }
0x3d: {  	p0 =	por @!p3 p5, p5;
	p2 =	por @!p3 p4, p4;
	p1 =	por @!p3 p5, p5  }
.LBB2_4:
0x3e: {  	p0 =	seq.s32 s22, $0x3  }
.Ltmp6:
0x3f: {  	_ = 	snop;
	(pc) =	sbr.rel @!p0 .LBB2_5-.Ltmp6, $1  }
0x40: {  	_ =	sdelay $0x3  }
.Ltmp7:
0x41: {  	(pc) =	sbr.rel .LBB2_7-.Ltmp7, $3  }
0x42: {  	_ =	sdelay $0x1  }
0x43: {  	p2 =	por $0x0, $0x0;
	p0 =	por $0x1, $0x1  }
0x44: {  	s24 =	simm.s32 $0x8;
	s23 =	simm.s32 $0x4;
	p1 =	por $0x0, $0x0  }
.LBB2_5:
0x45: {  	p1 =	por $0x1, $0x1;
	p0 =	por $0x0, $0x0  }
0x46: {  	s24 =	simm.s32 $0x7;
	s23 =	simm.s32 $0x3;
	p2 =	por $0x0, $0x0  }
.LBB2_7:
0x47: {  	_ =	swait.ge [sflag:s23], $0x4000  }
0x48: {  	[sflag:s23] =	ssyncset.done $0x0  }
0x49: {  	[sflag:s23] =	ssyncadd.s32 $0xFFFFC000  }
0x4a: {  	_ =	swait.ge [sflag:s23], $0x1000  }
0x4b: {  	[sflag:s23] =	ssyncset.done $0x0  }
0x4c: {  	[sflag:s23] =	ssyncadd.s32 $0xFFFFF000  }
0x4d: {  	s25 =	sand.u32 $0x3, s20;
	_ =	swait.ge [sflag:s24], $0x800  }
0x4e: {  	s26 =	sshll.u32 s25, $0xB;
	[sflag:s24] =	ssyncset.done $0x0  }
0x4f: {  	s23 =	sadd.s32 $0x1BE00, s26;
	[sflag:s24] =	ssyncadd.s32 $0xFFFFF800  }
0x50: {  	v14 =	vld [tilespmem:s23+$0x0]  }
0x51: {  	v15 =	vld [tilespmem:s23+$0x10]  }
0x52: {  	v12 =	vld [tilespmem:s23+$0x20]  }
0x53: {  	v13 =	vld [tilespmem:s23+$0x30]  }
0x54: {  	s25 =	smul.u32 $0x14000, s25;
	v10 =	vld [tilespmem:s23+$0x40]  }
0x55: {  	v11 =	vld [tilespmem:s23+$0x50]  }
0x56: {  	s24 =	sshrl.u32 s25, $0x2;
	v8 =	vld [tilespmem:s23+$0x60]  }
0x57: {  	s28 =	sadd.s32 $0x8280, s24;
	v9 =	vld [tilespmem:s23+$0x70]  }
0x58: {  	v0 =	vld [tilespmem:s28+$0x0]  }
0x59: {  	v1 =	vld [tilespmem:s28+$0x10]  }
0x5a: {  	v2 =	vld [tilespmem:s28+$0x20]  }
0x5b: {  	v3 =	vld [tilespmem:s28+$0x30]  }
0x5c: {  	v4 =	vld [tilespmem:s28+$0x40]  }
0x5d: {  	v5 =	vld [tilespmem:s28+$0x50]  }
0x5e: {  	v6 =	vld [tilespmem:s28+$0x60]  }
0x5f: {  	v7 =	vld [tilespmem:s28+$0x70];
	_ =	sdelay $0x1  }
0x60: {  	v0 =	vmul.f32 v0, v14;
	v1 =	vmul.f32 v1, v15  }
0x61: {  	v2 =	vmul.f32 v2, v12;
	v3 =	vmul.f32 v3, v13  }
0x62: {  	v4 =	vmul.f32 v4, v10;
	v5 =	vmul.f32 v5, v11  }
0x63: {  	v6 =	vmul.f32 v6, v8;
	v7 =	vmul.f32 v7, v9  }
0x64: {  	v0 =	vadd.f32 v1, v0;
	v1 =	vadd.f32 v3, v2  }
0x65: {  	v2 =	vadd.f32 v5, v4;
	v3 =	vadd.f32 v7, v6;
	_ =	sdelay $0x1  }
0x66: {  	v26 =	vld [tilespmem:s23+$0xFFFFFF90];
	v0 =	vadd.f32 v1, v0;
	v1 =	vadd.f32 v3, v2  }
0x67: {  	v27 =	vld [tilespmem:s23+$0xFFFFFFA0]  }
0x68: {  	v28 =	vld [tilespmem:s23+$0xFFFFFFB0];
	v0 =	vadd.f32 v1, v0  }
0x69: {  	v29 =	vld [tilespmem:s23+$0xFFFFFFC0]  }
0x6a: {  	v30 =	vld [tilespmem:s23+$0xFFFFFFD0];
	(xrf2) =	vadd.scan.msk.f32 $0xffff, v0  }
0x6b: {  	v24 =	vld [tilespmem:s23+$0xFFFFFFE0]  }
0x6c: {  	v25 =	vld [tilespmem:s23+$0xFFFFFFF0]  }
0x6d: {  	v31 =	vld [tilespmem:s23+$0xFFFFFF80]  }
0x6e: {  	v4 =	vld [tilespmem:s28+$0xFFFFFB40]  }
0x6f: {  	v5 =	vld [tilespmem:s28+$0xFFFFFB50]  }
0x70: {  	v6 =	vld [tilespmem:s28+$0xFFFFFB60]  }
0x71: {  	v7 =	vld [tilespmem:s28+$0xFFFFFB70]  }
0x72: {  	v2 =	vld [tilespmem:s28+$0xFFFFFB20]  }
0x73: {  	v3 =	vld [tilespmem:s28+$0xFFFFFB30]  }
0x74: {  	v1 =	vld [tilespmem:s28+$0xFFFFFB10];
	v16, _, _ =	vpop (xrf2)  }
0x75: {  	v0 =	vld [tilespmem:s28+$0xFFFFFB00];
	[tilespmem:s19+$0x0] =	vst.msk vm0, v16  }
0x76: {  	v16 =	vld [tilespmem:s28+$0x80]  }
0x77: {  	v4 =	vmul.f32 v4, v29;
	v5 =	vmul.f32 v5, v30;
	v17 =	vld [tilespmem:s28+$0x90]  }
0x78: {  	v6 =	vmul.f32 v6, v24;
	v7 =	vmul.f32 v7, v25;
	v18 =	vld [tilespmem:s28+$0xA0]  }
0x79: {  	v2 =	vmul.f32 v2, v27;
	v3 =	vmul.f32 v3, v28;
	v19 =	vld [tilespmem:s28+$0xB0]  }
0x7a: {  	v1 =	vmul.f32 v1, v26;
	v0 =	vmul.f32 v0, v31;
	v20 =	vld [tilespmem:s28+$0xC0]  }
0x7b: {  	v2 =	vadd.f32 v3, v2;
	v3 =	vadd.f32 v5, v4;
	v4 =	vld [tilespmem:s28+$0xD0]  }
0x7c: {  	v5 =	vadd.f32 v7, v6;
	v0 =	vadd.f32 v1, v0;
	v1 =	vld [tilespmem:s28+$0xE0]  }
0x7d: {  	v6 =	vld [tilespmem:s28+$0xF0]  }
0x7e: {  	v3 =	vadd.f32 v5, v3;
	v0 =	vadd.f32 v2, v0  }
0x7f: {  	v2 =	vmul.f32 v16, v14;
	v5 =	vmul.f32 v17, v15  }
0x80: {  	v0 =	vadd.f32 v3, v0;
	v3 =	vmul.f32 v18, v12;
	v7 =	vmul.f32 v19, v13  }
0x81: {  	v16 =	vmul.f32 v20, v10;
	v4 =	vmul.f32 v4, v11  }
0x82: {  	(xrf2) =	vadd.scan.msk.f32 $0xffff, v0;
	v1 =	vmul.f32 v1, v8;
	v6 =	vmul.f32 v6, v9  }
0x83: {  	v0 =	vadd.f32 v5, v2;
	v2 =	vadd.f32 v7, v3  }
0x84: {  	v3 =	vadd.f32 v4, v16;
	v1 =	vadd.f32 v6, v1;
	_ =	sdelay $0x1  }
0x85: {  	v0 =	vadd.f32 v2, v0;
	v1 =	vadd.f32 v1, v3;
	_ =	sdelay $0x1  }
0x86: {  	v0 =	vadd.f32 v1, v0;
	_ =	sdelay $0x1  }
0x87: {  	(xrf2) =	vadd.scan.msk.f32 $0xffff, v0;
	_ =	sdelay $0x1  }
0x88: {  	v0, _, _ =	vpop (xrf2)  }
0x89: {  	[tilespmem:s19+$0xFFFFFFF6] =	vst.msk vm0, v0  }
0x8a: {  	v0 =	vld [tilespmem:s28+$0xFFFFFB80]  }
0x8b: {  	v1 =	vld [tilespmem:s28+$0xFFFFFB90]  }
0x8c: {  	v2 =	vld [tilespmem:s28+$0xFFFFFBA0]  }
0x8d: {  	v3 =	vld [tilespmem:s28+$0xFFFFFBB0]  }
0x8e: {  	v4 =	vld [tilespmem:s28+$0xFFFFFBC0]  }
0x8f: {  	v5 =	vld [tilespmem:s28+$0xFFFFFBD0]  }
0x90: {  	v6 =	vld [tilespmem:s28+$0xFFFFFBE0];
	v7, _, _ =	vpop (xrf2)  }
0x91: {  	v16 =	vld [tilespmem:s28+$0xFFFFFBF0];
	[tilespmem:s19+$0x1] =	vst.msk vm0, v7  }
0x92: {  	v7 =	vld [tilespmem:s28+$0x100]  }
0x93: {  	v0 =	vmul.f32 v0, v31;
	v1 =	vmul.f32 v1, v26;
	v17 =	vld [tilespmem:s28+$0x110]  }
0x94: {  	v2 =	vmul.f32 v2, v27;
	v3 =	vmul.f32 v3, v28;
	v18 =	vld [tilespmem:s28+$0x120]  }
0x95: {  	v4 =	vmul.f32 v4, v29;
	v5 =	vmul.f32 v5, v30;
	v19 =	vld [tilespmem:s28+$0x130]  }
0x96: {  	v6 =	vmul.f32 v6, v24;
	v16 =	vmul.f32 v16, v25;
	v20 =	vld [tilespmem:s28+$0x140]  }
0x97: {  	v0 =	vadd.f32 v1, v0;
	v1 =	vadd.f32 v3, v2;
	v2 =	vld [tilespmem:s28+$0x150]  }
0x98: {  	v3 =	vadd.f32 v5, v4;
	v4 =	vadd.f32 v16, v6;
	v5 =	vld [tilespmem:s28+$0x160]  }
0x99: {  	v6 =	vld [tilespmem:s28+$0x170]  }
0x9a: {  	v0 =	vadd.f32 v1, v0;
	v1 =	vadd.f32 v4, v3  }
0x9b: {  	v3 =	vmul.f32 v7, v14;
	v4 =	vmul.f32 v17, v15  }
0x9c: {  	v0 =	vadd.f32 v1, v0;
	v1 =	vmul.f32 v18, v12;
	v7 =	vmul.f32 v19, v13  }
0x9d: {  	v16 =	vmul.f32 v20, v10;
	v2 =	vmul.f32 v2, v11  }
0x9e: {  	v5 =	vmul.f32 v5, v8;
	v6 =	vmul.f32 v6, v9;
	(xrf2) =	vadd.scan.msk.f32 $0xffff, v0  }
0x9f: {  	v0 =	vadd.f32 v4, v3;
	v1 =	vadd.f32 v7, v1  }
0xa0: {  	v2 =	vadd.f32 v2, v16;
	v3 =	vadd.f32 v6, v5;
	_ =	sdelay $0x1  }
0xa1: {  	v0 =	vadd.f32 v1, v0;
	v1 =	vadd.f32 v3, v2;
	_ =	sdelay $0x1  }
0xa2: {  	v0 =	vadd.f32 v1, v0;
	_ =	sdelay $0x1  }
0xa3: {  	(xrf2) =	vadd.scan.msk.f32 $0xffff, v0;
	_ =	sdelay $0x1  }
0xa4: {  	v0, _, _ =	vpop (xrf2)  }
0xa5: {  	[tilespmem:s19+$0xFFFFFFF7] =	vst.msk vm0, v0  }
0xa6: {  	v0 =	vld [tilespmem:s28+$0xFFFFFC00]  }
0xa7: {  	v1 =	vld [tilespmem:s28+$0xFFFFFC10]  }
0xa8: {  	v2 =	vld [tilespmem:s28+$0xFFFFFC20]  }
0xa9: {  	v3 =	vld [tilespmem:s28+$0xFFFFFC30]  }
0xaa: {  	v4 =	vld [tilespmem:s28+$0xFFFFFC40]  }
0xab: {  	v5 =	vld [tilespmem:s28+$0xFFFFFC50]  }
0xac: {  	v6 =	vld [tilespmem:s28+$0xFFFFFC60];
	v7, _, _ =	vpop (xrf2)  }
0xad: {  	v16 =	vld [tilespmem:s28+$0xFFFFFC70];
	[tilespmem:s19+$0x2] =	vst.msk vm0, v7  }
0xae: {  	v7 =	vld [tilespmem:s28+$0x180]  }
0xaf: {  	v0 =	vmul.f32 v0, v31;
	v1 =	vmul.f32 v1, v26;
	v17 =	vld [tilespmem:s28+$0x190]  }
0xb0: {  	v2 =	vmul.f32 v2, v27;
	v3 =	vmul.f32 v3, v28;
	v18 =	vld [tilespmem:s28+$0x1A0]  }
0xb1: {  	v4 =	vmul.f32 v4, v29;
	v5 =	vmul.f32 v5, v30;
	v19 =	vld [tilespmem:s28+$0x1B0]  }
0xb2: {  	v6 =	vmul.f32 v6, v24;
	v16 =	vmul.f32 v16, v25;
	v20 =	vld [tilespmem:s28+$0x1C0]  }
0xb3: {  	v0 =	vadd.f32 v1, v0;
	v1 =	vadd.f32 v3, v2;
	v2 =	vld [tilespmem:s28+$0x1D0]  }
0xb4: {  	v3 =	vadd.f32 v5, v4;
	v4 =	vadd.f32 v16, v6;
	v5 =	vld [tilespmem:s28+$0x1E0]  }
0xb5: {  	v6 =	vld [tilespmem:s28+$0x1F0]  }
0xb6: {  	v0 =	vadd.f32 v1, v0;
	v1 =	vadd.f32 v4, v3  }
0xb7: {  	v3 =	vmul.f32 v7, v14;
	v4 =	vmul.f32 v17, v15  }
0xb8: {  	v0 =	vadd.f32 v1, v0;
	v1 =	vmul.f32 v18, v12;
	v7 =	vmul.f32 v19, v13  }
0xb9: {  	v16 =	vmul.f32 v20, v10;
	v2 =	vmul.f32 v2, v11  }
0xba: {  	v5 =	vmul.f32 v5, v8;
	v6 =	vmul.f32 v6, v9;
	(xrf2) =	vadd.scan.msk.f32 $0xffff, v0  }
0xbb: {  	v0 =	vadd.f32 v4, v3;
	v1 =	vadd.f32 v7, v1  }
0xbc: {  	v2 =	vadd.f32 v2, v16;
	v3 =	vadd.f32 v6, v5;
	_ =	sdelay $0x1  }
0xbd: {  	v0 =	vadd.f32 v1, v0;
	v1 =	vadd.f32 v3, v2;
	_ =	sdelay $0x1  }
0xbe: {  	v0 =	vadd.f32 v1, v0;
	_ =	sdelay $0x1  }
0xbf: {  	(xrf2) =	vadd.scan.msk.f32 $0xffff, v0;
	_ =	sdelay $0x1  }
0xc0: {  	v0, _, _ =	vpop (xrf2)  }
0xc1: {  	[tilespmem:s19+$0xFFFFFFF8] =	vst.msk vm0, v0  }
0xc2: {  	v0 =	vld [tilespmem:s28+$0xFFFFFC80]  }
0xc3: {  	v1 =	vld [tilespmem:s28+$0xFFFFFC90]  }
0xc4: {  	v2 =	vld [tilespmem:s28+$0xFFFFFCA0]  }
0xc5: {  	v3 =	vld [tilespmem:s28+$0xFFFFFCB0]  }
0xc6: {  	v4 =	vld [tilespmem:s28+$0xFFFFFCC0]  }
0xc7: {  	v5 =	vld [tilespmem:s28+$0xFFFFFCD0]  }
0xc8: {  	v6 =	vld [tilespmem:s28+$0xFFFFFCE0];
	v7, _, _ =	vpop (xrf2)  }
0xc9: {  	v16 =	vld [tilespmem:s28+$0xFFFFFCF0];
	[tilespmem:s19+$0x3] =	vst.msk vm0, v7  }
0xca: {  	v7 =	vld [tilespmem:s28+$0x200]  }
0xcb: {  	v0 =	vmul.f32 v0, v31;
	v1 =	vmul.f32 v1, v26;
	v17 =	vld [tilespmem:s28+$0x210]  }
0xcc: {  	v2 =	vmul.f32 v2, v27;
	v3 =	vmul.f32 v3, v28;
	v18 =	vld [tilespmem:s28+$0x220]  }
0xcd: {  	v4 =	vmul.f32 v4, v29;
	v5 =	vmul.f32 v5, v30;
	v19 =	vld [tilespmem:s28+$0x230]  }
0xce: {  	v6 =	vmul.f32 v6, v24;
	v16 =	vmul.f32 v16, v25;
	v20 =	vld [tilespmem:s28+$0x240]  }
0xcf: {  	v0 =	vadd.f32 v1, v0;
	v1 =	vadd.f32 v3, v2;
	v2 =	vld [tilespmem:s28+$0x250]  }
0xd0: {  	v3 =	vadd.f32 v5, v4;
	v4 =	vadd.f32 v16, v6;
	v5 =	vld [tilespmem:s28+$0x260]  }
0xd1: {  	v6 =	vld [tilespmem:s28+$0x270]  }
0xd2: {  	v0 =	vadd.f32 v1, v0;
	v1 =	vadd.f32 v4, v3  }
0xd3: {  	v3 =	vmul.f32 v7, v14;
	v4 =	vmul.f32 v17, v15  }
0xd4: {  	v0 =	vadd.f32 v1, v0;
	v1 =	vmul.f32 v18, v12;
	v7 =	vmul.f32 v19, v13  }
0xd5: {  	v16 =	vmul.f32 v20, v10;
	v2 =	vmul.f32 v2, v11  }
0xd6: {  	v5 =	vmul.f32 v5, v8;
	v6 =	vmul.f32 v6, v9;
	(xrf2) =	vadd.scan.msk.f32 $0xffff, v0  }
0xd7: {  	v0 =	vadd.f32 v4, v3;
	v1 =	vadd.f32 v7, v1  }
0xd8: {  	v2 =	vadd.f32 v2, v16;
	v3 =	vadd.f32 v6, v5;
	_ =	sdelay $0x1  }
0xd9: {  	v0 =	vadd.f32 v1, v0;
	v1 =	vadd.f32 v3, v2;
	_ =	sdelay $0x1  }
0xda: {  	v0 =	vadd.f32 v1, v0;
	_ =	sdelay $0x1  }
0xdb: {  	(xrf2) =	vadd.scan.msk.f32 $0xffff, v0;
	_ =	sdelay $0x1  }
0xdc: {  	s26 =	sadd.s32 $0x100, s23;
	v0, _, _ =	vpop (xrf2)  }
0xdd: {  	v32 =	vld [tilespmem:s26+$0x0];
	[tilespmem:s19+$0xFFFFFFF9] =	vst.msk vm0, v0  }
0xde: {  	v0 =	vld [tilespmem:s28+$0xFFFFFD00]  }
0xdf: {  	v1 =	vld [tilespmem:s28+$0xFFFFFD10]  }
0xe0: {  	v2 =	vld [tilespmem:s28+$0xFFFFFD20]  }
0xe1: {  	v3 =	vld [tilespmem:s28+$0xFFFFFD30]  }
0xe2: {  	v4 =	vld [tilespmem:s28+$0xFFFFFD40]  }
0xe3: {  	v5 =	vld [tilespmem:s28+$0xFFFFFD50]  }
0xe4: {  	v6 =	vld [tilespmem:s28+$0xFFFFFD60];
	v7, _, _ =	vpop (xrf2)  }
0xe5: {  	v16 =	vld [tilespmem:s28+$0xFFFFFD70];
	[tilespmem:s19+$0x4] =	vst.msk vm0, v7  }
0xe6: {  	v7 =	vld [tilespmem:s28+$0x280]  }
0xe7: {  	v17 =	vld [tilespmem:s28+$0x290]  }
0xe8: {  	v18 =	vld [tilespmem:s28+$0x2A0]  }
0xe9: {  	v19 =	vld [tilespmem:s28+$0x2B0]  }
0xea: {  	v20 =	vld [tilespmem:s28+$0x2C0]  }
0xeb: {  	v0 =	vmul.f32 v0, v31;
	v1 =	vmul.f32 v1, v26;
	v21 =	vld [tilespmem:s28+$0x2D0]  }
0xec: {  	v2 =	vmul.f32 v2, v27;
	v3 =	vmul.f32 v3, v28;
	v22 =	vld [tilespmem:s28+$0x2E0]  }
0xed: {  	v4 =	vmul.f32 v4, v29;
	v5 =	vmul.f32 v5, v30;
	v23 =	vld [tilespmem:s28+$0x2F0]  }
0xee: {  	v33 =	vld [tilespmem:s26+$0x10];
	v6 =	vmul.f32 v6, v24;
	v16 =	vmul.f32 v16, v25  }
0xef: {  	v34 =	vld [tilespmem:s26+$0x20];
	v0 =	vadd.f32 v1, v0;
	v1 =	vmul.f32 v7, v14;
	v7 =	vmul.f32 v17, v15  }
0xf0: {  	v35 =	vld [tilespmem:s26+$0x30];
	v2 =	vadd.f32 v3, v2;
	v3 =	vmul.f32 v18, v12;
	v17 =	vmul.f32 v19, v13  }
0xf1: {  	v36 =	vld [tilespmem:s26+$0x40];
	v4 =	vadd.f32 v5, v4;
	v5 =	vmul.f32 v20, v10;
	v18 =	vmul.f32 v21, v11  }
0xf2: {  	v37 =	vld [tilespmem:s26+$0x50];
	v6 =	vadd.f32 v16, v6;
	v16 =	vmul.f32 v22, v8;
	v19 =	vmul.f32 v23, v9  }
0xf3: {  	v38 =	vld [tilespmem:s26+$0x60];
	v1 =	vadd.f32 v7, v1;
	v3 =	vadd.f32 v17, v3  }
0xf4: {  	s23 =	sadd.s32 $0xA00, s28;
	v39 =	vld [tilespmem:s26+$0x70];
	v5 =	vadd.f32 v18, v5;
	v7 =	vadd.f32 v19, v16  }
0xf5: {  	v0 =	vadd.f32 v2, v0;
	v2 =	vadd.f32 v6, v4;
	v4 =	vld [tilespmem:s23+$0x0]  }
0xf6: {  	v6 =	vld [tilespmem:s23+$0x40];
	v1 =	vadd.f32 v3, v1;
	v3 =	vadd.f32 v7, v5  }
0xf7: {  	v0 =	vadd.f32 v2, v0;
	v2 =	vld [tilespmem:s23+$0x10]  }
0xf8: {  	v16 =	vld [tilespmem:s23+$0x60];
	v1 =	vadd.f32 v3, v1  }
0xf9: {  	(xrf2) =	vadd.scan.msk.f32 $0xffff, v0;
	v17 =	vld [tilespmem:s23+$0x70]  }
0xfa: {  	v5 =	vld [tilespmem:s23+$0x20];
	(xrf2) =	vadd.scan.msk.f32 $0xffff, v1  }
0xfb: {  	v7 =	vld [tilespmem:s23+$0x50]  }
0xfc: {  	v3 =	vld [tilespmem:s23+$0x30]  }
0xfd: {  	v41 =	vld [tilespmem:s23+$0xFFFFFB10]  }
0xfe: {  	v42 =	vld [tilespmem:s23+$0xFFFFFB20];
	v22 =	vmul.f32 v6, v36;
	v18 =	vmul.f32 v4, v32  }
0xff: {  	v43 =	vld [tilespmem:s23+$0xFFFFFB30];
	v19 =	vmul.f32 v2, v33;
	v16 =	vmul.f32 v16, v38  }
0x100: {  	v44 =	vld [tilespmem:s23+$0xFFFFFB40];
	v17 =	vmul.f32 v17, v39;
	v20 =	vmul.f32 v5, v34  }
0x101: {  	v45 =	vld [tilespmem:s23+$0xFFFFFB50];
	v7 =	vmul.f32 v7, v37;
	v21 =	vmul.f32 v3, v35  }
0x102: {  	v46 =	vld [tilespmem:s23+$0xFFFFFB60];
	v18 =	vadd.f32 v19, v18;
	v16 =	vadd.f32 v17, v16  }
0x103: {  	v0 =	vld [tilespmem:s26+$0xFFFFFF90];
	v23, _, _ =	vpop (xrf2);
	v7 =	vadd.f32 v7, v22;
	v19 =	vadd.f32 v21, v20  }
0x104: {  	v6 =	vld [tilespmem:s26+$0xFFFFFFF0];
	v17, _, _ =	vpop (xrf2)  }
0x105: {  	v4 =	vld [tilespmem:s26+$0xFFFFFFD0];
	v7 =	vadd.f32 v16, v7;
	[tilespmem:s19+$0x5] =	vst.msk vm0, v17;
	v17 =	vadd.f32 v19, v18  }
0x106: {  	v16 =	vld [tilespmem:s28+$0x300]  }
0x107: {  	v18 =	vld [tilespmem:s28+$0x310];
	v7 =	vadd.f32 v7, v17  }
0x108: {  	v19 =	vld [tilespmem:s28+$0x330]  }
0x109: {  	v21 =	vld [tilespmem:s28+$0x350];
	(xrf2) =	vadd.scan.msk.f32 $0xffff, v7  }
0x10a: {  	v22 =	vld [tilespmem:s28+$0x360]  }
0x10b: {  	v40 =	vld [tilespmem:s28+$0x370]  }
0x10c: {  	v17 =	vld [tilespmem:s28+$0x320]  }
0x10d: {  	v7 =	vld [tilespmem:s28+$0x340]  }
0x10e: {  	v2 =	vld [tilespmem:s26+$0xFFFFFFB0]  }
0x10f: {  	v1 =	vld [tilespmem:s26+$0xFFFFFFA0];
	v16 =	vmul.f32 v16, v14;
	v19 =	vmul.f32 v19, v13  }
0x110: {  	v5 =	vld [tilespmem:s26+$0xFFFFFFE0];
	v18 =	vmul.f32 v18, v15;
	v21 =	vmul.f32 v21, v11  }
0x111: {  	v3 =	vld [tilespmem:s26+$0xFFFFFFC0];
	v22 =	vmul.f32 v22, v8;
	v17 =	vmul.f32 v17, v12  }
0x112: {  	v20 =	vld [tilespmem:s23+$0xFFFFFB00];
	v40 =	vmul.f32 v40, v9;
	v7 =	vmul.f32 v7, v10  }
0x113: {  	s24 =	sadd.s32 $0x14, s19;
	v16 =	vadd.f32 v18, v16;
	v18 =	vld [tilespmem:s23+$0xFFFFFB70];
	v17 =	vadd.f32 v19, v17;
	v19, _, _ =	vpop (xrf2)  }
0x114: {  	v22 =	vadd.f32 v40, v22;
	v21 =	vadd.f32 v21, v7;
	v7 =	vld [tilespmem:s26+$0xFFFFFF80];
	[tilespmem:s24+$0x0] =	vst.msk vm0, v19  }
0x115: {  	v48 =	vmul.f32 v43, v2;
	v19 =	vld [tilespmem:s23+$0x80]  }
0x116: {  	v51 =	vmul.f32 v46, v5;
	v16 =	vadd.f32 v17, v16;
	v17 =	vadd.f32 v22, v21;
	v63 =	vld [tilespmem:s23+$0x90]  }
0x117: {  	v49 =	vmul.f32 v44, v3;
	v21 =	vmul.f32 v41, v0;
	v50 =	vld [tilespmem:s23+$0xA0]  }
0x118: {  	v22 =	vmul.f32 v42, v1;
	v18 =	vmul.f32 v18, v6;
	v16 =	vadd.f32 v17, v16;
	v52 =	vld [tilespmem:s23+$0xB0]  }
0x119: {  	v17 =	vmul.f32 v45, v4;
	v20 =	vmul.f32 v20, v7;
	v53 =	vld [tilespmem:s23+$0xC0]  }
0x11a: {  	[tilespmem:s19+$0xFFFFFFFA] =	vst.msk vm0, v23;
	v18 =	vadd.f32 v18, v51;
	v23 =	vld [tilespmem:s23+$0xF0];
	(xrf2) =	vadd.scan.msk.f32 $0xffff, v16;
	v16 =	vadd.f32 v48, v22  }
0x11b: {  	v17 =	vadd.f32 v17, v49;
	v22 =	vld [tilespmem:s23+$0xD0];
	v20 =	vadd.f32 v21, v20  }
0x11c: {  	v21 =	vld [tilespmem:s23+$0xE0]  }
0x11d: {  	v17 =	vadd.f32 v18, v17;
	v16 =	vadd.f32 v16, v20  }
0x11e: {  	v54 =	vld [tilespmem:s28+$0xFFFFFD90];
	v19 =	vmul.f32 v19, v32;
	v20 =	vmul.f32 v63, v33  }
0x11f: {  	v56 =	vld [tilespmem:s28+$0xFFFFFDA0];
	v55 =	vmul.f32 v52, v35;
	v57 =	vmul.f32 v53, v36;
	v16 =	vadd.f32 v17, v16  }
0x120: {  	v58 =	vld [tilespmem:s28+$0xFFFFFDB0];
	v23 =	vmul.f32 v23, v39;
	v17 =	vmul.f32 v50, v34  }
0x121: {  	v60 =	vld [tilespmem:s28+$0xFFFFFDF0];
	v22 =	vmul.f32 v22, v37;
	v21 =	vmul.f32 v21, v38;
	(xrf2) =	vadd.scan.msk.f32 $0xffff, v16  }
0x122: {  	v19 =	vadd.f32 v20, v19;
	v20 =	vld [tilespmem:s28+$0xFFFFFDD0];
	v17 =	vadd.f32 v55, v17  }
0x123: {  	v16 =	vld [tilespmem:s28+$0xFFFFFDC0];
	v22 =	vadd.f32 v22, v57;
	v21 =	vadd.f32 v23, v21  }
0x124: {  	v23 =	vld [tilespmem:s28+$0xFFFFFDE0];
	v59, _, _ =	vpop (xrf2)  }
0x125: {  	v18 =	vld [tilespmem:s28+$0xFFFFFD80];
	v17 =	vadd.f32 v17, v19;
	v19 =	vadd.f32 v21, v22;
	[tilespmem:s19+$0x6] =	vst.msk vm0, v59  }
0x126: {  	v21 =	vld [tilespmem:s28+$0x380]  }
0x127: {  	v62 =	vmul.f32 v56, v27;
	v20 =	vmul.f32 v20, v30;
	v61 =	vld [tilespmem:s28+$0x390];
	v17 =	vadd.f32 v19, v17  }
0x128: {  	v63 =	vmul.f32 v58, v28;
	v19 =	vld [tilespmem:s28+$0x3A0];
	v16 =	vmul.f32 v16, v29  }
0x129: {  	v49 =	vld [tilespmem:s28+$0x3C0];
	v23 =	vmul.f32 v23, v24;
	(xrf2) =	vadd.scan.msk.f32 $0xffff, v17;
	v17 =	vmul.f32 v60, v25  }
0x12a: {  	v18 =	vmul.f32 v18, v31;
	v22 =	vmul.f32 v54, v26;
	v50 =	vld [tilespmem:s28+$0x3D0]  }
0x12b: {  	v16 =	vadd.f32 v20, v16;
	v17 =	vadd.f32 v17, v23;
	v23 =	vld [tilespmem:s28+$0x3E0];
	v20, _, _ =	vpop (xrf2)  }
0x12c: {  	v18 =	vadd.f32 v22, v18;
	v22 =	vadd.f32 v63, v62;
	[tilespmem:s24+$0xFFFFFFF6] =	vst.msk vm0, v20;
	v20 =	vld [tilespmem:s28+$0x3F0]  }
0x12d: {  	v48 =	vld [tilespmem:s28+$0x3B0]  }
0x12e: {  	v18 =	vadd.f32 v22, v18;
	v16 =	vadd.f32 v17, v16;
	v22 =	vld [tilespmem:s23+$0xFFFFFB80]  }
0x12f: {  	v21 =	vmul.f32 v21, v14;
	v40 =	vmul.f32 v61, v15;
	v17 =	vld [tilespmem:s23+$0xFFFFFB90]  }
0x130: {  	v43 =	vmul.f32 v49, v10;
	v41 =	vmul.f32 v50, v11;
	v51 =	vld [tilespmem:s23+$0xFFFFFBA0];
	v16 =	vadd.f32 v16, v18  }
0x131: {  	v52 =	vld [tilespmem:s23+$0xFFFFFBB0];
	v23 =	vmul.f32 v23, v8;
	v20 =	vmul.f32 v20, v9  }
0x132: {  	v53 =	vld [tilespmem:s23+$0xFFFFFBC0];
	v18 =	vmul.f32 v19, v12;
	v19 =	vmul.f32 v48, v13;
	(xrf2) =	vadd.scan.msk.f32 $0xffff, v16  }
0x133: {  	v21 =	vadd.f32 v40, v21;
	v20 =	vadd.f32 v20, v23;
	v23 =	vld [tilespmem:s23+$0xFFFFFBF0]  }
0x134: {  	v41 =	vadd.f32 v41, v43;
	v16 =	vld [tilespmem:s23+$0xFFFFFBD0];
	v18 =	vadd.f32 v19, v18;
	v54, _, _ =	vpop (xrf2)  }
0x135: {  	v19 =	vld [tilespmem:s23+$0xFFFFFBE0];
	[tilespmem:s24+$0x1] =	vst.msk vm0, v54  }
0x136: {  	v18 =	vadd.f32 v18, v21;
	v40 =	vld [tilespmem:s23+$0x100];
	v20 =	vadd.f32 v20, v41  }
0x137: {  	v21 =	vmul.f32 v22, v7;
	v17 =	vmul.f32 v17, v0;
	v22 =	vld [tilespmem:s23+$0x110]  }
0x138: {  	v55 =	vmul.f32 v51, v1;
	v57 =	vld [tilespmem:s23+$0x120];
	v18 =	vadd.f32 v20, v18;
	v23 =	vmul.f32 v23, v6  }
0x139: {  	v56 =	vmul.f32 v52, v2;
	v58 =	vld [tilespmem:s23+$0x130];
	v16 =	vmul.f32 v16, v4  }
0x13a: {  	v59 =	vld [tilespmem:s23+$0x140];
	v19 =	vmul.f32 v19, v5;
	v20 =	vmul.f32 v53, v3;
	(xrf2) =	vadd.scan.msk.f32 $0xffff, v18  }
0x13b: {  	v17 =	vadd.f32 v17, v21;
	v21 =	vld [tilespmem:s23+$0x150];
	v18 =	vadd.f32 v56, v55  }
0x13c: {  	v60 =	vld [tilespmem:s23+$0x170];
	v16 =	vadd.f32 v16, v20;
	v19 =	vadd.f32 v23, v19;
	v23, _, _ =	vpop (xrf2)  }
0x13d: {  	v20 =	vld [tilespmem:s23+$0x160];
	[tilespmem:s19+$0xFFFFFFFB] =	vst.msk vm0, v23  }
0x13e: {  	v17 =	vadd.f32 v18, v17;
	v16 =	vadd.f32 v19, v16;
	v18 =	vld [tilespmem:s28+$0xFFFFFE00]  }
0x13f: {  	v22 =	vmul.f32 v22, v33;
	v61 =	vmul.f32 v58, v35;
	v23 =	vld [tilespmem:s28+$0xFFFFFE10]  }
0x140: {  	v63 =	vmul.f32 v59, v36;
	v19 =	vmul.f32 v40, v32;
	v16 =	vadd.f32 v16, v17;
	v62 =	vld [tilespmem:s28+$0xFFFFFE20]  }
0x141: {  	v21 =	vmul.f32 v21, v37;
	v41 =	vmul.f32 v60, v39;
	v48 =	vld [tilespmem:s28+$0xFFFFFE30]  }
0x142: {  	v17 =	vmul.f32 v57, v34;
	v20 =	vmul.f32 v20, v38;
	v19 =	vadd.f32 v22, v19;
	v22 =	vld [tilespmem:s28+$0xFFFFFE50];
	(xrf2) =	vadd.scan.msk.f32 $0xffff, v16  }
0x143: {  	v21 =	vadd.f32 v21, v63;
	v49 =	vld [tilespmem:s28+$0xFFFFFE60]  }
0x144: {  	v51 =	vld [tilespmem:s28+$0xFFFFFE70];
	v17 =	vadd.f32 v61, v17;
	v20 =	vadd.f32 v41, v20;
	v50, _, _ =	vpop (xrf2)  }
0x145: {  	v16 =	vld [tilespmem:s28+$0xFFFFFE40];
	[tilespmem:s19+$0x7] =	vst.msk vm0, v50  }
0x146: {  	v17 =	vadd.f32 v17, v19;
	v19 =	vadd.f32 v20, v21;
	v20 =	vld [tilespmem:s28+$0x400]  }
0x147: {  	v18 =	vmul.f32 v18, v31;
	v21 =	vmul.f32 v23, v26;
	v23 =	vld [tilespmem:s28+$0x410]  }
0x148: {  	v52 =	vmul.f32 v62, v27;
	v22 =	vmul.f32 v22, v30;
	v17 =	vadd.f32 v19, v17;
	v19 =	vld [tilespmem:s28+$0x420]  }
0x149: {  	v53 =	vmul.f32 v48, v28;
	v40 =	vmul.f32 v49, v24;
	v54 =	vld [tilespmem:s28+$0x430]  }
0x14a: {  	v16 =	vmul.f32 v16, v29;
	v55 =	vld [tilespmem:s28+$0x440];
	(xrf2) =	vadd.scan.msk.f32 $0xffff, v17;
	v17 =	vmul.f32 v51, v25  }
0x14b: {  	v18 =	vadd.f32 v21, v18;
	v21 =	vadd.f32 v53, v52;
	v56 =	vld [tilespmem:s28+$0x450]  }
0x14c: {  	v57 =	vld [tilespmem:s28+$0x460];
	v16 =	vadd.f32 v22, v16;
	v17 =	vadd.f32 v17, v40;
	v22, _, _ =	vpop (xrf2)  }
0x14d: {  	[tilespmem:s24+$0xFFFFFFF7] =	vst.msk vm0, v22;
	v22 =	vld [tilespmem:s28+$0x470]  }
0x14e: {  	v18 =	vadd.f32 v21, v18;
	v16 =	vadd.f32 v17, v16;
	v21 =	vld [tilespmem:s23+$0xFFFFFC00]  }
0x14f: {  	v20 =	vmul.f32 v20, v14;
	v23 =	vmul.f32 v23, v15;
	v17 =	vld [tilespmem:s23+$0xFFFFFC10]  }
0x150: {  	v43 =	vmul.f32 v55, v10;
	v41 =	vmul.f32 v56, v11;
	v58 =	vld [tilespmem:s23+$0xFFFFFC20];
	v16 =	vadd.f32 v16, v18  }
0x151: {  	v40 =	vmul.f32 v57, v8;
	v18 =	vmul.f32 v19, v12;
	v59 =	vld [tilespmem:s23+$0xFFFFFC30]  }
0x152: {  	v19 =	vmul.f32 v54, v13;
	v60 =	vld [tilespmem:s23+$0xFFFFFC40];
	(xrf2) =	vadd.scan.msk.f32 $0xffff, v16;
	v22 =	vmul.f32 v22, v9  }
0x153: {  	v20 =	vadd.f32 v23, v20;
	v41 =	vadd.f32 v41, v43;
	v61 =	vld [tilespmem:s23+$0xFFFFFC70]  }
0x154: {  	v18 =	vadd.f32 v19, v18;
	v19 =	vld [tilespmem:s23+$0xFFFFFC60];
	v23, _, _ =	vpop (xrf2);
	v22 =	vadd.f32 v22, v40  }
0x155: {  	v16 =	vld [tilespmem:s23+$0xFFFFFC50];
	[tilespmem:s24+$0x2] =	vst.msk vm0, v23  }
0x156: {  	v18 =	vadd.f32 v18, v20;
	v23 =	vld [tilespmem:s23+$0x180];
	v20 =	vadd.f32 v22, v41  }
0x157: {  	v21 =	vmul.f32 v21, v7;
	v17 =	vmul.f32 v17, v0;
	v48 =	vld [tilespmem:s23+$0x1A0]  }
0x158: {  	v62 =	vmul.f32 v58, v1;
	v63 =	vmul.f32 v59, v2;
	v49 =	vld [tilespmem:s23+$0x1B0];
	v18 =	vadd.f32 v20, v18  }
0x159: {  	v40 =	vmul.f32 v61, v6;
	v50 =	vld [tilespmem:s23+$0x1C0];
	v19 =	vmul.f32 v19, v5  }
0x15a: {  	v52 =	vld [tilespmem:s23+$0x1F0];
	v16 =	vmul.f32 v16, v4;
	v20 =	vmul.f32 v60, v3;
	(xrf2) =	vadd.scan.msk.f32 $0xffff, v18  }
0x15b: {  	v17 =	vadd.f32 v17, v21;
	v21 =	vld [tilespmem:s23+$0x1D0];
	v19 =	vadd.f32 v40, v19  }
0x15c: {  	v22 =	vld [tilespmem:s23+$0x190];
	v18 =	vadd.f32 v63, v62;
	v16 =	vadd.f32 v16, v20;
	v51, _, _ =	vpop (xrf2)  }
0x15d: {  	v20 =	vld [tilespmem:s23+$0x1E0];
	[tilespmem:s19+$0xFFFFFFFC] =	vst.msk vm0, v51  }
0x15e: {  	v17 =	vadd.f32 v18, v17;
	v16 =	vadd.f32 v19, v16;
	v18 =	vld [tilespmem:s28+$0xFFFFFE80]  }
0x15f: {  	v53 =	vmul.f32 v49, v35;
	v19 =	vmul.f32 v23, v32;
	v23 =	vld [tilespmem:s28+$0xFFFFFE90]  }
0x160: {  	v55 =	vmul.f32 v50, v36;
	v41 =	vmul.f32 v52, v39;
	v54 =	vld [tilespmem:s28+$0xFFFFFEA0];
	v16 =	vadd.f32 v16, v17  }
0x161: {  	v21 =	vmul.f32 v21, v37;
	v22 =	vmul.f32 v22, v33;
	v56 =	vld [tilespmem:s28+$0xFFFFFEB0]  }
0x162: {  	v57 =	vld [tilespmem:s28+$0xFFFFFEE0];
	v17 =	vmul.f32 v48, v34;
	v20 =	vmul.f32 v20, v38;
	(xrf2) =	vadd.scan.msk.f32 $0xffff, v16  }
0x163: {  	v21 =	vadd.f32 v21, v55;
	v59 =	vld [tilespmem:s28+$0xFFFFFEF0];
	v19 =	vadd.f32 v22, v19  }
0x164: {  	v22 =	vld [tilespmem:s28+$0xFFFFFED0];
	v17 =	vadd.f32 v53, v17;
	v20 =	vadd.f32 v41, v20;
	v58, _, _ =	vpop (xrf2)  }
0x165: {  	v16 =	vld [tilespmem:s28+$0xFFFFFEC0];
	[tilespmem:s19+$0x8] =	vst.msk vm0, v58  }
0x166: {  	v17 =	vadd.f32 v17, v19;
	v19 =	vadd.f32 v20, v21;
	v20 =	vld [tilespmem:s28+$0x480]  }
0x167: {  	v21 =	vld [tilespmem:s28+$0x490]  }
0x168: {  	v17 =	vadd.f32 v19, v17;
	v19 =	vld [tilespmem:s28+$0x4A0]  }
0x169: {  	v41 =	vld [tilespmem:s28+$0x4B0]  }
0x16a: {  	v60 =	vld [tilespmem:s28+$0x4D0];
	(xrf2) =	vadd.scan.msk.f32 $0xffff, v17  }
0x16b: {  	v47 =	vld [tilespmem:s28+$0x4E0]  }
0x16c: {  	v18 =	vmul.f32 v18, v31;
	v23 =	vmul.f32 v23, v26;
	v62 =	vld [tilespmem:s28+$0x4F0];
	v61, _, _ =	vpop (xrf2)  }
0x16d: {  	v42 =	vmul.f32 v54, v27;
	v44 =	vmul.f32 v56, v28;
	v17 =	vld [tilespmem:s28+$0x4C0];
	[tilespmem:s24+$0xFFFFFFF8] =	vst.msk vm0, v61  }
0x16e: {  	v40 =	vmul.f32 v57, v24;
	v43 =	vmul.f32 v59, v25;
	v48 =	vld [tilespmem:s23+$0xFFFFFC80]  }
0x16f: {  	v22 =	vmul.f32 v22, v30;
	v16 =	vmul.f32 v16, v29;
	v49 =	vld [tilespmem:s23+$0xFFFFFC90]  }
0x170: {  	v18 =	vadd.f32 v23, v18;
	v23 =	vadd.f32 v44, v42;
	v50 =	vld [tilespmem:s23+$0xFFFFFCA0]  }
0x171: {  	v16 =	vadd.f32 v22, v16;
	v22 =	vadd.f32 v43, v40;
	v63 =	vld [tilespmem:s23+$0xFFFFFCB0]  }
0x172: {  	v18 =	vadd.f32 v23, v18;
	v44 =	vld [tilespmem:s23+$0xFFFFFCC0]  }
0x173: {  	v16 =	vadd.f32 v22, v16;
	v14 =	vmul.f32 v20, v14;
	v15 =	vmul.f32 v21, v15;
	v20 =	vld [tilespmem:s23+$0xFFFFFCD0]  }
0x174: {  	v12 =	vmul.f32 v19, v12;
	v13 =	vmul.f32 v41, v13;
	v19 =	vld [tilespmem:s23+$0xFFFFFCE0];
	v21, _, _ =	vpop (xrf2)  }
0x175: {  	v11 =	vmul.f32 v60, v11;
	v16 =	vadd.f32 v16, v18;
	v10 =	vmul.f32 v17, v10;
	v17 =	vld [tilespmem:s23+$0xFFFFFCF0];
	[tilespmem:s24+$0x3] =	vst.msk vm0, v21  }
0x176: {  	v8 =	vmul.f32 v47, v8;
	v9 =	vmul.f32 v62, v9;
	v14 =	vadd.f32 v15, v14;
	v18 =	vld [tilespmem:s23+$0x200]  }
0x177: {  	v12 =	vadd.f32 v13, v12;
	v15 =	vmul.f32 v49, v0;
	v13 =	vmul.f32 v50, v1;
	v22 =	vld [tilespmem:s23+$0x210]  }
0x178: {  	v10 =	vadd.f32 v11, v10;
	v23 =	vmul.f32 v63, v2;
	v11 =	vmul.f32 v44, v3;
	v49 =	vld [tilespmem:s23+$0x220]  }
0x179: {  	v8 =	vadd.f32 v9, v8;
	v20 =	vmul.f32 v20, v4;
	v9 =	vmul.f32 v19, v5;
	v50 =	vld [tilespmem:s23+$0x230]  }
0x17a: {  	(xrf2) =	vadd.scan.msk.f32 $0xffff, v16;
	v16 =	vmul.f32 v17, v6;
	v21 =	vmul.f32 v48, v7;
	v17 =	vld [tilespmem:s23+$0x240]  }
0x17b: {  	v13 =	vadd.f32 v23, v13;
	v19 =	vld [tilespmem:s23+$0x250];
	v11 =	vadd.f32 v20, v11  }
0x17c: {  	v9 =	vadd.f32 v16, v9;
	v16 =	vld [tilespmem:s23+$0x260];
	v15 =	vadd.f32 v15, v21  }
0x17d: {  	v12 =	vadd.f32 v12, v14;
	v8 =	vadd.f32 v8, v10;
	v10 =	vld [tilespmem:s23+$0x270]  }
0x17e: {  	v9 =	vadd.f32 v9, v11;
	v13 =	vadd.f32 v13, v15  }
0x17f: {  	v8 =	vadd.f32 v8, v12;
	v11 =	vmul.f32 v18, v32;
	v12 =	vmul.f32 v22, v33  }
0x180: {  	v9 =	vadd.f32 v9, v13;
	v13 =	vmul.f32 v49, v34;
	v14 =	vmul.f32 v50, v35  }
0x181: {  	(xrf2) =	vadd.scan.msk.f32 $0xffff, v8;
	v8 =	vmul.f32 v17, v36;
	v15 =	vmul.f32 v19, v37  }
0x182: {  	v16 =	vmul.f32 v16, v38;
	v10 =	vmul.f32 v10, v39;
	(xrf2) =	vadd.scan.msk.f32 $0xffff, v9  }
0x183: {  	v9 =	vadd.f32 v12, v11;
	v11 =	vadd.f32 v14, v13  }
0x184: {  	v8 =	vadd.f32 v15, v8;
	v10 =	vadd.f32 v10, v16;
	v12, _, _ =	vpop (xrf2)  }
0x185: {  	[tilespmem:s19+$0xFFFFFFFD] =	vst.msk vm0, v12  }
0x186: {  	v9 =	vadd.f32 v11, v9;
	v8 =	vadd.f32 v10, v8;
	v12 =	vld [tilespmem:s28+$0xFFFFFF00]  }
0x187: {  	v10 =	vld [tilespmem:s28+$0xFFFFFF10]  }
0x188: {  	v11 =	vld [tilespmem:s28+$0xFFFFFF20];
	v8 =	vadd.f32 v8, v9  }
0x189: {  	v9 =	vld [tilespmem:s28+$0xFFFFFF30]  }
0x18a: {  	v13 =	vld [tilespmem:s28+$0xFFFFFF40];
	(xrf2) =	vadd.scan.msk.f32 $0xffff, v8  }
0x18b: {  	v40, _, _ =	vpop (xrf2);
	v14 =	vld [tilespmem:s28+$0xFFFFFF60]  }
0x18c: {  	v16 =	vld [tilespmem:s28+$0xFFFFFF70];
	v15, _, _ =	vpop (xrf2)  }
0x18d: {  	v8 =	vld [tilespmem:s28+$0xFFFFFF50];
	[tilespmem:s24+$0xFFFFFFF9] =	vst.msk vm0, v15  }
0x18e: {  	v15 =	vld [tilespmem:s23+$0xFFFFFD00]  }
0x18f: {  	v17 =	vld [tilespmem:s23+$0xFFFFFD10]  }
0x190: {  	v18 =	vld [tilespmem:s23+$0xFFFFFD20]  }
0x191: {  	v19 =	vld [tilespmem:s23+$0xFFFFFD30]  }
0x192: {  	v20 =	vld [tilespmem:s23+$0xFFFFFD40]  }
0x193: {  	v21 =	vld [tilespmem:s23+$0xFFFFFD50]  }
0x194: {  	v22 =	vld [tilespmem:s23+$0xFFFFFD60];
	v23, _, _ =	vpop (xrf2)  }
0x195: {  	v12 =	vmul.f32 v12, v31;
	v10 =	vmul.f32 v10, v26;
	v51 =	vld [tilespmem:s23+$0xFFFFFD70];
	[tilespmem:s24+$0x4] =	vst.msk vm0, v23  }
0x196: {  	v11 =	vmul.f32 v11, v27;
	v9 =	vmul.f32 v9, v28;
	v23 =	vld [tilespmem:s23+$0x280]  }
0x197: {  	v13 =	vmul.f32 v13, v29;
	v14 =	vmul.f32 v14, v24;
	v52 =	vld [tilespmem:s23+$0x290]  }
0x198: {  	v16 =	vmul.f32 v16, v25;
	v8 =	vmul.f32 v8, v30;
	v53 =	vld [tilespmem:s23+$0x2A0]  }
0x199: {  	v10 =	vadd.f32 v10, v12;
	v9 =	vadd.f32 v9, v11;
	v11 =	vld [tilespmem:s23+$0x2B0]  }
0x19a: {  	v12 =	vadd.f32 v16, v14;
	v8 =	vadd.f32 v8, v13;
	v13 =	vld [tilespmem:s23+$0x2C0]  }
0x19b: {  	v9 =	vadd.f32 v9, v10;
	v10 =	vmul.f32 v15, v7;
	v14 =	vmul.f32 v17, v0;
	v54 =	vld [tilespmem:s23+$0x2D0]  }
0x19c: {  	v8 =	vadd.f32 v12, v8;
	v12 =	vmul.f32 v18, v1;
	v17 =	vmul.f32 v19, v2;
	v55 =	vld [tilespmem:s23+$0x2E0]  }
0x19d: {  	s29 =	sadd.s32 $0x100, s26;
	s26 =	sadd.s32 $0xA00, s23;
	v18 =	vmul.f32 v20, v3;
	v19 =	vmul.f32 v21, v4;
	v20 =	vld [tilespmem:s23+$0x2F0]  }
0x19e: {  	v60 =	vld [tilespmem:s26+$0x50];
	v8 =	vadd.f32 v8, v9;
	v9 =	vmul.f32 v22, v5;
	v21 =	vmul.f32 v51, v6  }
0x19f: {  	v61 =	vld [tilespmem:s26+$0x60];
	v10 =	vadd.f32 v14, v10;
	v14 =	vmul.f32 v23, v32;
	v22 =	vmul.f32 v52, v33  }
0x1a0: {  	v62 =	vld [tilespmem:s26+$0x70];
	v12 =	vadd.f32 v17, v12;
	v23 =	vmul.f32 v53, v34;
	v11 =	vmul.f32 v11, v35  }
0x1a1: {  	v16 =	vld [tilespmem:s29+$0x10];
	v56 =	vadd.f32 v19, v18;
	v13 =	vmul.f32 v13, v36;
	v57 =	vmul.f32 v54, v37  }
0x1a2: {  	v15 =	vld [tilespmem:s29+$0x0];
	v9 =	vadd.f32 v21, v9;
	v58 =	vmul.f32 v55, v38;
	v59 =	vmul.f32 v20, v39  }
0x1a3: {  	v17 =	vld [tilespmem:s29+$0x20];
	v14 =	vadd.f32 v22, v14;
	v11 =	vadd.f32 v11, v23  }
0x1a4: {  	v19 =	vld [tilespmem:s29+$0x30];
	v13 =	vadd.f32 v57, v13;
	v23 =	vadd.f32 v59, v58  }
0x1a5: {  	v18 =	vld [tilespmem:s29+$0x40];
	v10 =	vadd.f32 v12, v10;
	v9 =	vadd.f32 v9, v56  }
0x1a6: {  	v21 =	vld [tilespmem:s29+$0x60];
	v11 =	vadd.f32 v11, v14;
	v13 =	vadd.f32 v23, v13  }
0x1a7: {  	v12 =	vld [tilespmem:s26+$0x0];
	v9 =	vadd.f32 v9, v10  }
0x1a8: {  	(xrf2) =	vadd.scan.msk.f32 $0xffff, v8;
	v20 =	vld [tilespmem:s29+$0x50];
	v8 =	vadd.f32 v13, v11  }
0x1a9: {  	v22 =	vld [tilespmem:s29+$0x70];
	(xrf2) =	vadd.scan.msk.f32 $0xffff, v9  }
0x1aa: {  	v9 =	vld [tilespmem:s26+$0x30];
	(xrf2) =	vadd.scan.msk.f32 $0xffff, v8  }
0x1ab: {  	v14 =	vld [tilespmem:s26+$0x10]  }
0x1ac: {  	v23 =	vld [tilespmem:s26+$0x20]  }
0x1ad: {  	v13 =	vld [tilespmem:s26+$0x40]  }
0x1ae: {  	v46 =	vld [tilespmem:s26+$0xFFFFFB00]  }
0x1af: {  	v51 =	vld [tilespmem:s26+$0xFFFFFB10];
	v42 =	vmul.f32 v61, v21;
	v63 =	vmul.f32 v12, v15  }
0x1b0: {  	v10 =	vld [tilespmem:s29+$0xFFFFFF90];
	v54 =	vmul.f32 v60, v20;
	v52 =	vmul.f32 v9, v19  }
0x1b1: {  	v12 =	vld [tilespmem:s29+$0xFFFFFFE0];
	v43 =	vmul.f32 v62, v22;
	v14 =	vmul.f32 v14, v16  }
0x1b2: {  	v11 =	vld [tilespmem:s29+$0xFFFFFFB0];
	v41, _, _ =	vpop (xrf2);
	v23 =	vmul.f32 v23, v17;
	v53 =	vmul.f32 v13, v18  }
0x1b3: {  	v9 =	vld [tilespmem:s29+$0xFFFFFFC0];
	v42 =	vadd.f32 v43, v42;
	v44 =	vadd.f32 v14, v63;
	v48, _, _ =	vpop (xrf2)  }
0x1b4: {  	v8 =	vld [tilespmem:s29+$0xFFFFFFA0];
	v23 =	vadd.f32 v52, v23;
	v55 =	vadd.f32 v54, v53;
	v56, _, _ =	vpop (xrf2)  }
0x1b5: {  	v13 =	vld [tilespmem:s29+$0xFFFFFFD0];
	[tilespmem:s24+$0x5] =	vst.msk vm0, v56  }
0x1b6: {  	v23 =	vadd.f32 v23, v44;
	v42 =	vadd.f32 v42, v55;
	v43 =	vld [tilespmem:s23+$0x300]  }
0x1b7: {  	v57 =	vld [tilespmem:s23+$0x310]  }
0x1b8: {  	v23 =	vadd.f32 v42, v23;
	v58 =	vld [tilespmem:s23+$0x320]  }
0x1b9: {  	v59 =	vld [tilespmem:s23+$0x330]  }
0x1ba: {  	(xrf2) =	vadd.scan.msk.f32 $0xffff, v23;
	v23 =	vld [tilespmem:s23+$0x340]  }
0x1bb: {  	v60 =	vld [tilespmem:s23+$0x350]  }
0x1bc: {  	v61 =	vld [tilespmem:s23+$0x360]  }
0x1bd: {  	v62 =	vld [tilespmem:s23+$0x370]  }
0x1be: {  	v14 =	vld [tilespmem:s29+$0xFFFFFFF0]  }
0x1bf: {  	v52 =	vld [tilespmem:s26+$0xFFFFFB20];
	v43 =	vmul.f32 v43, v32;
	v44 =	vmul.f32 v57, v33  }
0x1c0: {  	v53 =	vld [tilespmem:s26+$0xFFFFFB30];
	v42 =	vmul.f32 v58, v34;
	v45 =	vmul.f32 v59, v35  }
0x1c1: {  	v54 =	vld [tilespmem:s26+$0xFFFFFB40];
	v23 =	vmul.f32 v23, v36;
	v47 =	vmul.f32 v60, v37  }
0x1c2: {  	v55 =	vld [tilespmem:s26+$0xFFFFFB50];
	v49 =	vmul.f32 v61, v38;
	v50 =	vmul.f32 v62, v39  }
0x1c3: {  	v43 =	vadd.f32 v44, v43;
	v44 =	vld [tilespmem:s26+$0xFFFFFB60];
	v42 =	vadd.f32 v45, v42  }
0x1c4: {  	s25 =	sadd.s32 $0x14, s24;
	v45 =	vld [tilespmem:s26+$0xFFFFFB70];
	v47 =	vadd.f32 v47, v23;
	v49 =	vadd.f32 v50, v49;
	v56, _, _ =	vpop (xrf2)  }
0x1c5: {  	v23 =	vld [tilespmem:s29+$0xFFFFFF80];
	[tilespmem:s25+$0x0] =	vst.msk vm0, v56  }
0x1c6: {  	v42 =	vadd.f32 v42, v43;
	v63 =	vadd.f32 v49, v47;
	v50 =	vld [tilespmem:s26+$0x80]  }
0x1c7: {  	v58 =	vmul.f32 v51, v10;
	v59 =	vmul.f32 v52, v8;
	v51 =	vld [tilespmem:s26+$0x90]  }
0x1c8: {  	v60 =	vmul.f32 v53, v11;
	v61 =	vmul.f32 v54, v9;
	v57 =	vld [tilespmem:s26+$0xA0];
	v42 =	vadd.f32 v63, v42  }
0x1c9: {  	v62 =	vmul.f32 v55, v13;
	v63 =	vld [tilespmem:s26+$0xB0];
	v44 =	vmul.f32 v44, v12  }
0x1ca: {  	v56 =	vld [tilespmem:s26+$0xD0];
	v45 =	vmul.f32 v45, v14;
	v46 =	vmul.f32 v46, v23;
	(xrf2) =	vadd.scan.msk.f32 $0xffff, v42  }
0x1cb: {  	v49 =	vadd.f32 v60, v59;
	v43 =	vadd.f32 v62, v61;
	v47 =	vld [tilespmem:s26+$0xF0]  }
0x1cc: {  	v42 =	vld [tilespmem:s26+$0xC0];
	v44 =	vadd.f32 v45, v44;
	v58 =	vadd.f32 v58, v46  }
0x1cd: {  	[tilespmem:s24+$0xFFFFFFFA] =	vst.msk vm0, v48;
	v46 =	vld [tilespmem:s26+$0xE0]  }
0x1ce: {  	v45 =	vld [tilespmem:s23+$0xFFFFFD80];
	v43 =	vadd.f32 v44, v43;
	v59 =	vadd.f32 v49, v58  }
0x1cf: {  	v60 =	vmul.f32 v50, v15;
	v61 =	vmul.f32 v51, v16;
	v50 =	vld [tilespmem:s23+$0xFFFFFD90]  }
0x1d0: {  	v62 =	vmul.f32 v57, v17;
	v63 =	vmul.f32 v63, v19;
	v57 =	vld [tilespmem:s23+$0xFFFFFDA0];
	v43 =	vadd.f32 v43, v59  }
0x1d1: {  	v52 =	vmul.f32 v56, v20;
	v58 =	vld [tilespmem:s23+$0xFFFFFDB0];
	v47 =	vmul.f32 v47, v22  }
0x1d2: {  	v56 =	vld [tilespmem:s23+$0xFFFFFDC0];
	v42 =	vmul.f32 v42, v18;
	v46 =	vmul.f32 v46, v21;
	(xrf2) =	vadd.scan.msk.f32 $0xffff, v43  }
0x1d3: {  	v48 =	vadd.f32 v61, v60;
	v44 =	vadd.f32 v63, v62;
	v59 =	vld [tilespmem:s23+$0xFFFFFDD0]  }
0x1d4: {  	v60 =	vld [tilespmem:s23+$0xFFFFFDE0];
	v42 =	vadd.f32 v52, v42;
	v46 =	vadd.f32 v47, v46;
	v61, _, _ =	vpop (xrf2)  }
0x1d5: {  	v62 =	vld [tilespmem:s23+$0xFFFFFDF0];
	[tilespmem:s24+$0x6] =	vst.msk vm0, v61  }
0x1d6: {  	v44 =	vadd.f32 v44, v48;
	v42 =	vadd.f32 v46, v42;
	v46 =	vld [tilespmem:s23+$0x380]  }
0x1d7: {  	v45 =	vmul.f32 v45, v7;
	v63 =	vmul.f32 v50, v0;
	v50 =	vld [tilespmem:s23+$0x390]  }
0x1d8: {  	v57 =	vmul.f32 v57, v1;
	v58 =	vmul.f32 v58, v2;
	v42 =	vadd.f32 v42, v44;
	v44 =	vld [tilespmem:s23+$0x3A0]  }
0x1d9: {  	v43 =	vmul.f32 v56, v3;
	v49 =	vmul.f32 v59, v4;
	v54 =	vld [tilespmem:s23+$0x3B0]  }
0x1da: {  	v47 =	vmul.f32 v60, v5;
	v59 =	vmul.f32 v62, v6;
	v52 =	vld [tilespmem:s23+$0x3C0];
	(xrf2) =	vadd.scan.msk.f32 $0xffff, v42  }
0x1db: {  	v45 =	vadd.f32 v63, v45;
	v60 =	vadd.f32 v58, v57;
	v61 =	vld [tilespmem:s23+$0x3D0]  }
0x1dc: {  	v43 =	vadd.f32 v49, v43;
	v63 =	vld [tilespmem:s23+$0x3E0];
	v42 =	vadd.f32 v59, v47;
	v62, _, _ =	vpop (xrf2)  }
0x1dd: {  	v57 =	vld [tilespmem:s23+$0x3F0];
	[tilespmem:s25+$0xFFFFFFF6] =	vst.msk vm0, v62  }
0x1de: {  	v45 =	vadd.f32 v60, v45;
	v42 =	vadd.f32 v42, v43;
	v58 =	vld [tilespmem:s26+$0xFFFFFB80]  }
0x1df: {  	v46 =	vmul.f32 v46, v32;
	v50 =	vmul.f32 v50, v33;
	v43 =	vld [tilespmem:s26+$0xFFFFFB90]  }
0x1e0: {  	v44 =	vmul.f32 v44, v34;
	v59 =	vmul.f32 v54, v35;
	v42 =	vadd.f32 v42, v45;
	v53 =	vld [tilespmem:s26+$0xFFFFFBA0]  }
0x1e1: {  	v52 =	vmul.f32 v52, v36;
	v51 =	vmul.f32 v61, v37;
	v60 =	vld [tilespmem:s26+$0xFFFFFBB0]  }
0x1e2: {  	v47 =	vmul.f32 v63, v38;
	v49 =	vmul.f32 v57, v39;
	v61 =	vld [tilespmem:s26+$0xFFFFFBD0];
	(xrf2) =	vadd.scan.msk.f32 $0xffff, v42  }
0x1e3: {  	v46 =	vadd.f32 v50, v46;
	v44 =	vadd.f32 v59, v44;
	v45 =	vld [tilespmem:s26+$0xFFFFFBE0]  }
0x1e4: {  	v51 =	vadd.f32 v51, v52;
	v47 =	vadd.f32 v49, v47;
	v63 =	vld [tilespmem:s26+$0xFFFFFBF0];
	v62, _, _ =	vpop (xrf2)  }
0x1e5: {  	v42 =	vld [tilespmem:s26+$0xFFFFFBC0];
	[tilespmem:s25+$0x1] =	vst.msk vm0, v62  }
0x1e6: {  	v44 =	vadd.f32 v44, v46;
	v57 =	vadd.f32 v47, v51;
	v52 =	vld [tilespmem:s26+$0x100]  }
0x1e7: {  	v58 =	vmul.f32 v58, v23;
	v43 =	vmul.f32 v43, v10;
	v48 =	vld [tilespmem:s26+$0x110]  }
0x1e8: {  	v44 =	vadd.f32 v57, v44;
	v59 =	vmul.f32 v53, v8;
	v60 =	vmul.f32 v60, v11;
	v54 =	vld [tilespmem:s26+$0x120]  }
0x1e9: {  	v61 =	vmul.f32 v61, v13;
	v45 =	vmul.f32 v45, v12;
	v62 =	vld [tilespmem:s26+$0x130]  }
0x1ea: {  	v49 =	vmul.f32 v63, v14;
	v42 =	vmul.f32 v42, v9;
	(xrf2) =	vadd.scan.msk.f32 $0xffff, v44;
	v44 =	vld [tilespmem:s26+$0x140]  }
0x1eb: {  	v43 =	vadd.f32 v43, v58;
	v63 =	vadd.f32 v60, v59;
	v56 =	vld [tilespmem:s26+$0x150]  }
0x1ec: {  	v45 =	vadd.f32 v49, v45;
	v57 =	vld [tilespmem:s26+$0x160];
	v42 =	vadd.f32 v61, v42;
	v58, _, _ =	vpop (xrf2)  }
0x1ed: {  	v59 =	vld [tilespmem:s26+$0x170];
	[tilespmem:s24+$0xFFFFFFFB] =	vst.msk vm0, v58  }
0x1ee: {  	v43 =	vadd.f32 v63, v43;
	v42 =	vadd.f32 v45, v42;
	v45 =	vld [tilespmem:s23+$0xFFFFFE00]  }
0x1ef: {  	v60 =	vmul.f32 v52, v15;
	v48 =	vmul.f32 v48, v16;
	v49 =	vld [tilespmem:s23+$0xFFFFFE10]  }
0x1f0: {  	v42 =	vadd.f32 v42, v43;
	v61 =	vmul.f32 v54, v17;
	v50 =	vmul.f32 v62, v19;
	v62 =	vld [tilespmem:s23+$0xFFFFFE20]  }
0x1f1: {  	v44 =	vmul.f32 v44, v18;
	v51 =	vmul.f32 v56, v20;
	v63 =	vld [tilespmem:s23+$0xFFFFFE30]  }
0x1f2: {  	v46 =	vmul.f32 v57, v21;
	v53 =	vmul.f32 v59, v22;
	v56 =	vld [tilespmem:s23+$0xFFFFFE40];
	(xrf2) =	vadd.scan.msk.f32 $0xffff, v42  }
0x1f3: {  	v57 =	vld [tilespmem:s23+$0xFFFFFE50];
	v47 =	vadd.f32 v48, v60;
	v43 =	vadd.f32 v50, v61  }
0x1f4: {  	v58 =	vld [tilespmem:s23+$0xFFFFFE60];
	v44 =	vadd.f32 v51, v44;
	v46 =	vadd.f32 v53, v46;
	v59, _, _ =	vpop (xrf2)  }
0x1f5: {  	v60 =	vld [tilespmem:s23+$0xFFFFFE70];
	[tilespmem:s24+$0x7] =	vst.msk vm0, v59  }
0x1f6: {  	v43 =	vadd.f32 v43, v47;
	v44 =	vadd.f32 v46, v44;
	v46 =	vld [tilespmem:s23+$0x400]  }
0x1f7: {  	v45 =	vmul.f32 v45, v7;
	v61 =	vmul.f32 v49, v0;
	v49 =	vld [tilespmem:s23+$0x410]  }
0x1f8: {  	v62 =	vmul.f32 v62, v1;
	v63 =	vmul.f32 v63, v2;
	v43 =	vadd.f32 v44, v43;
	v44 =	vld [tilespmem:s23+$0x420]  }
0x1f9: {  	v42 =	vmul.f32 v56, v3;
	v48 =	vmul.f32 v57, v4;
	v57 =	vld [tilespmem:s23+$0x430]  }
0x1fa: {  	v50 =	vmul.f32 v58, v5;
	v53 =	vld [tilespmem:s23+$0x440];
	v58 =	vmul.f32 v60, v6;
	(xrf2) =	vadd.scan.msk.f32 $0xffff, v43  }
0x1fb: {  	v60 =	vld [tilespmem:s23+$0x450];
	v45 =	vadd.f32 v61, v45;
	v59 =	vadd.f32 v63, v62  }
0x1fc: {  	v42 =	vadd.f32 v48, v42;
	v62 =	vld [tilespmem:s23+$0x460];
	v43 =	vadd.f32 v58, v50;
	v61, _, _ =	vpop (xrf2)  }
0x1fd: {  	v63 =	vld [tilespmem:s23+$0x470];
	[tilespmem:s25+$0xFFFFFFF7] =	vst.msk vm0, v61  }
0x1fe: {  	v45 =	vadd.f32 v59, v45;
	v42 =	vadd.f32 v43, v42;
	v47 =	vld [tilespmem:s26+$0xFFFFFC00]  }
0x1ff: {  	v46 =	vmul.f32 v46, v32;
	v49 =	vmul.f32 v49, v33;
	v43 =	vld [tilespmem:s26+$0xFFFFFC10]  }
0x200: {  	v44 =	vmul.f32 v44, v34;
	v57 =	vmul.f32 v57, v35;
	v42 =	vadd.f32 v42, v45;
	v52 =	vld [tilespmem:s26+$0xFFFFFC20]  }
0x201: {  	v53 =	vmul.f32 v53, v36;
	v51 =	vmul.f32 v60, v37;
	v58 =	vld [tilespmem:s26+$0xFFFFFC30]  }
0x202: {  	v50 =	vmul.f32 v62, v38;
	v48 =	vmul.f32 v63, v39;
	v59 =	vld [tilespmem:s26+$0xFFFFFC40];
	(xrf2) =	vadd.scan.msk.f32 $0xffff, v42  }
0x203: {  	v46 =	vadd.f32 v49, v46;
	v44 =	vadd.f32 v57, v44;
	v60 =	vld [tilespmem:s26+$0xFFFFFC50]  }
0x204: {  	v45 =	vld [tilespmem:s26+$0xFFFFFC60];
	v51 =	vadd.f32 v51, v53;
	v48 =	vadd.f32 v48, v50;
	v61, _, _ =	vpop (xrf2)  }
0x205: {  	v62 =	vld [tilespmem:s26+$0xFFFFFC70];
	[tilespmem:s25+$0x2] =	vst.msk vm0, v61  }
0x206: {  	v44 =	vadd.f32 v44, v46;
	v63 =	vadd.f32 v48, v51;
	v53 =	vld [tilespmem:s26+$0x180]  }
0x207: {  	v47 =	vmul.f32 v47, v23;
	v43 =	vmul.f32 v43, v10;
	v48 =	vld [tilespmem:s26+$0x190]  }
0x208: {  	v57 =	vmul.f32 v52, v8;
	v58 =	vmul.f32 v58, v11;
	v44 =	vadd.f32 v63, v44;
	v54 =	vld [tilespmem:s26+$0x1A0]  }
0x209: {  	v42 =	vmul.f32 v59, v9;
	v59 =	vmul.f32 v60, v13;
	v60 =	vld [tilespmem:s26+$0x1B0]  }
0x20a: {  	v45 =	vmul.f32 v45, v12;
	v50 =	vmul.f32 v62, v14;
	v62 =	vld [tilespmem:s26+$0x1D0];
	(xrf2) =	vadd.scan.msk.f32 $0xffff, v44  }
0x20b: {  	v63 =	vld [tilespmem:s26+$0x1E0];
	v43 =	vadd.f32 v43, v47;
	v61 =	vadd.f32 v58, v57  }
0x20c: {  	v44 =	vld [tilespmem:s26+$0x1C0];
	v42 =	vadd.f32 v59, v42;
	v45 =	vadd.f32 v50, v45;
	v56, _, _ =	vpop (xrf2)  }
0x20d: {  	v57 =	vld [tilespmem:s26+$0x1F0];
	[tilespmem:s24+$0xFFFFFFFC] =	vst.msk vm0, v56  }
0x20e: {  	v43 =	vadd.f32 v61, v43;
	v42 =	vadd.f32 v45, v42;
	v45 =	vld [tilespmem:s23+$0xFFFFFE80]  }
0x20f: {  	v58 =	vmul.f32 v53, v15;
	v48 =	vmul.f32 v48, v16;
	v50 =	vld [tilespmem:s23+$0xFFFFFE90]  }
0x210: {  	v42 =	vadd.f32 v42, v43;
	v59 =	vmul.f32 v54, v17;
	v49 =	vmul.f32 v60, v19;
	v60 =	vld [tilespmem:s23+$0xFFFFFEA0]  }
0x211: {  	v51 =	vmul.f32 v62, v20;
	v46 =	vmul.f32 v63, v21;
	v61 =	vld [tilespmem:s23+$0xFFFFFEB0]  }
0x212: {  	v44 =	vmul.f32 v44, v18;
	v52 =	vmul.f32 v57, v22;
	(xrf2) =	vadd.scan.msk.f32 $0xffff, v42;
	v56 =	vld [tilespmem:s23+$0xFFFFFEC0]  }
0x213: {  	v47 =	vadd.f32 v48, v58;
	v43 =	vadd.f32 v49, v59;
	v62 =	vld [tilespmem:s23+$0xFFFFFED0]  }
0x214: {  	v63 =	vld [tilespmem:s23+$0xFFFFFEE0];
	v44 =	vadd.f32 v51, v44;
	v46 =	vadd.f32 v52, v46;
	v57, _, _ =	vpop (xrf2)  }
0x215: {  	v58 =	vld [tilespmem:s23+$0xFFFFFEF0];
	[tilespmem:s24+$0x8] =	vst.msk vm0, v57  }
0x216: {  	v43 =	vadd.f32 v43, v47;
	v44 =	vadd.f32 v46, v44;
	v46 =	vld [tilespmem:s23+$0x480]  }
0x217: {  	v45 =	vmul.f32 v45, v7;
	v59 =	vmul.f32 v50, v0;
	v50 =	vld [tilespmem:s23+$0x490]  }
0x218: {  	v60 =	vmul.f32 v60, v1;
	v61 =	vmul.f32 v61, v2;
	v43 =	vadd.f32 v44, v43;
	v44 =	vld [tilespmem:s23+$0x4A0]  }
0x219: {  	v42 =	vmul.f32 v56, v3;
	v48 =	vmul.f32 v62, v4;
	v54 =	vld [tilespmem:s23+$0x4B0]  }
0x21a: {  	v49 =	vmul.f32 v63, v5;
	v62 =	vmul.f32 v58, v6;
	v52 =	vld [tilespmem:s23+$0x4C0];
	(xrf2) =	vadd.scan.msk.f32 $0xffff, v43  }
0x21b: {  	v51 =	vld [tilespmem:s23+$0x4D0];
	v45 =	vadd.f32 v59, v45;
	v63 =	vadd.f32 v61, v60  }
0x21c: {  	v56 =	vld [tilespmem:s23+$0x4F0];
	v42 =	vadd.f32 v48, v42;
	v43 =	vadd.f32 v62, v49;
	v55, _, _ =	vpop (xrf2)  }
0x21d: {  	v49 =	vld [tilespmem:s23+$0x4E0];
	[tilespmem:s25+$0xFFFFFFF8] =	vst.msk vm0, v55  }
0x21e: {  	v45 =	vadd.f32 v63, v45;
	v42 =	vadd.f32 v43, v42;
	v57 =	vld [tilespmem:s26+$0xFFFFFC80]  }
0x21f: {  	v58 =	vld [tilespmem:s26+$0xFFFFFC90]  }
0x220: {  	v42 =	vadd.f32 v42, v45;
	v59 =	vld [tilespmem:s26+$0xFFFFFCA0]  }
0x221: {  	v60 =	vld [tilespmem:s26+$0xFFFFFCB0]  }
0x222: {  	v61 =	vld [tilespmem:s26+$0xFFFFFCC0];
	(xrf2) =	vadd.scan.msk.f32 $0xffff, v42  }
0x223: {  	v62 =	vld [tilespmem:s26+$0xFFFFFCD0]  }
0x224: {  	v35 =	vmul.f32 v54, v35;
	v63 =	vld [tilespmem:s26+$0xFFFFFCE0];
	v54, _, _ =	vpop (xrf2)  }
0x225: {  	v32 =	vmul.f32 v46, v32;
	v55 =	vld [tilespmem:s26+$0xFFFFFCF0];
	[tilespmem:s25+$0x3] =	vst.msk vm0, v54  }
0x226: {  	v33 =	vmul.f32 v50, v33;
	v34 =	vmul.f32 v44, v34;
	v48 =	vld [tilespmem:s26+$0x200]  }
0x227: {  	v36 =	vmul.f32 v52, v36;
	v37 =	vmul.f32 v51, v37;
	v43 =	vld [tilespmem:s26+$0x210]  }
0x228: {  	v39 =	vmul.f32 v56, v39;
	v38 =	vmul.f32 v49, v38;
	v49 =	vld [tilespmem:s26+$0x220]  }
0x229: {  	v32 =	vadd.f32 v33, v32;
	v47 =	vmul.f32 v57, v23;
	v56 =	vmul.f32 v58, v10;
	v46 =	vld [tilespmem:s26+$0x230]  }
0x22a: {  	v34 =	vadd.f32 v35, v34;
	v57 =	vmul.f32 v59, v8;
	v45 =	vmul.f32 v60, v11;
	v50 =	vld [tilespmem:s26+$0x240]  }
0x22b: {  	v36 =	vadd.f32 v37, v36;
	v58 =	vmul.f32 v61, v9;
	v59 =	vmul.f32 v62, v13;
	v62 =	vld [tilespmem:s26+$0x250]  }
0x22c: {  	v38 =	vadd.f32 v39, v38;
	v60 =	vmul.f32 v63, v12;
	v61 =	vmul.f32 v55, v14;
	v63 =	vld [tilespmem:s26+$0x260];
	v51, _, _ =	vpop (xrf2)  }
0x22d: {  	v33 =	vadd.f32 v56, v47;
	v35 =	vadd.f32 v45, v57;
	v53 =	vld [tilespmem:s26+$0x270];
	[tilespmem:s24+$0xFFFFFFFD] =	vst.msk vm0, v51  }
0x22e: {  	v37 =	vadd.f32 v59, v58;
	v39 =	vadd.f32 v61, v60;
	v55 =	vld [tilespmem:s23+$0xFFFFFF00]  }
0x22f: {  	v32 =	vadd.f32 v34, v32;
	v52 =	vadd.f32 v38, v36;
	v58 =	vld [tilespmem:s23+$0xFFFFFF10]  }
0x230: {  	v33 =	vadd.f32 v35, v33;
	v54 =	vadd.f32 v39, v37;
	v44 =	vld [tilespmem:s23+$0xFFFFFF20]  }
0x231: {  	v32 =	vadd.f32 v52, v32;
	v56 =	vmul.f32 v48, v15;
	v45 =	vmul.f32 v62, v20;
	v62 =	vld [tilespmem:s23+$0xFFFFFF30]  }
0x232: {  	v33 =	vadd.f32 v54, v33;
	v57 =	vmul.f32 v43, v16;
	v42 =	vmul.f32 v63, v21;
	v63 =	vld [tilespmem:s23+$0xFFFFFF40]  }
0x233: {  	(xrf2) =	vadd.scan.msk.f32 $0xffff, v32;
	v59 =	vmul.f32 v49, v17;
	v60 =	vmul.f32 v46, v19;
	v48 =	vld [tilespmem:s23+$0xFFFFFF50]  }
0x234: {  	v61 =	vmul.f32 v50, v18;
	v36 =	vmul.f32 v53, v22;
	(xrf2) =	vadd.scan.msk.f32 $0xffff, v33;
	v49 =	vld [tilespmem:s23+$0xFFFFFF60]  }
0x235: {  	v50 =	vld [tilespmem:s23+$0xFFFFFF70];
	v34 =	vadd.f32 v57, v56;
	v35 =	vadd.f32 v60, v59  }
0x236: {  	v32 =	vadd.f32 v45, v61;
	v36 =	vadd.f32 v36, v42  }
0x237: {  	[tilespmem:s19+$0xFFFFFFFE] =	vst.msk vm0, v41;
	v34 =	vadd.f32 v35, v34;
	v51 =	vmul.f32 v55, v7;
	v52 =	vmul.f32 v58, v0  }
0x238: {  	v53 =	vld [tilespmem:s28+$0xFFFFFF90];
	v32 =	vadd.f32 v36, v32;
	v54 =	vmul.f32 v44, v1;
	v55 =	vmul.f32 v62, v2  }
0x239: {  	v56 =	vld [tilespmem:s28+$0xFFFFFFA0];
	v33 =	vmul.f32 v63, v3;
	v38 =	vmul.f32 v48, v4  }
0x23a: {  	v57 =	vld [tilespmem:s28+$0xFFFFFFB0];
	v32 =	vadd.f32 v32, v34;
	v42 =	vmul.f32 v49, v5;
	v58 =	vmul.f32 v50, v6  }
0x23b: {  	v59 =	vld [tilespmem:s28+$0xFFFFFFC0];
	v36 =	vadd.f32 v52, v51;
	v60 =	vadd.f32 v55, v54  }
0x23c: {  	v61 =	vld [tilespmem:s28+$0xFFFFFFD0];
	(xrf2) =	vadd.scan.msk.f32 $0xffff, v32;
	v33 =	vadd.f32 v38, v33;
	v32 =	vadd.f32 v58, v42  }
0x23d: {  	v35 =	vld [tilespmem:s28+$0xFFFFFF80];
	v46, _, _ =	vpop (xrf2)  }
0x23e: {  	v63 =	vld [tilespmem:s28+$0xFFFFFFE0];
	v36 =	vadd.f32 v60, v36;
	v32 =	vadd.f32 v32, v33;
	v62, _, _ =	vpop (xrf2)  }
0x23f: {  	v48 =	vld [tilespmem:s28+$0xFFFFFFF0];
	[tilespmem:s25+$0xFFFFFFF9] =	vst.msk vm0, v62  }
0x240: {  	v32 =	vadd.f32 v32, v36;
	v49 =	vld [tilespmem:s26+$0xFFFFFD00]  }
0x241: {  	v26 =	vmul.f32 v53, v26;
	v27 =	vmul.f32 v56, v27;
	v50 =	vld [tilespmem:s26+$0xFFFFFD10]  }
0x242: {  	v28 =	vmul.f32 v57, v28;
	v31 =	vmul.f32 v35, v31;
	v51 =	vld [tilespmem:s26+$0xFFFFFD20];
	(xrf2) =	vadd.scan.msk.f32 $0xffff, v32  }
0x243: {  	v29 =	vmul.f32 v59, v29;
	v30 =	vmul.f32 v61, v30;
	v52 =	vld [tilespmem:s26+$0xFFFFFD30]  }
0x244: {  	v26 =	vadd.f32 v26, v31;
	v31 =	vmul.f32 v63, v24;
	v25 =	vmul.f32 v48, v25;
	v53 =	vld [tilespmem:s26+$0xFFFFFD40]  }
0x245: {  	v27 =	vadd.f32 v28, v27;
	v54 =	vld [tilespmem:s26+$0xFFFFFD50]  }
0x246: {  	v28 =	vadd.f32 v30, v29;
	v55 =	vld [tilespmem:s26+$0xFFFFFD60];
	v31 =	vadd.f32 v25, v31;
	v56, _, _ =	vpop (xrf2)  }
0x247: {  	v57 =	vld [tilespmem:s26+$0xFFFFFD70];
	[tilespmem:s25+$0x4] =	vst.msk vm0, v56  }
0x248: {  	v58 =	vadd.f32 v27, v26;
	v28 =	vadd.f32 v31, v28;
	v24 =	vld [tilespmem:s26+$0x280]  }
0x249: {  	v29 =	vmul.f32 v49, v23;
	v30 =	vmul.f32 v50, v10;
	v25 =	vld [tilespmem:s26+$0x290]  }
0x24a: {  	v33 =	vadd.f32 v28, v58;
	v59 =	vmul.f32 v51, v8;
	v36 =	vmul.f32 v52, v11;
	v26 =	vld [tilespmem:s26+$0x2A0]  }
0x24b: {  	v31 =	vmul.f32 v53, v9;
	v32 =	vmul.f32 v54, v13;
	v27 =	vld [tilespmem:s26+$0x2B0]  }
0x24c: {  	v34 =	vmul.f32 v55, v12;
	v62 =	vmul.f32 v57, v14;
	v60 =	vadd.f32 v30, v29;
	v29 =	vld [tilespmem:s26+$0x2C0];
	v63, _, _ =	vpop (xrf2);
	(xrf2) =	vadd.scan.msk.f32 $0xffff, v33  }
0x24d: {  	[tilespmem:s19+$0x9] =	vst.msk vm0, v40;
	v61 =	vadd.f32 v36, v59;
	v30 =	vld [tilespmem:s26+$0x2D0]  }
0x24e: {  	s30 =	simm.s32 $0x4;
	[tilespmem:s24+$0x9] =	vst.msk vm0, v46;
	v36 =	vld [tilespmem:s26+$0x2E0];
	v32 =	vadd.f32 v32, v31;
	v33 =	vadd.f32 v62, v34  }
0x24f: {  	s31 =	sadd.s32 $0x100, s29;
	s29 =	smov.u32 s26;
	s28 =	smov.u32 s19;
	v37 =	vld [tilespmem:s26+$0x2F0];
	v28 =	vadd.f32 v61, v60;
	[tilespmem:s24+$0xFFFFFFFE] =	vst.msk vm0, v63  }
.LBB2_8:
0x250: {  	v31 =	vld [tilespmem:s31+$0x0];
	v33 =	vadd.f32 v33, v32  }
0x251: {  	v24 =	vmul.f32 v24, v15;
	v25 =	vmul.f32 v25, v16;
	v34 =	vld [tilespmem:s31+$0x10]  }
0x252: {  	v26 =	vmul.f32 v26, v17;
	v27 =	vmul.f32 v27, v19;
	v32 =	vld [tilespmem:s31+$0x20];
	v28 =	vadd.f32 v33, v28  }
0x253: {  	v29 =	vmul.f32 v29, v18;
	v30 =	vmul.f32 v30, v20;
	v33 =	vld [tilespmem:s31+$0x30]  }
0x254: {  	v39 =	vmul.f32 v36, v21;
	v35 =	vld [tilespmem:s31+$0x40];
	v37 =	vmul.f32 v37, v22;
	(xrf2) =	vadd.scan.msk.f32 $0xffff, v28  }
0x255: {  	v24 =	vadd.f32 v25, v24;
	v25 =	vadd.f32 v27, v26;
	v38 =	vld [tilespmem:s31+$0x50]  }
0x256: {  	v26 =	vadd.f32 v30, v29;
	v36 =	vld [tilespmem:s31+$0x60];
	v27 =	vadd.f32 v37, v39;
	v28, _, _ =	vpop (xrf2)  }
0x257: {  	s26 =	sadd.s32 $0xA00, s26;
	v39 =	vld [tilespmem:s31+$0x70];
	[tilespmem:s28+$0xFFFFFFFF] =	vst.msk vm0, v28;
	s28 =	smov.u32 s24;
	s24 =	smov.u32 s25  }
0x258: {  	v24 =	vadd.f32 v25, v24;
	v28 =	vld [tilespmem:s26+$0x0];
	v25 =	vadd.f32 v27, v26  }
0x259: {  	v26 =	vld [tilespmem:s26+$0x10]  }
0x25a: {  	v37 =	vld [tilespmem:s26+$0x20];
	v24 =	vadd.f32 v25, v24  }
0x25b: {  	v25 =	vld [tilespmem:s26+$0x30]  }
0x25c: {  	v40 =	vld [tilespmem:s26+$0x40];
	(xrf2) =	vadd.scan.msk.f32 $0xffff, v24  }
0x25d: {  	v24 =	vld [tilespmem:s26+$0x50]  }
0x25e: {  	v41 =	vld [tilespmem:s26+$0x60];
	v27, _, _ =	vpop (xrf2)  }
0x25f: {  	v42 =	vld [tilespmem:s26+$0x70];
	[tilespmem:s25+$0xFFFFFFFA] =	vst.msk vm0, v27  }
0x260: {  	v29 =	vld [tilespmem:s31+$0xFFFFFF90]  }
0x261: {  	v43 =	vmul.f32 v28, v31;
	v44 =	vmul.f32 v26, v34;
	v30 =	vld [tilespmem:s31+$0xFFFFFFA0]  }
0x262: {  	v37 =	vmul.f32 v37, v32;
	v45 =	vmul.f32 v25, v33;
	v27 =	vld [tilespmem:s31+$0xFFFFFFB0]  }
0x263: {  	v40 =	vmul.f32 v40, v35;
	v46 =	vmul.f32 v24, v38;
	v28 =	vld [tilespmem:s31+$0xFFFFFFC0]  }
0x264: {  	v41 =	vmul.f32 v41, v36;
	v25 =	vld [tilespmem:s31+$0xFFFFFFD0];
	v47 =	vmul.f32 v42, v39  }
0x265: {  	v43 =	vadd.f32 v44, v43;
	v37 =	vadd.f32 v45, v37;
	v26 =	vld [tilespmem:s31+$0xFFFFFFE0]  }
0x266: {  	v40 =	vadd.f32 v46, v40;
	v24 =	vld [tilespmem:s31+$0xFFFFFFF0];
	v41 =	vadd.f32 v47, v41;
	v42, _, _ =	vpop (xrf2)  }
0x267: {  	v44 =	vld [tilespmem:s26+$0xFFFFFB00];
	[tilespmem:s25+$0x5] =	vst.msk vm0, v42  }
0x268: {  	v37 =	vadd.f32 v37, v43;
	v40 =	vadd.f32 v41, v40;
	v41 =	vld [tilespmem:s29+$0x300]  }
0x269: {  	v42 =	vld [tilespmem:s29+$0x310]  }
0x26a: {  	v37 =	vadd.f32 v40, v37;
	v40 =	vld [tilespmem:s29+$0x320]  }
0x26b: {  	v43 =	vld [tilespmem:s29+$0x330]  }
0x26c: {  	(xrf2) =	vadd.scan.msk.f32 $0xffff, v37;
	v37 =	vld [tilespmem:s29+$0x340]  }
0x26d: {  	v45 =	vld [tilespmem:s29+$0x350]  }
0x26e: {  	v46 =	vld [tilespmem:s29+$0x360]  }
0x26f: {  	v47 =	vld [tilespmem:s29+$0x370]  }
0x270: {  	v48 =	vld [tilespmem:s26+$0xFFFFFB10]  }
0x271: {  	v41 =	vmul.f32 v41, v15;
	v42 =	vmul.f32 v42, v16;
	v49 =	vld [tilespmem:s26+$0xFFFFFB20]  }
0x272: {  	v40 =	vmul.f32 v40, v17;
	v43 =	vmul.f32 v43, v19;
	v50 =	vld [tilespmem:s26+$0xFFFFFB30]  }
0x273: {  	v37 =	vmul.f32 v37, v18;
	v45 =	vmul.f32 v45, v20;
	v51 =	vld [tilespmem:s26+$0xFFFFFB40]  }
0x274: {  	v46 =	vmul.f32 v46, v21;
	v52 =	vld [tilespmem:s26+$0xFFFFFB50];
	v47 =	vmul.f32 v47, v22  }
0x275: {  	v41 =	vadd.f32 v42, v41;
	v40 =	vadd.f32 v43, v40;
	v48 =	vmul.f32 v48, v29;
	v53 =	vld [tilespmem:s26+$0xFFFFFB60]  }
0x276: {  	s25 =	sadd.s32 $0x14, s25;
	v45 =	vadd.f32 v45, v37;
	v42 =	vmul.f32 v49, v30;
	v43 =	vld [tilespmem:s26+$0xFFFFFB70];
	v49, _, _ =	vpop (xrf2);
	v46 =	vadd.f32 v47, v46  }
0x277: {  	v37 =	vld [tilespmem:s31+$0xFFFFFF80];
	v47 =	vmul.f32 v50, v27;
	[tilespmem:s25+$0x0] =	vst.msk vm0, v49  }
0x278: {  	v40 =	vadd.f32 v40, v41;
	v49 =	vmul.f32 v51, v28;
	v50 =	vld [tilespmem:s26+$0x80];
	v41 =	vadd.f32 v46, v45  }
0x279: {  	v45 =	vmul.f32 v52, v25;
	v42 =	vadd.f32 v47, v42;
	v46 =	vld [tilespmem:s26+$0x90]  }
0x27a: {  	v47 =	vmul.f32 v53, v26;
	v51 =	vld [tilespmem:s26+$0xA0];
	v40 =	vadd.f32 v41, v40  }
0x27b: {  	v41 =	vmul.f32 v43, v24;
	v43 =	vadd.f32 v45, v49;
	v45 =	vld [tilespmem:s26+$0xB0]  }
0x27c: {  	v44 =	vmul.f32 v44, v37;
	v49 =	vld [tilespmem:s26+$0xC0];
	(xrf2) =	vadd.scan.msk.f32 $0xffff, v40  }
0x27d: {  	v40 =	vadd.f32 v41, v47;
	v41 =	vld [tilespmem:s26+$0xD0]  }
0x27e: {  	v44 =	vadd.f32 v48, v44;
	v47 =	vld [tilespmem:s26+$0xE0]  }
0x27f: {  	v40 =	vadd.f32 v40, v43;
	v43 =	vld [tilespmem:s26+$0xF0]  }
0x280: {  	v42 =	vadd.f32 v42, v44;
	v44 =	vld [tilespmem:s29+$0xFFFFFD80]  }
0x281: {  	v48 =	vmul.f32 v50, v31;
	v46 =	vmul.f32 v46, v34;
	v50 =	vld [tilespmem:s29+$0xFFFFFD90]  }
0x282: {  	v45 =	vmul.f32 v45, v33;
	v40 =	vadd.f32 v40, v42;
	v42 =	vmul.f32 v51, v32;
	v51 =	vld [tilespmem:s29+$0xFFFFFDA0]  }
0x283: {  	v53 =	vmul.f32 v49, v35;
	v41 =	vmul.f32 v41, v38;
	v52 =	vld [tilespmem:s29+$0xFFFFFDB0]  }
0x284: {  	v47 =	vmul.f32 v47, v36;
	v43 =	vmul.f32 v43, v39;
	(xrf2) =	vadd.scan.msk.f32 $0xffff, v40;
	v40 =	vld [tilespmem:s29+$0xFFFFFDC0]  }
0x285: {  	v46 =	vadd.f32 v46, v48;
	v42 =	vadd.f32 v45, v42;
	v44 =	vmul.f32 v44, v23;
	v45 =	vld [tilespmem:s29+$0xFFFFFDD0]  }
0x286: {  	v41 =	vadd.f32 v41, v53;
	v43 =	vadd.f32 v43, v47;
	v47 =	vmul.f32 v50, v10;
	v48 =	vld [tilespmem:s29+$0xFFFFFDE0];
	v49, _, _ =	vpop (xrf2)  }
0x287: {  	v50 =	vmul.f32 v51, v8;
	v51 =	vld [tilespmem:s29+$0xFFFFFDF0];
	[tilespmem:s24+$0x6] =	vst.msk vm0, v49  }
0x288: {  	v42 =	vadd.f32 v42, v46;
	v41 =	vadd.f32 v43, v41;
	v43 =	vmul.f32 v52, v11;
	v46 =	vld [tilespmem:s29+$0x380]  }
0x289: {  	v44 =	vadd.f32 v47, v44;
	v40 =	vmul.f32 v40, v9;
	v47 =	vld [tilespmem:s29+$0x390]  }
0x28a: {  	v41 =	vadd.f32 v41, v42;
	v42 =	vmul.f32 v45, v13;
	v43 =	vadd.f32 v43, v50;
	v45 =	vld [tilespmem:s29+$0x3A0]  }
0x28b: {  	v48 =	vmul.f32 v48, v12;
	v49 =	vld [tilespmem:s29+$0x3B0]  }
0x28c: {  	(xrf2) =	vadd.scan.msk.f32 $0xffff, v41;
	v41 =	vmul.f32 v51, v14;
	v43 =	vadd.f32 v43, v44;
	v40 =	vadd.f32 v42, v40;
	v42 =	vld [tilespmem:s29+$0x3C0]  }
0x28d: {  	v44 =	vld [tilespmem:s29+$0x3D0]  }
0x28e: {  	v50, _, _ =	vpop (xrf2);
	v41 =	vadd.f32 v41, v48;
	v48 =	vld [tilespmem:s29+$0x3E0]  }
0x28f: {  	[tilespmem:s25+$0xFFFFFFF6] =	vst.msk vm0, v50;
	v50 =	vld [tilespmem:s29+$0x3F0]  }
0x290: {  	v51 =	vld [tilespmem:s26+$0xFFFFFB80];
	v40 =	vadd.f32 v41, v40  }
0x291: {  	v46 =	vmul.f32 v46, v15;
	v47 =	vmul.f32 v47, v16;
	v41 =	vld [tilespmem:s26+$0xFFFFFB90]  }
0x292: {  	v52 =	vld [tilespmem:s26+$0xFFFFFBA0];
	v40 =	vadd.f32 v40, v43;
	v43 =	vmul.f32 v45, v17;
	v45 =	vmul.f32 v49, v19  }
0x293: {  	v42 =	vmul.f32 v42, v18;
	v44 =	vmul.f32 v44, v20;
	v49 =	vld [tilespmem:s26+$0xFFFFFBB0]  }
0x294: {  	v48 =	vmul.f32 v48, v21;
	v53 =	vld [tilespmem:s26+$0xFFFFFBC0];
	v50 =	vmul.f32 v50, v22;
	(xrf2) =	vadd.scan.msk.f32 $0xffff, v40  }
0x295: {  	v46 =	vadd.f32 v47, v46;
	v43 =	vadd.f32 v45, v43;
	v40 =	vmul.f32 v51, v37;
	v51 =	vld [tilespmem:s26+$0xFFFFFBD0]  }
0x296: {  	v42 =	vadd.f32 v44, v42;
	v41 =	vmul.f32 v41, v29;
	v45 =	vld [tilespmem:s26+$0xFFFFFBE0];
	v47, _, _ =	vpop (xrf2);
	v44 =	vadd.f32 v50, v48  }
0x297: {  	v48 =	vmul.f32 v52, v30;
	v50 =	vld [tilespmem:s26+$0xFFFFFBF0];
	[tilespmem:s25+$0x1] =	vst.msk vm0, v47  }
0x298: {  	v43 =	vadd.f32 v43, v46;
	v47 =	vmul.f32 v49, v27;
	v49 =	vld [tilespmem:s26+$0x100];
	v42 =	vadd.f32 v44, v42  }
0x299: {  	v40 =	vadd.f32 v41, v40;
	v44 =	vmul.f32 v53, v28;
	v41 =	vld [tilespmem:s26+$0x110]  }
0x29a: {  	v46 =	vmul.f32 v51, v25;
	v47 =	vadd.f32 v47, v48;
	v48 =	vld [tilespmem:s26+$0x120];
	v42 =	vadd.f32 v42, v43  }
0x29b: {  	v43 =	vmul.f32 v45, v26;
	v45 =	vld [tilespmem:s26+$0x130]  }
0x29c: {  	v51 =	vmul.f32 v50, v24;
	v40 =	vadd.f32 v47, v40;
	v44 =	vadd.f32 v46, v44;
	v46 =	vld [tilespmem:s26+$0x140];
	(xrf2) =	vadd.scan.msk.f32 $0xffff, v42  }
0x29d: {  	v42 =	vld [tilespmem:s26+$0x150]  }
0x29e: {  	s30 =	sadd.s32 $0x2, s30;
	v43 =	vadd.f32 v51, v43;
	v47 =	vld [tilespmem:s26+$0x160];
	v50, _, _ =	vpop (xrf2)  }
0x29f: {  	p3 =	slt.u32 s30, $0xE;
	v51 =	vld [tilespmem:s26+$0x170];
	[tilespmem:s24+$0xFFFFFFFB] =	vst.msk vm0, v50  }
0x2a0: {  	v43 =	vadd.f32 v43, v44;
	v44 =	vld [tilespmem:s29+$0xFFFFFE00]  }
0x2a1: {  	v49 =	vmul.f32 v49, v31;
	v41 =	vmul.f32 v41, v34;
	v50 =	vld [tilespmem:s29+$0xFFFFFE10]  }
0x2a2: {  	v45 =	vmul.f32 v45, v33;
	v40 =	vadd.f32 v43, v40;
	v43 =	vmul.f32 v48, v32;
	v48 =	vld [tilespmem:s29+$0xFFFFFE20]  }
0x2a3: {  	v46 =	vmul.f32 v46, v35;
	v42 =	vmul.f32 v42, v38;
	v52 =	vld [tilespmem:s29+$0xFFFFFE30]  }
0x2a4: {  	v47 =	vmul.f32 v47, v36;
	v51 =	vmul.f32 v51, v39;
	(xrf2) =	vadd.scan.msk.f32 $0xffff, v40;
	v40 =	vld [tilespmem:s29+$0xFFFFFE40]  }
0x2a5: {  	v41 =	vadd.f32 v41, v49;
	v43 =	vadd.f32 v45, v43;
	v44 =	vmul.f32 v44, v23;
	v45 =	vld [tilespmem:s29+$0xFFFFFE50]  }
0x2a6: {  	v42 =	vadd.f32 v42, v46;
	v46 =	vadd.f32 v51, v47;
	v47 =	vmul.f32 v50, v10;
	v49 =	vld [tilespmem:s29+$0xFFFFFE60];
	v50, _, _ =	vpop (xrf2)  }
0x2a7: {  	v48 =	vmul.f32 v48, v8;
	v51 =	vld [tilespmem:s29+$0xFFFFFE70];
	[tilespmem:s24+$0x7] =	vst.msk vm0, v50  }
0x2a8: {  	v41 =	vadd.f32 v43, v41;
	v42 =	vadd.f32 v46, v42;
	v43 =	vmul.f32 v52, v11;
	v46 =	vld [tilespmem:s29+$0x400]  }
0x2a9: {  	v44 =	vadd.f32 v47, v44;
	v40 =	vmul.f32 v40, v9;
	v47 =	vld [tilespmem:s29+$0x410]  }
0x2aa: {  	v41 =	vadd.f32 v42, v41;
	v42 =	vmul.f32 v45, v13;
	v43 =	vadd.f32 v43, v48;
	v45 =	vld [tilespmem:s29+$0x420]  }
0x2ab: {  	v48 =	vmul.f32 v49, v12;
	v49 =	vld [tilespmem:s29+$0x430]  }
0x2ac: {  	(xrf2) =	vadd.scan.msk.f32 $0xffff, v41;
	v41 =	vmul.f32 v51, v14;
	v43 =	vadd.f32 v43, v44;
	v40 =	vadd.f32 v42, v40;
	v42 =	vld [tilespmem:s29+$0x440]  }
0x2ad: {  	v44 =	vld [tilespmem:s29+$0x450]  }
0x2ae: {  	v50, _, _ =	vpop (xrf2);
	v41 =	vadd.f32 v41, v48;
	v48 =	vld [tilespmem:s29+$0x460]  }
0x2af: {  	[tilespmem:s25+$0xFFFFFFF7] =	vst.msk vm0, v50;
	v50 =	vld [tilespmem:s29+$0x470]  }
0x2b0: {  	v51 =	vld [tilespmem:s26+$0xFFFFFC00];
	v40 =	vadd.f32 v41, v40  }
0x2b1: {  	v46 =	vmul.f32 v46, v15;
	v47 =	vmul.f32 v47, v16;
	v41 =	vld [tilespmem:s26+$0xFFFFFC10]  }
0x2b2: {  	v52 =	vld [tilespmem:s26+$0xFFFFFC20];
	v40 =	vadd.f32 v40, v43;
	v43 =	vmul.f32 v45, v17;
	v45 =	vmul.f32 v49, v19  }
0x2b3: {  	v42 =	vmul.f32 v42, v18;
	v44 =	vmul.f32 v44, v20;
	v49 =	vld [tilespmem:s26+$0xFFFFFC30]  }
0x2b4: {  	v48 =	vmul.f32 v48, v21;
	v53 =	vld [tilespmem:s26+$0xFFFFFC40];
	v50 =	vmul.f32 v50, v22;
	(xrf2) =	vadd.scan.msk.f32 $0xffff, v40  }
0x2b5: {  	v46 =	vadd.f32 v47, v46;
	v43 =	vadd.f32 v45, v43;
	v40 =	vmul.f32 v51, v37;
	v51 =	vld [tilespmem:s26+$0xFFFFFC50]  }
0x2b6: {  	v42 =	vadd.f32 v44, v42;
	v41 =	vmul.f32 v41, v29;
	v45 =	vld [tilespmem:s26+$0xFFFFFC60];
	v47, _, _ =	vpop (xrf2);
	v44 =	vadd.f32 v50, v48  }
0x2b7: {  	v48 =	vmul.f32 v52, v30;
	v50 =	vld [tilespmem:s26+$0xFFFFFC70];
	[tilespmem:s25+$0x2] =	vst.msk vm0, v47  }
0x2b8: {  	v43 =	vadd.f32 v43, v46;
	v47 =	vmul.f32 v49, v27;
	v49 =	vld [tilespmem:s26+$0x180];
	v42 =	vadd.f32 v44, v42  }
0x2b9: {  	v40 =	vadd.f32 v41, v40;
	v44 =	vmul.f32 v53, v28;
	v41 =	vld [tilespmem:s26+$0x190]  }
0x2ba: {  	v46 =	vmul.f32 v51, v25;
	v47 =	vadd.f32 v47, v48;
	v48 =	vld [tilespmem:s26+$0x1A0];
	v42 =	vadd.f32 v42, v43  }
0x2bb: {  	v43 =	vmul.f32 v45, v26;
	v45 =	vld [tilespmem:s26+$0x1B0]  }
0x2bc: {  	v51 =	vmul.f32 v50, v24;
	v40 =	vadd.f32 v47, v40;
	v44 =	vadd.f32 v46, v44;
	v46 =	vld [tilespmem:s26+$0x1C0];
	(xrf2) =	vadd.scan.msk.f32 $0xffff, v42  }
0x2bd: {  	v42 =	vld [tilespmem:s26+$0x1D0]  }
0x2be: {  	v43 =	vadd.f32 v51, v43;
	v47 =	vld [tilespmem:s26+$0x1E0];
	v50, _, _ =	vpop (xrf2)  }
0x2bf: {  	v51 =	vld [tilespmem:s26+$0x1F0];
	[tilespmem:s24+$0xFFFFFFFC] =	vst.msk vm0, v50  }
0x2c0: {  	v43 =	vadd.f32 v43, v44;
	v44 =	vld [tilespmem:s29+$0xFFFFFE80]  }
0x2c1: {  	v49 =	vmul.f32 v49, v31;
	v41 =	vmul.f32 v41, v34;
	v50 =	vld [tilespmem:s29+$0xFFFFFE90]  }
0x2c2: {  	v45 =	vmul.f32 v45, v33;
	v40 =	vadd.f32 v43, v40;
	v43 =	vmul.f32 v48, v32;
	v48 =	vld [tilespmem:s29+$0xFFFFFEA0]  }
0x2c3: {  	v46 =	vmul.f32 v46, v35;
	v42 =	vmul.f32 v42, v38;
	v52 =	vld [tilespmem:s29+$0xFFFFFEB0]  }
0x2c4: {  	v47 =	vmul.f32 v47, v36;
	v51 =	vmul.f32 v51, v39;
	(xrf2) =	vadd.scan.msk.f32 $0xffff, v40;
	v40 =	vld [tilespmem:s29+$0xFFFFFEC0]  }
0x2c5: {  	v41 =	vadd.f32 v41, v49;
	v43 =	vadd.f32 v45, v43;
	v44 =	vmul.f32 v44, v23;
	v45 =	vld [tilespmem:s29+$0xFFFFFED0]  }
0x2c6: {  	v42 =	vadd.f32 v42, v46;
	v46 =	vadd.f32 v51, v47;
	v47 =	vmul.f32 v50, v10;
	v49 =	vld [tilespmem:s29+$0xFFFFFEE0];
	v50, _, _ =	vpop (xrf2)  }
0x2c7: {  	v48 =	vmul.f32 v48, v8;
	v51 =	vld [tilespmem:s29+$0xFFFFFEF0];
	[tilespmem:s24+$0x8] =	vst.msk vm0, v50  }
0x2c8: {  	v41 =	vadd.f32 v43, v41;
	v42 =	vadd.f32 v46, v42;
	v43 =	vmul.f32 v52, v11;
	v46 =	vld [tilespmem:s29+$0x480]  }
0x2c9: {  	v44 =	vadd.f32 v47, v44;
	v40 =	vmul.f32 v40, v9;
	v47 =	vld [tilespmem:s29+$0x490]  }
0x2ca: {  	v41 =	vadd.f32 v42, v41;
	v42 =	vmul.f32 v45, v13;
	v43 =	vadd.f32 v43, v48;
	v45 =	vld [tilespmem:s29+$0x4A0]  }
0x2cb: {  	v48 =	vmul.f32 v49, v12;
	v49 =	vld [tilespmem:s29+$0x4B0]  }
0x2cc: {  	(xrf2) =	vadd.scan.msk.f32 $0xffff, v41;
	v41 =	vmul.f32 v51, v14;
	v43 =	vadd.f32 v43, v44;
	v40 =	vadd.f32 v42, v40;
	v42 =	vld [tilespmem:s29+$0x4C0]  }
0x2cd: {  	v44 =	vld [tilespmem:s29+$0x4D0]  }
0x2ce: {  	v50, _, _ =	vpop (xrf2);
	v41 =	vadd.f32 v41, v48;
	v48 =	vld [tilespmem:s29+$0x4E0]  }
0x2cf: {  	[tilespmem:s25+$0xFFFFFFF8] =	vst.msk vm0, v50;
	v50 =	vld [tilespmem:s29+$0x4F0]  }
0x2d0: {  	v51 =	vld [tilespmem:s26+$0xFFFFFC80];
	v40 =	vadd.f32 v41, v40  }
0x2d1: {  	v46 =	vmul.f32 v46, v15;
	v15 =	vmovc v31;
	v47 =	vmul.f32 v47, v16;
	v16 =	vmov v34;
	v41 =	vld [tilespmem:s26+$0xFFFFFC90]  }
0x2d2: {  	v31 =	vld [tilespmem:s26+$0xFFFFFCA0];
	v34 =	vadd.f32 v40, v43;
	v40 =	vmul.f32 v45, v17;
	v43 =	vmul.f32 v49, v19;
	v17 =	vmovc v32  }
0x2d3: {  	v42 =	vmul.f32 v42, v18;
	v18 =	vmovc v35;
	v44 =	vmul.f32 v44, v20;
	v19 =	vmovc v33;
	v20 =	vmov v38;
	v32 =	vld [tilespmem:s26+$0xFFFFFCB0]  }
0x2d4: {  	v35 =	vmul.f32 v48, v21;
	v21 =	vmovc v36;
	v33 =	vld [tilespmem:s26+$0xFFFFFCC0];
	v38 =	vmul.f32 v50, v22;
	(xrf2) =	vadd.scan.msk.f32 $0xffff, v34;
	v22 =	vmov v39  }
0x2d5: {  	v39 =	vadd.f32 v47, v46;
	v40 =	vadd.f32 v43, v40;
	v34 =	vmul.f32 v51, v37;
	v36 =	vld [tilespmem:s26+$0xFFFFFCD0]  }
0x2d6: {  	v42 =	vadd.f32 v44, v42;
	v41 =	vmul.f32 v41, v29;
	v43 =	vld [tilespmem:s26+$0xFFFFFCE0];
	v45, _, _ =	vpop (xrf2);
	v35 =	vadd.f32 v38, v35  }
0x2d7: {  	v31 =	vmul.f32 v31, v30;
	v38 =	vld [tilespmem:s26+$0xFFFFFCF0];
	[tilespmem:s25+$0x3] =	vst.msk vm0, v45  }
0x2d8: {  	v39 =	vadd.f32 v40, v39;
	v32 =	vmul.f32 v32, v27;
	v44 =	vld [tilespmem:s26+$0x200];
	v35 =	vadd.f32 v35, v42  }
0x2d9: {  	v34 =	vadd.f32 v41, v34;
	v33 =	vmul.f32 v33, v28;
	v40 =	vld [tilespmem:s26+$0x210]  }
0x2da: {  	v36 =	vmul.f32 v36, v25;
	v31 =	vadd.f32 v32, v31;
	v32 =	vld [tilespmem:s26+$0x220];
	v35 =	vadd.f32 v35, v39  }
0x2db: {  	v42 =	vmul.f32 v43, v26;
	v41 =	vld [tilespmem:s26+$0x230]  }
0x2dc: {  	v38 =	vmul.f32 v38, v24;
	v31 =	vadd.f32 v31, v34;
	v33 =	vadd.f32 v36, v33;
	v34 =	vld [tilespmem:s26+$0x240];
	(xrf2) =	vadd.scan.msk.f32 $0xffff, v35  }
0x2dd: {  	v35 =	vld [tilespmem:s26+$0x250]  }
0x2de: {  	v36 =	vadd.f32 v38, v42;
	v38 =	vld [tilespmem:s26+$0x260];
	v39, _, _ =	vpop (xrf2)  }
0x2df: {  	v42 =	vld [tilespmem:s26+$0x270];
	[tilespmem:s24+$0xFFFFFFFD] =	vst.msk vm0, v39  }
0x2e0: {  	v33 =	vadd.f32 v36, v33;
	v36 =	vld [tilespmem:s29+$0xFFFFFF00]  }
0x2e1: {  	v40 =	vmul.f32 v40, v16;
	v39 =	vmul.f32 v44, v15;
	v43 =	vld [tilespmem:s29+$0xFFFFFF10]  }
0x2e2: {  	v32 =	vmul.f32 v32, v17;
	v31 =	vadd.f32 v33, v31;
	v33 =	vmul.f32 v41, v19;
	v41 =	vld [tilespmem:s29+$0xFFFFFF20]  }
0x2e3: {  	v34 =	vmul.f32 v34, v18;
	v35 =	vmul.f32 v35, v20;
	v44 =	vld [tilespmem:s29+$0xFFFFFF30]  }
0x2e4: {  	v38 =	vmul.f32 v38, v21;
	v45 =	vmul.f32 v42, v22;
	(xrf2) =	vadd.scan.msk.f32 $0xffff, v31;
	v31 =	vld [tilespmem:s29+$0xFFFFFF40]  }
0x2e5: {  	v39 =	vadd.f32 v40, v39;
	v32 =	vadd.f32 v33, v32;
	v33 =	vmul.f32 v36, v23;
	v36 =	vld [tilespmem:s29+$0xFFFFFF50]  }
0x2e6: {  	v34 =	vadd.f32 v35, v34;
	v35 =	vadd.f32 v45, v38;
	v38 =	vmul.f32 v43, v10;
	v40 =	vld [tilespmem:s29+$0xFFFFFF60];
	v42, _, _ =	vpop (xrf2)  }
0x2e7: {  	v41 =	vmul.f32 v41, v8;
	v43 =	vld [tilespmem:s29+$0xFFFFFF70];
	[tilespmem:s24+$0x9] =	vst.msk vm0, v42  }
0x2e8: {  	v32 =	vadd.f32 v32, v39;
	v34 =	vadd.f32 v35, v34;
	v35 =	vmul.f32 v44, v11;
	v39 =	vld [tilespmem:s23+$0xFFFFFF80]  }
0x2e9: {  	v33 =	vadd.f32 v38, v33;
	v31 =	vmul.f32 v31, v9;
	v38 =	vld [tilespmem:s23+$0xFFFFFF90]  }
0x2ea: {  	v32 =	vadd.f32 v34, v32;
	v34 =	vmul.f32 v36, v13;
	v35 =	vadd.f32 v35, v41;
	v36 =	vld [tilespmem:s23+$0xFFFFFFA0]  }
0x2eb: {  	v40 =	vmul.f32 v40, v12;
	v41 =	vld [tilespmem:s23+$0xFFFFFFB0]  }
0x2ec: {  	(xrf2) =	vadd.scan.msk.f32 $0xffff, v32;
	v32 =	vmul.f32 v43, v14;
	v33 =	vadd.f32 v35, v33;
	v31 =	vadd.f32 v34, v31;
	v34 =	vld [tilespmem:s23+$0xFFFFFFC0]  }
0x2ed: {  	v35 =	vmul.f32 v39, v7;
	v39 =	vld [tilespmem:s23+$0xFFFFFFD0];
	v7 =	vmov v23;
	v23 =	vmov v37  }
0x2ee: {  	v37, _, _ =	vpop (xrf2);
	v32 =	vadd.f32 v32, v40;
	v38 =	vmul.f32 v38, v0;
	v40 =	vld [tilespmem:s23+$0xFFFFFFE0];
	v0 =	vmov v10  }
0x2ef: {  	v10 =	vmovc v29;
	[tilespmem:s25+$0xFFFFFFF9] =	vst.msk vm0, v37;
	v36 =	vmul.f32 v36, v1;
	v37 =	vld [tilespmem:s23+$0xFFFFFFF0];
	v1 =	vmov v8;
	v8 =	vmov v30;
	s23 =	smov.u32 s29;
	s29 =	smov.u32 s26  }
0x2f0: {  	v29 =	vld [tilespmem:s26+$0xFFFFFD00];
	v30 =	vadd.f32 v32, v31;
	v31 =	vmul.f32 v41, v2;
	v32 =	vadd.f32 v38, v35;
	v2 =	vmovc v11  }
0x2f1: {  	v11 =	vmovc v27;
	v35 =	vld [tilespmem:s26+$0xFFFFFD10];
	v34 =	vmul.f32 v34, v3;
	v3 =	vmov v9;
	v9 =	vmov v28  }
0x2f2: {  	v27 =	vld [tilespmem:s26+$0xFFFFFD20];
	v28 =	vadd.f32 v30, v33;
	v30 =	vmul.f32 v39, v4;
	v31 =	vadd.f32 v31, v36;
	v4 =	vmovc v13  }
0x2f3: {  	v13 =	vmovc v25;
	v33 =	vld [tilespmem:s26+$0xFFFFFD30];
	v36 =	vmul.f32 v40, v5;
	v5 =	vmov v12;
	v12 =	vmov v26  }
0x2f4: {  	v25 =	vld [tilespmem:s26+$0xFFFFFD40];
	(xrf2) =	vadd.scan.msk.f32 $0xffff, v28;
	v26 =	vmul.f32 v37, v6;
	v28 =	vadd.f32 v31, v32;
	v30 =	vadd.f32 v30, v34  }
0x2f5: {  	v6 =	vmov v14;
	v14 =	vmov v24;
	v29 =	vmul.f32 v29, v23;
	v31 =	vld [tilespmem:s26+$0xFFFFFD50]  }
0x2f6: {  	v24 =	vmul.f32 v35, v10;
	v32 =	vld [tilespmem:s26+$0xFFFFFD60];
	v34, _, _ =	vpop (xrf2);
	v26 =	vadd.f32 v26, v36  }
0x2f7: {  	v27 =	vmul.f32 v27, v8;
	v35 =	vld [tilespmem:s26+$0xFFFFFD70];
	[tilespmem:s25+$0x4] =	vst.msk vm0, v34  }
0x2f8: {  	v33 =	vmul.f32 v33, v11;
	v29 =	vadd.f32 v24, v29;
	v24 =	vld [tilespmem:s26+$0x280];
	v30 =	vadd.f32 v26, v30  }
0x2f9: {  	v34 =	vmul.f32 v25, v9;
	v25 =	vld [tilespmem:s26+$0x290]  }
0x2fa: {  	v31 =	vmul.f32 v31, v13;
	v33 =	vadd.f32 v33, v27;
	v26 =	vld [tilespmem:s26+$0x2A0];
	v30 =	vadd.f32 v30, v28  }
.Ltmp8:
0x2fb: {  	v36 =	vmul.f32 v32, v12;
	v27 =	vld [tilespmem:s26+$0x2B0];
	(pc) =	sbr.rel @p3 .LBB2_8-.Ltmp8, $4  }
0x2fc: {  	v35 =	vmul.f32 v35, v14;
	v28 =	vadd.f32 v33, v29;
	v32 =	vadd.f32 v31, v34;
	v29 =	vld [tilespmem:s26+$0x2C0];
	(xrf2) =	vadd.scan.msk.f32 $0xffff, v30  }
0x2fd: {  	v30 =	vld [tilespmem:s26+$0x2D0]  }
0x2fe: {  	v33 =	vadd.f32 v35, v36;
	v36 =	vld [tilespmem:s26+$0x2E0];
	v31, _, _ =	vpop (xrf2)  }
0x2ff: {  	s31 =	sadd.s32 $0x100, s31;
	v37 =	vld [tilespmem:s26+$0x2F0];
	[tilespmem:s24+$0xFFFFFFFE] =	vst.msk vm0, v31  }
0x300: {  	_ = 	snop  }
0x301: {  	v24 =	vmul.f32 v24, v15;
	v25 =	vmul.f32 v25, v16  }
0x302: {  	v26 =	vmul.f32 v26, v17;
	v27 =	vmul.f32 v27, v19  }
0x303: {  	v29 =	vmul.f32 v29, v18;
	v30 =	vmul.f32 v30, v20  }
0x304: {  	v31 =	vmul.f32 v36, v21;
	v34 =	vmul.f32 v37, v22  }
0x305: {  	v24 =	vadd.f32 v25, v24;
	v47 =	vadd.f32 v27, v26  }
0x306: {  	v48 =	vadd.f32 v30, v29;
	v49 =	vadd.f32 v34, v31  }
0x307: {  	v50 =	vadd.f32 v33, v32  }
0x308: {  	v24 =	vadd.f32 v47, v24;
	v51 =	vadd.f32 v49, v48  }
0x309: {  	v52 =	vadd.f32 v50, v28  }
0x30a: {  	v24 =	vadd.f32 v51, v24  }
0x30b: {  	(xrf2) =	vadd.scan.msk.f32 $0xffff, v52  }
0x30c: {  	(xrf2) =	vadd.scan.msk.f32 $0xffff, v24;
	_ =	sdelay $0x7  }
0x30d: {  	v24, _, _ =	vpop (xrf2)  }
0x30e: {  	v53, _, _ =	vpop (xrf2)  }
0x30f: {  	v54, _, _ =	vpop (xrf2)  }
0x310: {  	[tilespmem:s25+$0x5] =	vst.msk vm0, v54  }
0x311: {  	v26 =	vld [tilespmem:s29+$0x300]  }
0x312: {  	v55 =	vld [tilespmem:s29+$0x310]  }
0x313: {  	v56 =	vld [tilespmem:s29+$0x320]  }
0x314: {  	v57 =	vld [tilespmem:s29+$0x330]  }
0x315: {  	v58 =	vld [tilespmem:s29+$0x340]  }
0x316: {  	v59 =	vld [tilespmem:s29+$0x350]  }
0x317: {  	v60 =	vld [tilespmem:s29+$0x360]  }
0x318: {  	[tilespmem:s25+$0xFFFFFFFA] =	vst.msk vm0, v53;
	v61 =	vld [tilespmem:s29+$0x370]  }
0x319: {  	v62 =	vld [tilespmem:s29+$0xFFFFFD80]  }
0x31a: {  	v63 =	vld [tilespmem:s29+$0xFFFFFD90];
	v26 =	vmul.f32 v26, v15;
	v27 =	vmul.f32 v55, v16  }
0x31b: {  	v35 =	vld [tilespmem:s29+$0xFFFFFDA0];
	v28 =	vmul.f32 v56, v17;
	v29 =	vmul.f32 v57, v19  }
0x31c: {  	v40 =	vld [tilespmem:s29+$0xFFFFFDB0];
	v30 =	vmul.f32 v58, v18;
	v31 =	vmul.f32 v59, v20  }
0x31d: {  	v41 =	vld [tilespmem:s29+$0xFFFFFDC0];
	v32 =	vmul.f32 v60, v21;
	v25 =	vmul.f32 v61, v22  }
0x31e: {  	v43 =	vld [tilespmem:s29+$0xFFFFFDD0];
	v26 =	vadd.f32 v27, v26;
	v42 =	vadd.f32 v29, v28  }
0x31f: {  	v45 =	vld [tilespmem:s29+$0xFFFFFDE0];
	v44 =	vadd.f32 v31, v30;
	v25 =	vadd.f32 v25, v32  }
0x320: {  	v46 =	vld [tilespmem:s29+$0xFFFFFDF0]  }
0x321: {  	v26 =	vadd.f32 v42, v26;
	v25 =	vadd.f32 v25, v44  }
0x322: {  	v47 =	vmul.f32 v62, v23;
	v48 =	vmul.f32 v63, v10  }
0x323: {  	v49 =	vmul.f32 v35, v8;
	v50 =	vmul.f32 v40, v11;
	v25 =	vadd.f32 v25, v26  }
0x324: {  	v51 =	vmul.f32 v41, v9;
	v28 =	vmul.f32 v43, v13  }
0x325: {  	v52 =	vmul.f32 v45, v12;
	v53 =	vmul.f32 v46, v14;
	(xrf2) =	vadd.scan.msk.f32 $0xffff, v25  }
0x326: {  	v27 =	vadd.f32 v48, v47;
	v28 =	vadd.f32 v28, v51  }
0x327: {  	v26 =	vadd.f32 v50, v49;
	v25 =	vadd.f32 v53, v52;
	_ =	sdelay $0x1  }
0x328: {  	v26 =	vadd.f32 v26, v27;
	v25 =	vadd.f32 v25, v28;
	_ =	sdelay $0x1  }
0x329: {  	v25 =	vadd.f32 v25, v26;
	_ =	sdelay $0x1  }
0x32a: {  	(xrf2) =	vadd.scan.msk.f32 $0xffff, v25;
	_ =	sdelay $0x1  }
0x32b: {  	v54, _, _ =	vpop (xrf2)  }
0x32c: {  	[tilespmem:s25+$0x6] =	vst.msk vm0, v54  }
0x32d: {  	v25 =	vld [tilespmem:s29+$0x380]  }
0x32e: {  	v55 =	vld [tilespmem:s29+$0x390]  }
0x32f: {  	v56 =	vld [tilespmem:s29+$0x3A0]  }
0x330: {  	v57 =	vld [tilespmem:s29+$0x3B0]  }
0x331: {  	v58 =	vld [tilespmem:s29+$0x3C0]  }
0x332: {  	v59 =	vld [tilespmem:s29+$0x3D0]  }
0x333: {  	v60 =	vld [tilespmem:s29+$0x3E0];
	v61, _, _ =	vpop (xrf2)  }
0x334: {  	v62 =	vld [tilespmem:s29+$0x3F0];
	[tilespmem:s25+$0xFFFFFFFB] =	vst.msk vm0, v61  }
0x335: {  	v32 =	vld [tilespmem:s29+$0xFFFFFE00]  }
0x336: {  	v25 =	vmul.f32 v25, v15;
	v26 =	vmul.f32 v55, v16;
	v63 =	vld [tilespmem:s29+$0xFFFFFE10]  }
0x337: {  	v27 =	vmul.f32 v56, v17;
	v28 =	vmul.f32 v57, v19;
	v40 =	vld [tilespmem:s29+$0xFFFFFE20]  }
0x338: {  	v29 =	vmul.f32 v58, v18;
	v30 =	vmul.f32 v59, v20;
	v41 =	vld [tilespmem:s29+$0xFFFFFE30]  }
0x339: {  	v31 =	vmul.f32 v60, v21;
	v33 =	vmul.f32 v62, v22;
	v42 =	vld [tilespmem:s29+$0xFFFFFE40]  }
0x33a: {  	v44 =	vld [tilespmem:s29+$0xFFFFFE50];
	v25 =	vadd.f32 v26, v25;
	v43 =	vadd.f32 v28, v27  }
0x33b: {  	v47 =	vld [tilespmem:s29+$0xFFFFFE60];
	v45 =	vadd.f32 v30, v29;
	v46 =	vadd.f32 v33, v31  }
0x33c: {  	v48 =	vld [tilespmem:s29+$0xFFFFFE70]  }
0x33d: {  	v25 =	vadd.f32 v43, v25;
	v49 =	vadd.f32 v46, v45  }
0x33e: {  	v50 =	vmul.f32 v32, v23;
	v51 =	vmul.f32 v63, v10  }
0x33f: {  	v25 =	vadd.f32 v49, v25;
	v52 =	vmul.f32 v40, v8;
	v53 =	vmul.f32 v41, v11  }
0x340: {  	v54 =	vmul.f32 v42, v9;
	v27 =	vmul.f32 v44, v13  }
0x341: {  	v55 =	vmul.f32 v47, v12;
	v56 =	vmul.f32 v48, v14;
	(xrf2) =	vadd.scan.msk.f32 $0xffff, v25  }
0x342: {  	v28 =	vadd.f32 v51, v50;
	v26 =	vadd.f32 v53, v52  }
0x343: {  	v27 =	vadd.f32 v27, v54;
	v25 =	vadd.f32 v56, v55;
	_ =	sdelay $0x1  }
0x344: {  	v26 =	vadd.f32 v26, v28;
	v25 =	vadd.f32 v25, v27;
	_ =	sdelay $0x1  }
0x345: {  	v25 =	vadd.f32 v25, v26;
	_ =	sdelay $0x1  }
0x346: {  	(xrf2) =	vadd.scan.msk.f32 $0xffff, v25;
	_ =	sdelay $0x1  }
0x347: {  	v57, _, _ =	vpop (xrf2)  }
0x348: {  	[tilespmem:s25+$0x7] =	vst.msk vm0, v57  }
0x349: {  	v25 =	vld [tilespmem:s29+$0x400]  }
0x34a: {  	v58 =	vld [tilespmem:s29+$0x410]  }
0x34b: {  	v59 =	vld [tilespmem:s29+$0x420]  }
0x34c: {  	v60 =	vld [tilespmem:s29+$0x430]  }
0x34d: {  	v61 =	vld [tilespmem:s29+$0x440]  }
0x34e: {  	v62 =	vld [tilespmem:s29+$0x450]  }
0x34f: {  	v63 =	vld [tilespmem:s29+$0x460];
	v40, _, _ =	vpop (xrf2)  }
0x350: {  	v41 =	vld [tilespmem:s29+$0x470];
	[tilespmem:s25+$0xFFFFFFFC] =	vst.msk vm0, v40  }
0x351: {  	v32 =	vld [tilespmem:s29+$0xFFFFFE80]  }
0x352: {  	v25 =	vmul.f32 v25, v15;
	v26 =	vmul.f32 v58, v16;
	v42 =	vld [tilespmem:s29+$0xFFFFFE90]  }
0x353: {  	v27 =	vmul.f32 v59, v17;
	v28 =	vmul.f32 v60, v19;
	v43 =	vld [tilespmem:s29+$0xFFFFFEA0]  }
0x354: {  	v29 =	vmul.f32 v61, v18;
	v30 =	vmul.f32 v62, v20;
	v44 =	vld [tilespmem:s29+$0xFFFFFEB0]  }
0x355: {  	v31 =	vmul.f32 v63, v21;
	v33 =	vmul.f32 v41, v22;
	v45 =	vld [tilespmem:s29+$0xFFFFFEC0]  }
0x356: {  	v47 =	vld [tilespmem:s29+$0xFFFFFED0];
	v25 =	vadd.f32 v26, v25;
	v46 =	vadd.f32 v28, v27  }
0x357: {  	v50 =	vld [tilespmem:s29+$0xFFFFFEE0];
	v48 =	vadd.f32 v30, v29;
	v49 =	vadd.f32 v33, v31  }
0x358: {  	v51 =	vld [tilespmem:s29+$0xFFFFFEF0]  }
0x359: {  	v25 =	vadd.f32 v46, v25;
	v52 =	vadd.f32 v49, v48  }
0x35a: {  	v53 =	vmul.f32 v32, v23;
	v54 =	vmul.f32 v42, v10  }
0x35b: {  	v25 =	vadd.f32 v52, v25;
	v55 =	vmul.f32 v43, v8;
	v56 =	vmul.f32 v44, v11  }
0x35c: {  	v57 =	vmul.f32 v45, v9;
	v27 =	vmul.f32 v47, v13  }
0x35d: {  	v58 =	vmul.f32 v50, v12;
	v59 =	vmul.f32 v51, v14;
	(xrf2) =	vadd.scan.msk.f32 $0xffff, v25  }
0x35e: {  	v28 =	vadd.f32 v54, v53;
	v26 =	vadd.f32 v56, v55  }
0x35f: {  	v27 =	vadd.f32 v27, v57;
	v25 =	vadd.f32 v59, v58;
	_ =	sdelay $0x1  }
0x360: {  	v26 =	vadd.f32 v26, v28;
	v25 =	vadd.f32 v25, v27;
	_ =	sdelay $0x1  }
0x361: {  	v25 =	vadd.f32 v25, v26;
	_ =	sdelay $0x1  }
0x362: {  	(xrf2) =	vadd.scan.msk.f32 $0xffff, v25;
	_ =	sdelay $0x1  }
0x363: {  	v60, _, _ =	vpop (xrf2)  }
0x364: {  	[tilespmem:s25+$0x8] =	vst.msk vm0, v60  }
0x365: {  	v25 =	vld [tilespmem:s29+$0x480]  }
0x366: {  	v61 =	vld [tilespmem:s29+$0x490]  }
0x367: {  	v62 =	vld [tilespmem:s29+$0x4A0]  }
0x368: {  	v63 =	vld [tilespmem:s29+$0x4B0]  }
0x369: {  	v40 =	vld [tilespmem:s29+$0x4C0]  }
0x36a: {  	v41 =	vld [tilespmem:s29+$0x4D0]  }
0x36b: {  	v42 =	vld [tilespmem:s29+$0x4E0];
	v43, _, _ =	vpop (xrf2)  }
0x36c: {  	v44 =	vld [tilespmem:s29+$0x4F0];
	[tilespmem:s25+$0xFFFFFFFD] =	vst.msk vm0, v43  }
0x36d: {  	v32 =	vld [tilespmem:s29+$0xFFFFFF00]  }
0x36e: {  	v45 =	vld [tilespmem:s29+$0xFFFFFF10]  }
0x36f: {  	v46 =	vld [tilespmem:s29+$0xFFFFFF20]  }
0x370: {  	v47 =	vld [tilespmem:s29+$0xFFFFFF30]  }
0x371: {  	v48 =	vld [tilespmem:s29+$0xFFFFFF40]  }
0x372: {  	v49 =	vmul.f32 v25, v15;
	v50 =	vmul.f32 v61, v16;
	v51 =	vld [tilespmem:s29+$0xFFFFFF50]  }
0x373: {  	v52 =	vmul.f32 v62, v17;
	v53 =	vmul.f32 v63, v19;
	v54 =	vld [tilespmem:s29+$0xFFFFFF60]  }
0x374: {  	v55 =	vmul.f32 v40, v18;
	v56 =	vmul.f32 v41, v20;
	v57 =	vld [tilespmem:s29+$0xFFFFFF70]  }
0x375: {  	v58 =	vmul.f32 v42, v21;
	v59 =	vmul.f32 v44, v22  }
0x376: {  	v15 =	vadd.f32 v50, v49;
	v60 =	vmul.f32 v32, v23;
	v61 =	vmul.f32 v45, v10  }
0x377: {  	v17 =	vadd.f32 v53, v52;
	v62 =	vmul.f32 v46, v8;
	v63 =	vmul.f32 v47, v11  }
0x378: {  	v18 =	vadd.f32 v56, v55;
	v30 =	vmul.f32 v48, v9;
	v25 =	vmul.f32 v51, v13  }
0x379: {  	v21 =	vadd.f32 v59, v58;
	v31 =	vmul.f32 v54, v12;
	v32 =	vmul.f32 v57, v14  }
0x37a: {  	v16 =	vadd.f32 v61, v60;
	v19 =	vadd.f32 v63, v62  }
0x37b: {  	v20 =	vadd.f32 v25, v30;
	v22 =	vadd.f32 v32, v31  }
0x37c: {  	v15 =	vadd.f32 v17, v15;
	v33 =	vadd.f32 v21, v18  }
0x37d: {  	v16 =	vadd.f32 v19, v16;
	v34 =	vadd.f32 v22, v20  }
0x37e: {  	v15 =	vadd.f32 v33, v15  }
0x37f: {  	v16 =	vadd.f32 v34, v16  }
0x380: {  	(xrf2) =	vadd.scan.msk.f32 $0xffff, v15  }
0x381: {  	(xrf2) =	vadd.scan.msk.f32 $0xffff, v16;
	_ =	sdelay $0x3  }
0x382: {  	v38 =	vld [tilespmem:s23+$0xFFFFFFB0]  }
0x383: {  	v39 =	vld [tilespmem:s23+$0xFFFFFFC0]  }
0x384: {  	v36 =	vld [tilespmem:s23+$0xFFFFFF90]  }
0x385: {  	v37 =	vld [tilespmem:s23+$0xFFFFFFA0]  }
0x386: {  	v35 =	vld [tilespmem:s23+$0xFFFFFF80]  }
0x387: {  	v41 =	vld [tilespmem:s23+$0xFFFFFFD0];
	v40, _, _ =	vpop (xrf2)  }
0x388: {  	v42 =	vld [tilespmem:s23+$0xFFFFFFE0];
	v43, _, _ =	vpop (xrf2)  }
0x389: {  	v44 =	vld [tilespmem:s23+$0xFFFFFFF0];
	[tilespmem:s25+$0xFFFFFFFE] =	vst.msk vm0, v43  }
0x38a: {  	v25 =	vld [tilespmem:s29+$0xFFFFFF80]  }
0x38b: {  	v45 =	vld [tilespmem:s29+$0xFFFFFF90]  }
0x38c: {  	v46 =	vld [tilespmem:s29+$0xFFFFFFA0]  }
0x38d: {  	v47 =	vld [tilespmem:s29+$0xFFFFFFB0]  }
0x38e: {  	v48 =	vld [tilespmem:s29+$0xFFFFFFC0]  }
0x38f: {  	v2 =	vmul.f32 v38, v2;
	v3 =	vmul.f32 v39, v3;
	v49 =	vld [tilespmem:s29+$0xFFFFFFD0]  }
0x390: {  	v0 =	vmul.f32 v36, v0;
	v1 =	vmul.f32 v37, v1;
	v50 =	vld [tilespmem:s29+$0xFFFFFFE0]  }
0x391: {  	v7 =	vmul.f32 v35, v7;
	v4 =	vmul.f32 v41, v4;
	v51 =	vld [tilespmem:s29+$0xFFFFFFF0]  }
0x392: {  	v5 =	vmul.f32 v42, v5;
	v6 =	vmul.f32 v44, v6  }
0x393: {  	v1 =	vadd.f32 v2, v1;
	v52 =	vmul.f32 v25, v23;
	v53 =	vmul.f32 v45, v10  }
0x394: {  	v0 =	vadd.f32 v0, v7;
	v54 =	vmul.f32 v46, v8;
	v55 =	vmul.f32 v47, v11  }
0x395: {  	v3 =	vadd.f32 v4, v3;
	v56 =	vmul.f32 v48, v9;
	v57 =	vmul.f32 v49, v13  }
0x396: {  	v5 =	vadd.f32 v6, v5;
	v58 =	vmul.f32 v50, v12;
	v59 =	vmul.f32 v51, v14  }
0x397: {  	v7 =	vadd.f32 v53, v52;
	v2 =	vadd.f32 v55, v54  }
0x398: {  	v4 =	vadd.f32 v57, v56;
	v6 =	vadd.f32 v59, v58  }
0x399: {  	v0 =	vadd.f32 v1, v0;
	v60 =	vadd.f32 v5, v3  }
0x39a: {  	v2 =	vadd.f32 v2, v7;
	v61 =	vadd.f32 v6, v4  }
0x39b: {  	v0 =	vadd.f32 v60, v0  }
0x39c: {  	v62 =	vadd.f32 v61, v2  }
0x39d: {  	(xrf2) =	vadd.scan.msk.f32 $0xffff, v0  }
0x39e: {  	(xrf2) =	vadd.scan.msk.f32 $0xffff, v62;
	_ =	sdelay $0x5  }
0x39f: {  	p3 =	sgt.u32 s21, $0x5F  }
.Ltmp9:
0x3a0: {  	_ = 	snop;
	(pc) =	sbr.rel @p3 .LBB2_11-.Ltmp9, $4  }
0x3a1: {  	[tilespmem:s28+$0xFFFFFFFF] =	vst.msk vm0, v24  }
0x3a2: {  	[tilespmem:s25+$0x9] =	vst.msk vm0, v40;
	v0, _, _ =	vpop (xrf2)  }
0x3a3: {  	[tilespmem:s24+$0xFFFFFFFF] =	vst.msk vm0, v0;
	v63, _, _ =	vpop (xrf2)  }
0x3a4: {  	[tilespmem:s25+$0xFFFFFFFF] =	vst.msk vm0, v63  }
0x3a5: {  	p3 =	sne.s32 s22, $0x0  }
0x3a6: {  	s22 =	sadd.s32 @!p3 $0x4, s21  }
0x3a7: {  	s23 =	smul.u32 @!p3 $0x280, s22;
	s22 =	sshll.u32 @!p3 s22, $0xB  }
0x3a8: {  	s24 =	simm.s32 @!p3 $0x80;
	s22 =	sadd.s32 @!p3 s10, s22  }
0x3a9: {  	s25 =	simm.s32 @!p3 $0x7D80;
	s23 =	sshra.s32 @!p3 s23, $0x2;
	s22 =	sshrl.u32 @!p3 s22, $0x3  }
0x3aa: {  	[tilespmem:s25], [sflag:$0x1] =	stream.indirect.gather @!p3 [hbm4b:s3+s24], $0x80, s23, s24, $0xb8;
	[tilespmem:$0x1DD80] =	vst v63  }
0x3ab: {  	s23 =	sadd.s32 @!p3 $0x80, s23;
	s24 =	simm.s32 @!p3 $0x20;
	s25 =	simm.s32 @!p3 $0xBD80  }
0x3ac: {  	[tilespmem:s25], [sflag:$0x1] =	stream.indirect.gather @!p3 [hbm4b:s3+s24], $0x80, s23, s24, $0xb8;
	[tilespmem:$0x1DD80] =	vst v63  }
0x3ad: {  	s22 =	sadd.s32 @!p3 s2, s22;
	s23 =	sadd.s32 @p2 $0x4, s21  }
0x3ae: {  	s24 =	simm.s32 @!p3 $0x0;
	s25 =	simm.s32 @!p3 $0x1BD80;
	s26 =	smul.u32 @p2 $0x280, s23  }
0x3af: {  	[tilespmem:s25], [sflag:$0x5] =	stream.linear.gather @!p3 [hbm4b:s22+s24], $0x800, $0x38;
	[tilespmem:$0x1DD80] =	vst v63  }
0x3b0: {  	s24 =	simm.s32 @p2 $0x80;
	s25 =	simm.s32 @p2 $0xCD80;
	s22 =	sshra.s32 @p2 s26, $0x2  }
0x3b1: {  	[tilespmem:s25], [sflag:$0x2] =	stream.indirect.gather @p2 [hbm4b:s3+s24], $0x80, s22, s24, $0xb8;
	[tilespmem:$0x1DD80] =	vst v63  }
0x3b2: {  	s22 =	sadd.s32 @p2 $0x80, s22;
	s24 =	simm.s32 @p2 $0x20;
	s25 =	simm.s32 @p2 $0x10D80  }
0x3b3: {  	[tilespmem:s25], [sflag:$0x2] =	stream.indirect.gather @p2 [hbm4b:s3+s24], $0x80, s22, s24, $0xb8;
	[tilespmem:$0x1DD80] =	vst v63  }
0x3b4: {  	s22 =	sshll.u32 @p2 s23, $0xB  }
0x3b5: {  	s22 =	sadd.s32 @p2 s10, s22  }
0x3b6: {  	s23 =	sadd.s32 @p1 $0x4, s21;
	s24 =	simm.s32 @p2 $0x0;
	s22 =	sshrl.u32 @p2 s22, $0x3  }
0x3b7: {  	s25 =	simm.s32 @p2 $0x1C580;
	s26 =	smul.u32 @p1 $0x280, s23;
	s22 =	sadd.s32 @p2 s2, s22  }
0x3b8: {  	[tilespmem:s25], [sflag:$0x6] =	stream.linear.gather @p2 [hbm4b:s22+s24], $0x800, $0x38;
	[tilespmem:$0x1DD80] =	vst v63  }
0x3b9: {  	s22 =	sshra.s32 @p1 s26, $0x2;
	s24 =	simm.s32 @p1 $0x80;
	s25 =	simm.s32 @p1 $0x11D80  }
0x3ba: {  	[tilespmem:s25], [sflag:$0x3] =	stream.indirect.gather @p1 [hbm4b:s3+s24], $0x80, s22, s24, $0xb8;
	[tilespmem:$0x1DD80] =	vst v63  }
0x3bb: {  	s22 =	sadd.s32 @p1 $0x80, s22;
	s24 =	simm.s32 @p1 $0x20;
	s25 =	simm.s32 @p1 $0x15D80  }
0x3bc: {  	[tilespmem:s25], [sflag:$0x3] =	stream.indirect.gather @p1 [hbm4b:s3+s24], $0x80, s22, s24, $0xb8;
	[tilespmem:$0x1DD80] =	vst v63  }
0x3bd: {  	s22 =	sshll.u32 @p1 s23, $0xB  }
0x3be: {  	s22 =	sadd.s32 @p1 s10, s22  }
0x3bf: {  	s23 =	sadd.s32 @p0 $0x4, s21;
	s24 =	simm.s32 @p1 $0x0;
	s22 =	sshrl.u32 @p1 s22, $0x3  }
0x3c0: {  	s25 =	simm.s32 @p1 $0x1CD80;
	s26 =	smul.u32 @p0 $0x280, s23;
	s22 =	sadd.s32 @p1 s2, s22  }
0x3c1: {  	[tilespmem:s25], [sflag:$0x7] =	stream.linear.gather @p1 [hbm4b:s22+s24], $0x800, $0x38;
	[tilespmem:$0x1DD80] =	vst v63  }
0x3c2: {  	s22 =	sshra.s32 @p0 s26, $0x2;
	s24 =	simm.s32 @p0 $0x80;
	s25 =	simm.s32 @p0 $0x16D80  }
0x3c3: {  	[tilespmem:s25], [sflag:$0x4] =	stream.indirect.gather @p0 [hbm4b:s3+s24], $0x80, s22, s24, $0xb8;
	[tilespmem:$0x1DD80] =	vst v63  }
0x3c4: {  	s22 =	sadd.s32 @p0 $0x80, s22;
	s24 =	simm.s32 @p0 $0x20;
	s25 =	simm.s32 @p0 $0x1AD80  }
0x3c5: {  	[tilespmem:s25], [sflag:$0x4] =	stream.indirect.gather @p0 [hbm4b:s3+s24], $0x80, s22, s24, $0xb8;
	[tilespmem:$0x1DD80] =	vst v63  }
.Ltmp10:
0x3c6: {  	s22 =	sshll.u32 @p0 s23, $0xB;
	(pc) =	sbr.rel .LBB2_11-.Ltmp10, $4  }
0x3c7: {  	s22 =	sadd.s32 @p0 s10, s22  }
0x3c8: {  	s22 =	sshrl.u32 @p0 s22, $0x3  }
0x3c9: {  	s23 =	simm.s32 @p0 $0x0;
	s24 =	simm.s32 @p0 $0x1D580;
	s22 =	sadd.s32 @p0 s2, s22  }
0x3ca: {  	[tilespmem:s24], [sflag:$0x8] =	stream.linear.gather @p0 [hbm4b:s22+s23], $0x800, $0x38;
	[tilespmem:$0x1DD80] =	vst v63  }
.LBB2_13:
0x3cb: {  	_ =	sfence.sel $0x180000  }
0x3cc: {  	[bflag:$0x0] =	sbarrier.arrive $0xFFFF  }
0x3cd: {  	_ =	strace $0x90000047  }
0x3ce: {  	s0 =	stileid.u32;
	[bflag:$0x2] =	sbarrier.arrive $0xFFFF  }
0x3cf: {  	p0 =	sne.s32 s0, $0x0;
	s0 =	rddreg [dreg:$0x3]  }
0x3d0: {  	s0 =	sadd.s32 @!p0 $0x100000, s0  }
0x3d1: {  	[sflag:s0] =	ssyncadd.tile.s32 @!p0 $0x1;
	_ =	shalt  }
.Lfunc_end2:
_tile_overlayer_lowered:
.L_overlay_start_2:
0x3d2: {  	(tag) =	ssettag $0x2  }
0x3d3: {  	s0 =	rddreg [dreg:$0x0];
	s2 =	stileid.u32  }
0x3d4: {  	s1 =	rddreg [dreg:$0x1];
	p0 =	sne.s32 s2, $0x0  }
0x3d5: {  	s3 =	rddreg [dreg:$0x2];
	[bflag:$0x3] =	sbarrier.arrive $0xFFFF;
	s2 =	simm.s32 @!p0 $0x1C09  }
0x3d6: {  	[timem:s3], [sflag:s2] =	dma.local @!p0 [hbm:s0], s1  }
0x3d7: {  	s0 =	simm.s32 @!p0 $0x9  }
0x3d8: {  	_ =	swait.ge @!p0 [sflag:s0], s1  }
0x3d9: {  	s1 =	ssub.s32 @!p0 $0x0, s1;
	[sflag:s0] =	ssyncset.done @!p0 $0x0  }
0x3da: {  	[sflag:s0] =	ssyncadd.s32 @!p0 s1  }
0x3db: {  	[bflag:$0x3] =	sbarrier.arrive $0xFFFF  }
0x3dc: {  	_ =	shalt  }

</sc_bundles>
